<compile_context>
chip_gen: v7x
topology: tpu7x:2x2x1
jax: 0.10.2.dev20260603
libtpu: 0.0.44.dev20260713+nightly
codegen_flags: <defaults>
</compile_context>

<pallas_src>
import functools

import jax
import jax.numpy as jnp
from jax import lax
from jax.experimental import pallas as pl
from jax.experimental.pallas import tpu as pltpu
from jax.experimental.pallas import tpu_sc as plsc

H = 128
ED = 16
N = 10000
E = 320000

NC = 2
NS = 16
NW = NC * NS
EB = 56
N_PAD = 10112
R_SUB = N_PAD // NS
BLOCKS_PER_W = 180
CHUNK = 2
NCH = BLOCKS_PER_W // CHUNK
E_PAD = NW * BLOCKS_PER_W * EB


def _pq_body(x_ref, w_ref, o_ref):
    o_ref[0] = jnp.dot(x_ref[...], w_ref[0], preferred_element_type=jnp.float32)


def _stage_pq(x_pad, w1ba):
    return pl.pallas_call(
        _pq_body,
        grid=(2,),
        in_specs=[
            pl.BlockSpec((N_PAD, H), lambda i: (0, 0)),
            pl.BlockSpec((1, H, H), lambda i: (i, 0, 0)),
        ],
        out_specs=pl.BlockSpec((1, N_PAD, H), lambda i: (i, 0, 0)),
        out_shape=jax.ShapeDtypeStruct((2, N_PAD, H), jnp.float32),
    )(x_pad, w1ba)


def _r_body(ea_ref, w_ref, b_ref, o_ref):
    o_ref[...] = (
        jnp.dot(ea_ref[...], w_ref[...], preferred_element_type=jnp.float32)
        + b_ref[...]
    )


def _stage_r(ea_pad, w1c, b1):
    eb = 3584
    return pl.pallas_call(
        _r_body,
        grid=(E_PAD // eb,),
        in_specs=[
            pl.BlockSpec((eb, ED), lambda i: (i, 0)),
            pl.BlockSpec((ED, H), lambda i: (0, 0)),
            pl.BlockSpec((1, H), lambda i: (0, 0)),
        ],
        out_specs=pl.BlockSpec((eb, H), lambda i: (i, 0)),
        out_shape=jax.ShapeDtypeStruct((E_PAD, H), jnp.float32),
    )(ea_pad, w1c, b1.reshape(1, H))


def _sc_body(pq_hbm, r_hbm, srcg_hbm, tgt_hbm, v_hbm, out_hbm,
             srcg_v, tgt_v, a_v, b_v, c_v, v_v, acc,
             sem0, sem1, sem_i):
    c = lax.axis_index("c")
    s = lax.axis_index("s")
    w = s * NC + c
    sems = (sem0, sem1)
    NB = BLOCKS_PER_W

    pltpu.sync_copy(v_hbm, v_v)

    def _zrow(i, carry):
        for j in range(H // 16):
            c_v[0, i, pl.ds(j * 16, 16)] = jnp.zeros((16,), jnp.float32)
        return carry

    lax.fori_loop(0, EB, _zrow, 0)
    r0 = s * R_SUB
    for k in range(R_SUB // EB):
        pltpu.sync_copy(c_v.at[0], acc.at[pl.ds(r0 + k * EB, EB)])
    rem = R_SUB - (R_SUB // EB) * EB
    if rem:
        pltpu.sync_copy(c_v.at[0, pl.ds(0, rem)],
                        acc.at[pl.ds(r0 + (R_SUB // EB) * EB, rem)])
    plsc.subcore_barrier()

    vjs = [v_v[pl.ds(j * 16, 16)] for j in range(H // 16)]

    pltpu.sync_copy(srcg_hbm.at[w, pl.ds(0, CHUNK)], srcg_v.at[0])
    pltpu.sync_copy(tgt_hbm.at[w, pl.ds(0, CHUNK)], tgt_v.at[0])
    pltpu.async_copy(srcg_hbm.at[w, pl.ds(CHUNK, CHUNK)], srcg_v.at[1], sem_i)
    pltpu.async_copy(tgt_hbm.at[w, pl.ds(CHUNK, CHUNK)], tgt_v.at[1], sem_i)
    for p in range(CHUNK):
        pltpu.async_copy(pq_hbm.at[srcg_v.at[0, p]], a_v.at[p], sems[p])
        pltpu.async_copy(pq_hbm.at[tgt_v.at[0, p]], b_v.at[p], sems[p])
        pltpu.async_copy(r_hbm.at[w, p], c_v.at[p], sems[p])

    def _chunk(ch, carry):
        cur = lax.rem(ch, 3)
        nxt = lax.rem(ch + 1, 3)
        for p in range(CHUNK):
            bi = ch * CHUNK + p
            pltpu.make_async_copy(pq_hbm.at[srcg_v.at[cur, p]], a_v.at[p],
                                  sems[p]).wait()
            pltpu.make_async_copy(pq_hbm.at[tgt_v.at[cur, p]], b_v.at[p],
                                  sems[p]).wait()
            pltpu.make_async_copy(r_hbm.at[w, bi], c_v.at[p], sems[p]).wait()

            def _row(i, carry2):
                for j in range(H // 16):
                    sl = pl.ds(j * 16, 16)
                    t = a_v[p, i, sl] + b_v[p, i, sl] + c_v[p, i, sl]
                    c_v[p, i, sl] = t / (1.0 + jnp.exp(-t)) + vjs[j]
                return carry2

            lax.fori_loop(0, EB, _row, 0)
            pltpu.sync_copy(c_v.at[p], acc.at[tgt_v.at[cur, p]], add=True)

            if p == 0:
                pltpu.make_async_copy(
                    srcg_hbm.at[w, pl.ds(0, CHUNK)], srcg_v.at[nxt],
                    sem_i).wait()
                pltpu.make_async_copy(
                    tgt_hbm.at[w, pl.ds(0, CHUNK)], tgt_v.at[nxt],
                    sem_i).wait()
                ch2 = jnp.minimum(ch + 2, NCH - 1)
                nn = lax.rem(ch + 2, 3)
                pltpu.async_copy(srcg_hbm.at[w, pl.ds(ch2 * CHUNK, CHUNK)],
                                 srcg_v.at[nn], sem_i)
                pltpu.async_copy(tgt_hbm.at[w, pl.ds(ch2 * CHUNK, CHUNK)],
                                 tgt_v.at[nn], sem_i)

            bn = jnp.minimum(bi + CHUNK, NB - 1)
            pltpu.async_copy(pq_hbm.at[srcg_v.at[nxt, p]], a_v.at[p], sems[p])
            pltpu.async_copy(pq_hbm.at[tgt_v.at[nxt, p]], b_v.at[p], sems[p])
            pltpu.async_copy(r_hbm.at[w, bn], c_v.at[p], sems[p])
        return carry

    lax.fori_loop(0, NCH, _chunk, 0)

    for p in range(CHUNK):
        pltpu.make_async_copy(pq_hbm.at[srcg_v.at[0, p]], a_v.at[p],
                              sems[p]).wait()
        pltpu.make_async_copy(pq_hbm.at[tgt_v.at[0, p]], b_v.at[p],
                              sems[p]).wait()
        pltpu.make_async_copy(r_hbm.at[w, p], c_v.at[p], sems[p]).wait()
    pltpu.make_async_copy(srcg_hbm.at[w, pl.ds(0, CHUNK)], srcg_v.at[0],
                          sem_i).wait()
    pltpu.make_async_copy(tgt_hbm.at[w, pl.ds(0, CHUNK)], tgt_v.at[0],
                          sem_i).wait()
    plsc.subcore_barrier()

    pltpu.sync_copy(acc.at[pl.ds(r0, R_SUB)],
                    out_hbm.at[c, pl.ds(r0, R_SUB)])


def _stage_sc(pq, r, srcg, tgt, v):
    mesh = plsc.VectorSubcoreMesh(core_axis_name="c", subcore_axis_name="s",
                                  num_cores=NC, num_subcores=NS)
    f = pl.kernel(
        _sc_body,
        out_type=jax.ShapeDtypeStruct((NC, N_PAD, H), jnp.float32),
        mesh=mesh,
        scratch_types=[
            pltpu.VMEM((3, CHUNK, EB), jnp.int32),
            pltpu.VMEM((3, CHUNK, EB), jnp.int32),
            pltpu.VMEM((2, EB, H), jnp.float32),
            pltpu.VMEM((2, EB, H), jnp.float32),
            pltpu.VMEM((2, EB, H), jnp.float32),
            pltpu.VMEM((H,), jnp.float32),
            pltpu.VMEM_SHARED((N_PAD, H), jnp.float32),
            pltpu.SemaphoreType.DMA,
            pltpu.SemaphoreType.DMA,
            pltpu.SemaphoreType.DMA,
        ],
    )
    return f(pq, r.reshape(NW, BLOCKS_PER_W, EB, H), srcg, tgt, v)


def _post_body(p_ref, x_ref, w2_ref, u1a_ref, u1b_ref, ub1_ref,
               u2_ref, ub2_ref, g_ref, bb_ref, o_ref):
    msum = p_ref[0] + p_ref[1]
    agg = jnp.dot(msum, w2_ref[...], preferred_element_type=jnp.float32)
    x = x_ref[...]
    pre = (jnp.dot(x, u1a_ref[...], preferred_element_type=jnp.float32)
           + jnp.dot(agg, u1b_ref[...], preferred_element_type=jnp.float32)
           + ub1_ref[...])
    h = pre * jax.nn.sigmoid(pre)
    upd = jnp.dot(h, u2_ref[...], preferred_element_type=jnp.float32) + ub2_ref[...]
    y = x + upd
    mean = jnp.mean(y, axis=-1, keepdims=True)
    var = jnp.mean((y - mean) ** 2, axis=-1, keepdims=True)
    y = (y - mean) * lax.rsqrt(var + 1e-5)
    o_ref[...] = y * g_ref[...] + bb_ref[...]


def _stage_post(parts, x, W2, U1, ub1, U2, ub2, ln_g, ln_b):
    nb = 2000
    row = lambda a: a.reshape(1, H)
    return pl.pallas_call(
        _post_body,
        grid=(N // nb,),
        in_specs=[
            pl.BlockSpec((NC, nb, H), lambda i: (0, i, 0)),
            pl.BlockSpec((nb, H), lambda i: (i, 0)),
            pl.BlockSpec((H, H), lambda i: (0, 0)),
            pl.BlockSpec((H, H), lambda i: (0, 0)),
            pl.BlockSpec((H, H), lambda i: (0, 0)),
            pl.BlockSpec((1, H), lambda i: (0, 0)),
            pl.BlockSpec((H, H), lambda i: (0, 0)),
            pl.BlockSpec((1, H), lambda i: (0, 0)),
            pl.BlockSpec((1, H), lambda i: (0, 0)),
            pl.BlockSpec((1, H), lambda i: (0, 0)),
        ],
        out_specs=pl.BlockSpec((nb, H), lambda i: (i, 0)),
        out_shape=jax.ShapeDtypeStruct((N, H), jnp.float32),
    )(parts, x, W2, U1[:H], U1[H:], row(ub1), U2, row(ub2),
      row(ln_g), row(ln_b))


def kernel(x, edge_index, edge_attr, W1, b1, W2, b2, U1, ub1, U2, ub2,
           ln_g, ln_b):
    src = edge_index[0].astype(jnp.int32)
    tgt = edge_index[1].astype(jnp.int32)

    pad_e = E_PAD - E
    srcg = jnp.concatenate([src + N_PAD, jnp.full((pad_e,), N_PAD + N, jnp.int32)])
    tgtv = jnp.concatenate([tgt, jnp.full((pad_e,), N, jnp.int32)])
    srcg = srcg.reshape(NW, BLOCKS_PER_W, EB)
    tgtv = tgtv.reshape(NW, BLOCKS_PER_W, EB)

    ea_pad = jnp.concatenate(
        [edge_attr, jnp.zeros((pad_e, ED), jnp.float32)])
    x_pad = jnp.concatenate([x, jnp.zeros((N_PAD - N, H), jnp.float32)])

    w1ba = jnp.stack([W1[H:2 * H], W1[:H]])
    pq = _stage_pq(x_pad, w1ba).reshape(2 * N_PAD, H)
    r = _stage_r(ea_pad, W1[2 * H:], b1)
    v = jnp.linalg.solve(W2.T, b2)
    parts = _stage_sc(pq, r, srcg, tgtv, v)
    return _stage_post(parts[:, :N, :], x, W2, U1, ub1, U2, ub2,
                       ln_g, ln_b)

# --- scband reference (transcript-rebuilt; emitter-appended) ---
"""Pipeline reference for scband-fallback-message-passing-layer-10496900071648 (READ-ONLY COPY).

The authoritative reference and input builder live on the scoring server;
editing this copy changes nothing except your own understanding.
"""

import jax, jax.numpy as jnp
import numpy as np

H = 128
ED = 16
N = 10000
E = 320000

def _silu(x):
    return x * jax.nn.sigmoid(x)

def setup_inputs(seed: int = 0) -> dict:
    key = jax.random.key(seed)
    ks = jax.random.split(key, 16)
    x = jax.random.normal(ks[0], (N, H), dtype=jnp.float32)
    edge_index = jax.random.randint(ks[1], (2, E), 0, N, dtype=jnp.int64)
    edge_attr = jax.random.normal(ks[2], (E, ED), dtype=jnp.float32)
    d_in_msg = H * 2 + ED
    d_in_upd = H * 2
    W1 = jax.random.normal(ks[3], (d_in_msg, H), dtype=jnp.float32) * (1.0 / np.sqrt(d_in_msg))
    b1 = jnp.zeros((H,), dtype=jnp.float32)
    W2 = jax.random.normal(ks[4], (H, H), dtype=jnp.float32) * (1.0 / np.sqrt(H))
    b2 = jnp.zeros((H,), dtype=jnp.float32)
    U1 = jax.random.normal(ks[5], (d_in_upd, H), dtype=jnp.float32) * (1.0 / np.sqrt(d_in_upd))
    ub1 = jnp.zeros((H,), dtype=jnp.float32)
    U2 = jax.random.normal(ks[6], (H, H), dtype=jnp.float32) * (1.0 / np.sqrt(H))
    ub2 = jnp.zeros((H,), dtype=jnp.float32)
    ln_g = jnp.ones((H,), dtype=jnp.float32)
    ln_b = jnp.zeros((H,), dtype=jnp.float32)
    return {"x": x, "edge_index": edge_index, "edge_attr": edge_attr,
            "W1": W1, "b1": b1, "W2": W2, "b2": b2,
            "U1": U1, "ub1": ub1, "U2": U2, "ub2": ub2,
            "ln_g": ln_g, "ln_b": ln_b}

def reference(x, edge_index, edge_attr, W1, b1, W2, b2, U1, ub1, U2, ub2, ln_g, ln_b):
    source = edge_index[0]
    target = edge_index[1]
    m_in = jnp.concatenate([jnp.take(x, source, axis=0), jnp.take(x, target, axis=0), edge_attr], axis=-1)
    h = _silu(m_in @ W1 + b1)
    messages = h @ W2 + b2
    aggregated = jnp.zeros_like(x).at[target].add(messages)
    u_in = jnp.concatenate([x, aggregated], axis=-1)
    updated = _silu(u_in @ U1 + ub1) @ U2 + ub2
    y = x + updated
    mean = jnp.mean(y, axis=-1, keepdims=True)
    var = jnp.var(y, axis=-1, keepdims=True)
    y = (y - mean) / jnp.sqrt(var + 1e-5)
    return y * ln_g + ln_b

if __name__ == "__main__":
    import jax
    _d = setup_inputs()
    print(jax.jit(kernel)(*tuple(_d.values())))

</pallas_src>

<mosaic_0001>
#map = affine_map<(d0, d1) -> (0, 0)>
#map1 = affine_map<(d0, d1) -> (0, 0, 0, 0)>
#map2 = affine_map<(d0, d1) -> (0, 0, 0)>
#map3 = affine_map<(d0, d1) -> (0)>
module attributes {stable_mosaic.version = 14 : i64} {
  func.func @_sc_body(%arg0: i32, %arg1: i32, %arg2: memref<20224x128xf32, #tpu.memory_space<hbm>>, %arg3: memref<32x180x56x128xf32, #tpu.memory_space<hbm>>, %arg4: memref<32x180x56xi32, #tpu.memory_space<hbm>>, %arg5: memref<32x180x56xi32, #tpu.memory_space<hbm>>, %arg6: memref<128xf32, #tpu.memory_space<hbm>>, %arg7: memref<2x10112x128xf32, #tpu.memory_space<hbm>>, %arg8: memref<3x2x56xi32, #tpu.memory_space<vmem>>, %arg9: memref<3x2x56xi32, #tpu.memory_space<vmem>>, %arg10: memref<2x56x128xf32, #tpu.memory_space<vmem>>, %arg11: memref<2x56x128xf32, #tpu.memory_space<vmem>>, %arg12: memref<2x56x128xf32, #tpu.memory_space<vmem>>, %arg13: memref<128xf32, #tpu.memory_space<vmem>>, %arg14: memref<10112x128xf32, #tpu.memory_space<vmem_shared>>, %arg15: memref<!tpu.dma_semaphore, #tpu.memory_space<semaphore_mem>>, %arg16: memref<!tpu.dma_semaphore, #tpu.memory_space<semaphore_mem>>, %arg17: memref<!tpu.dma_semaphore, #tpu.memory_space<semaphore_mem>>) attributes {dimension_semantics = [#tpu.dimension_semantics<core_parallel>, #tpu.dimension_semantics<subcore_parallel>], iteration_bounds = array<i64: 2, 16>, scalar_prefetch = 0 : i64, scratch_operands = 10 : i64, tpu.core_type = #tpu.core_type<sc_vector_subcore>, window_params = [{transform_indices = #map}, {transform_indices = #map1}, {transform_indices = #map2}, {transform_indices = #map2}, {transform_indices = #map3}, {transform_indices = #map2}]} {
    %mul3A = arith.constant 2 : i32
    %mul3A_0 = arith.muli %arg1, %mul3A : i32
    %add3A = arith.addi %mul3A_0, %arg0 : i32
    "tpu.region"() ({
      %run_scoped3A_317 = tpu.sem_alloc : memref<!tpu.dma_semaphore, #tpu.memory_space<semaphore_mem>>
      tpu.enqueue_dma source(%arg6 : memref<128xf32, #tpu.memory_space<hbm>>) target(%arg13 : memref<128xf32, #tpu.memory_space<vmem>>) target_semaphore(%run_scoped3A_317 : memref<!tpu.dma_semaphore, #tpu.memory_space<semaphore_mem>>)
      tpu.wait_dma2 semaphore(%run_scoped3A_317 : memref<!tpu.dma_semaphore, #tpu.memory_space<semaphore_mem>>) src(%arg6 : memref<128xf32, #tpu.memory_space<hbm>>) dst(%arg13 : memref<128xf32, #tpu.memory_space<vmem>>)
      tpu.yield
    }) : () -> ()
    %scan3A = arith.constant 0 : i32
    %scan3A_1 = arith.constant 0 : i32
    %scan3A_2 = arith.constant 56 : i32
    %scan3A_3 = arith.addi %scan3A_1, %scan3A_2 : i32
    %scan3A_4 = arith.constant 1 : i32
    scf.for %scan3A_317 = %scan3A_1 to %scan3A_3 step %scan3A_4  : i32 {
      %broadcast_in_dim3A = arith.constant 0.000000e+00 : f32
      %broadcast_in_dim3A_318 = vector.broadcast %broadcast_in_dim3A : f32 to vector<16xf32>
      %swap3A = arith.constant 0 : i32
      %swap3A_319 = arith.index_cast %swap3A : i32 to index
      %swap3A_320 = arith.index_cast %scan3A_317 : i32 to index
      %swap3A_321 = arith.constant 0 : index
      %swap3A_322 = tpu.vector_load %arg12[%swap3A_319, %swap3A_320, %swap3A_321] {strides = array<i32>} : memref<2x56x128xf32, #tpu.memory_space<vmem>>, vector<1x1x16xf32>,
      %swap3A_323 = vector.shape_cast %swap3A_322 : vector<1x1x16xf32> to vector<16xf32>
      %swap3A_324 = vector.shape_cast %broadcast_in_dim3A_318 : vector<16xf32> to vector<1x1x16xf32>
      tpu.vector_store %arg12[%swap3A_319, %swap3A_320, %swap3A_321], %swap3A_324 {strides = array<i32>} : memref<2x56x128xf32, #tpu.memory_space<vmem>>, vector<1x1x16xf32>,
      %broadcast_in_dim3A_325 = arith.constant 0.000000e+00 : f32
      %broadcast_in_dim3A_326 = vector.broadcast %broadcast_in_dim3A_325 : f32 to vector<16xf32>
      %swap3A_327 = arith.constant 0 : i32
      %swap3A_328 = arith.index_cast %swap3A_327 : i32 to index
      %swap3A_329 = arith.index_cast %scan3A_317 : i32 to index
      %swap3A_330 = arith.constant 16 : index
      %swap3A_331 = tpu.vector_load %arg12[%swap3A_328, %swap3A_329, %swap3A_330] {strides = array<i32>} : memref<2x56x128xf32, #tpu.memory_space<vmem>>, vector<1x1x16xf32>,
      %swap3A_332 = vector.shape_cast %swap3A_331 : vector<1x1x16xf32> to vector<16xf32>
      %swap3A_333 = vector.shape_cast %broadcast_in_dim3A_326 : vector<16xf32> to vector<1x1x16xf32>
      tpu.vector_store %arg12[%swap3A_328, %swap3A_329, %swap3A_330], %swap3A_333 {strides = array<i32>} : memref<2x56x128xf32, #tpu.memory_space<vmem>>, vector<1x1x16xf32>,
      %broadcast_in_dim3A_334 = arith.constant 0.000000e+00 : f32
      %broadcast_in_dim3A_335 = vector.broadcast %broadcast_in_dim3A_334 : f32 to vector<16xf32>
      %swap3A_336 = arith.constant 0 : i32
      %swap3A_337 = arith.index_cast %swap3A_336 : i32 to index
      %swap3A_338 = arith.index_cast %scan3A_317 : i32 to index
      %swap3A_339 = arith.constant 32 : index
      %swap3A_340 = tpu.vector_load %arg12[%swap3A_337, %swap3A_338, %swap3A_339] {strides = array<i32>} : memref<2x56x128xf32, #tpu.memory_space<vmem>>, vector<1x1x16xf32>,
      %swap3A_341 = vector.shape_cast %swap3A_340 : vector<1x1x16xf32> to vector<16xf32>
      %swap3A_342 = vector.shape_cast %broadcast_in_dim3A_335 : vector<16xf32> to vector<1x1x16xf32>
      tpu.vector_store %arg12[%swap3A_337, %swap3A_338, %swap3A_339], %swap3A_342 {strides = array<i32>} : memref<2x56x128xf32, #tpu.memory_space<vmem>>, vector<1x1x16xf32>,
      %broadcast_in_dim3A_343 = arith.constant 0.000000e+00 : f32
      %broadcast_in_dim3A_344 = vector.broadcast %broadcast_in_dim3A_343 : f32 to vector<16xf32>
      %swap3A_345 = arith.constant 0 : i32
      %swap3A_346 = arith.index_cast %swap3A_345 : i32 to index
      %swap3A_347 = arith.index_cast %scan3A_317 : i32 to index
      %swap3A_348 = arith.constant 48 : index
      %swap3A_349 = tpu.vector_load %arg12[%swap3A_346, %swap3A_347, %swap3A_348] {strides = array<i32>} : memref<2x56x128xf32, #tpu.memory_space<vmem>>, vector<1x1x16xf32>,
      %swap3A_350 = vector.shape_cast %swap3A_349 : vector<1x1x16xf32> to vector<16xf32>
      %swap3A_351 = vector.shape_cast %broadcast_in_dim3A_344 : vector<16xf32> to vector<1x1x16xf32>
      tpu.vector_store %arg12[%swap3A_346, %swap3A_347, %swap3A_348], %swap3A_351 {strides = array<i32>} : memref<2x56x128xf32, #tpu.memory_space<vmem>>, vector<1x1x16xf32>,
      %broadcast_in_dim3A_352 = arith.constant 0.000000e+00 : f32
      %broadcast_in_dim3A_353 = vector.broadcast %broadcast_in_dim3A_352 : f32 to vector<16xf32>
      %swap3A_354 = arith.constant 0 : i32
      %swap3A_355 = arith.index_cast %swap3A_354 : i32 to index
      %swap3A_356 = arith.index_cast %scan3A_317 : i32 to index
      %swap3A_357 = arith.constant 64 : index
      %swap3A_358 = tpu.vector_load %arg12[%swap3A_355, %swap3A_356, %swap3A_357] {strides = array<i32>} : memref<2x56x128xf32, #tpu.memory_space<vmem>>, vector<1x1x16xf32>,
      %swap3A_359 = vector.shape_cast %swap3A_358 : vector<1x1x16xf32> to vector<16xf32>
      %swap3A_360 = vector.shape_cast %broadcast_in_dim3A_353 : vector<16xf32> to vector<1x1x16xf32>
      tpu.vector_store %arg12[%swap3A_355, %swap3A_356, %swap3A_357], %swap3A_360 {strides = array<i32>} : memref<2x56x128xf32, #tpu.memory_space<vmem>>, vector<1x1x16xf32>,
      %broadcast_in_dim3A_361 = arith.constant 0.000000e+00 : f32
      %broadcast_in_dim3A_362 = vector.broadcast %broadcast_in_dim3A_361 : f32 to vector<16xf32>
      %swap3A_363 = arith.constant 0 : i32
      %swap3A_364 = arith.index_cast %swap3A_363 : i32 to index
      %swap3A_365 = arith.index_cast %scan3A_317 : i32 to index
      %swap3A_366 = arith.constant 80 : index
      %swap3A_367 = tpu.vector_load %arg12[%swap3A_364, %swap3A_365, %swap3A_366] {strides = array<i32>} : memref<2x56x128xf32, #tpu.memory_space<vmem>>, vector<1x1x16xf32>,
      %swap3A_368 = vector.shape_cast %swap3A_367 : vector<1x1x16xf32> to vector<16xf32>
      %swap3A_369 = vector.shape_cast %broadcast_in_dim3A_362 : vector<16xf32> to vector<1x1x16xf32>
      tpu.vector_store %arg12[%swap3A_364, %swap3A_365, %swap3A_366], %swap3A_369 {strides = array<i32>} : memref<2x56x128xf32, #tpu.memory_space<vmem>>, vector<1x1x16xf32>,
      %broadcast_in_dim3A_370 = arith.constant 0.000000e+00 : f32
      %broadcast_in_dim3A_371 = vector.broadcast %broadcast_in_dim3A_370 : f32 to vector<16xf32>
      %swap3A_372 = arith.constant 0 : i32
      %swap3A_373 = arith.index_cast %swap3A_372 : i32 to index
      %swap3A_374 = arith.index_cast %scan3A_317 : i32 to index
      %swap3A_375 = arith.constant 96 : index
      %swap3A_376 = tpu.vector_load %arg12[%swap3A_373, %swap3A_374, %swap3A_375] {strides = array<i32>} : memref<2x56x128xf32, #tpu.memory_space<vmem>>, vector<1x1x16xf32>,
      %swap3A_377 = vector.shape_cast %swap3A_376 : vector<1x1x16xf32> to vector<16xf32>
      %swap3A_378 = vector.shape_cast %broadcast_in_dim3A_371 : vector<16xf32> to vector<1x1x16xf32>
      tpu.vector_store %arg12[%swap3A_373, %swap3A_374, %swap3A_375], %swap3A_378 {strides = array<i32>} : memref<2x56x128xf32, #tpu.memory_space<vmem>>, vector<1x1x16xf32>,
      %broadcast_in_dim3A_379 = arith.constant 0.000000e+00 : f32
      %broadcast_in_dim3A_380 = vector.broadcast %broadcast_in_dim3A_379 : f32 to vector<16xf32>
      %swap3A_381 = arith.constant 0 : i32
      %swap3A_382 = arith.index_cast %swap3A_381 : i32 to index
      %swap3A_383 = arith.index_cast %scan3A_317 : i32 to index
      %swap3A_384 = arith.constant 112 : index
      %swap3A_385 = tpu.vector_load %arg12[%swap3A_382, %swap3A_383, %swap3A_384] {strides = array<i32>} : memref<2x56x128xf32, #tpu.memory_space<vmem>>, vector<1x1x16xf32>,
      %swap3A_386 = vector.shape_cast %swap3A_385 : vector<1x1x16xf32> to vector<16xf32>
      %swap3A_387 = vector.shape_cast %broadcast_in_dim3A_380 : vector<16xf32> to vector<1x1x16xf32>
      tpu.vector_store %arg12[%swap3A_382, %swap3A_383, %swap3A_384], %swap3A_387 {strides = array<i32>} : memref<2x56x128xf32, #tpu.memory_space<vmem>>, vector<1x1x16xf32>,
    }
    %scan3A_5 = arith.constant 56 : i32
    %mul3A_6 = arith.constant 632 : i32
    %mul3A_7 = arith.muli %arg1, %mul3A_6 : i32
    %add3A_8 = arith.constant 0 : i32
    %add3A_9 = arith.addi %mul3A_7, %add3A_8 : i32
    %run_scoped3A = arith.constant 0 : i32
    "tpu.region"() ({
      %run_scoped3A_317 = tpu.sem_alloc : memref<!tpu.dma_semaphore, #tpu.memory_space<semaphore_mem>>
      %dma_start3A_318 = arith.constant 0 : i32
      %dma_start3A_319 = arith.constant 0 : i32
      %dma_start3A_320 = tpu.memref_slice %arg12[%run_scoped3A, %dma_start3A_318, %dma_start3A_319] : memref<2x56x128xf32, #tpu.memory_space<vmem>> -> memref<1x56x128xf32, #tpu.memory_space<vmem>>
      %dma_start3A_321 = tpu.memref_squeeze %dma_start3A_320 : memref<1x56x128xf32, #tpu.memory_space<vmem>> -> memref<56x128xf32, #tpu.memory_space<vmem>>
      %dma_start3A_322 = arith.constant 0 : i32
      %dma_start3A_323 = tpu.memref_slice %arg14[%add3A_9, %dma_start3A_322] : memref<10112x128xf32, #tpu.memory_space<vmem_shared>> -> memref<56x128xf32, #tpu.memory_space<vmem_shared>>
      %dma_start3A_324 = arith.constant 0 : i32
      %dma_start3A_325 = tpu.memref_slice %arg14[%add3A_9, %dma_start3A_324] : memref<10112x128xf32, #tpu.memory_space<vmem_shared>> -> memref<56x128xf32, #tpu.memory_space<vmem_shared>>
      %dma_start3A_326 = arith.constant 0 : i32
      %dma_start3A_327 = arith.constant 0 : i32
      %dma_start3A_328 = tpu.memref_slice %arg12[%run_scoped3A, %dma_start3A_326, %dma_start3A_327] : memref<2x56x128xf32, #tpu.memory_space<vmem>> -> memref<1x56x128xf32, #tpu.memory_space<vmem>>
      %dma_start3A_329 = tpu.memref_squeeze %dma_start3A_328 : memref<1x56x128xf32, #tpu.memory_space<vmem>> -> memref<56x128xf32, #tpu.memory_space<vmem>>
      tpu.enqueue_dma source(%dma_start3A_329 : memref<56x128xf32, #tpu.memory_space<vmem>>) target(%dma_start3A_325 : memref<56x128xf32, #tpu.memory_space<vmem_shared>>) target_semaphore(%run_scoped3A_317 : memref<!tpu.dma_semaphore, #tpu.memory_space<semaphore_mem>>)
      %dma_wait3A_330 = arith.constant 0 : i32
      %dma_wait3A_331 = arith.constant 0 : i32
      %dma_wait3A_332 = tpu.memref_slice %arg12[%run_scoped3A, %dma_wait3A_330, %dma_wait3A_331] : memref<2x56x128xf32, #tpu.memory_space<vmem>> -> memref<1x56x128xf32, #tpu.memory_space<vmem>>
      %dma_wait3A_333 = tpu.memref_squeeze %dma_wait3A_332 : memref<1x56x128xf32, #tpu.memory_space<vmem>> -> memref<56x128xf32, #tpu.memory_space<vmem>>
      %dma_wait3A_334 = arith.constant 0 : i32
      %dma_wait3A_335 = tpu.memref_slice %arg14[%add3A_9, %dma_wait3A_334] : memref<10112x128xf32, #tpu.memory_space<vmem_shared>> -> memref<56x128xf32, #tpu.memory_space<vmem_shared>>
      %dma_wait3A_336 = arith.constant 0 : i32
      %dma_wait3A_337 = tpu.memref_slice %arg14[%add3A_9, %dma_wait3A_336] : memref<10112x128xf32, #tpu.memory_space<vmem_shared>> -> memref<56x128xf32, #tpu.memory_space<vmem_shared>>
      %dma_wait3A_338 = arith.constant 0 : i32
      %dma_wait3A_339 = arith.constant 0 : i32
      %dma_wait3A_340 = tpu.memref_slice %arg12[%run_scoped3A, %dma_wait3A_338, %dma_wait3A_339] : memref<2x56x128xf32, #tpu.memory_space<vmem>> -> memref<1x56x128xf32, #tpu.memory_space<vmem>>
      %dma_wait3A_341 = tpu.memref_squeeze %dma_wait3A_340 : memref<1x56x128xf32, #tpu.memory_space<vmem>> -> memref<56x128xf32, #tpu.memory_space<vmem>>
      tpu.wait_dma2 semaphore(%run_scoped3A_317 : memref<!tpu.dma_semaphore, #tpu.memory_space<semaphore_mem>>) src(%dma_wait3A_341 : memref<56x128xf32, #tpu.memory_space<vmem>>) dst(%dma_wait3A_337 : memref<56x128xf32, #tpu.memory_space<vmem_shared>>)
      tpu.yield
    }) : () -> ()
    %add3A_10 = arith.constant 56 : i32
    %add3A_11 = arith.addi %mul3A_7, %add3A_10 : i32
    %run_scoped3A_12 = arith.constant 0 : i32
    "tpu.region"() ({
      %run_scoped3A_317 = tpu.sem_alloc : memref<!tpu.dma_semaphore, #tpu.memory_space<semaphore_mem>>
      %dma_start3A_318 = arith.constant 0 : i32
      %dma_start3A_319 = arith.constant 0 : i32
      %dma_start3A_320 = tpu.memref_slice %arg12[%run_scoped3A_12, %dma_start3A_318, %dma_start3A_319] : memref<2x56x128xf32, #tpu.memory_space<vmem>> -> memref<1x56x128xf32, #tpu.memory_space<vmem>>
      %dma_start3A_321 = tpu.memref_squeeze %dma_start3A_320 : memref<1x56x128xf32, #tpu.memory_space<vmem>> -> memref<56x128xf32, #tpu.memory_space<vmem>>
      %dma_start3A_322 = arith.constant 0 : i32
      %dma_start3A_323 = tpu.memref_slice %arg14[%add3A_11, %dma_start3A_322] : memref<10112x128xf32, #tpu.memory_space<vmem_shared>> -> memref<56x128xf32, #tpu.memory_space<vmem_shared>>
      %dma_start3A_324 = arith.constant 0 : i32
      %dma_start3A_325 = tpu.memref_slice %arg14[%add3A_11, %dma_start3A_324] : memref<10112x128xf32, #tpu.memory_space<vmem_shared>> -> memref<56x128xf32, #tpu.memory_space<vmem_shared>>
      %dma_start3A_326 = arith.constant 0 : i32
      %dma_start3A_327 = arith.constant 0 : i32
      %dma_start3A_328 = tpu.memref_slice %arg12[%run_scoped3A_12, %dma_start3A_326, %dma_start3A_327] : memref<2x56x128xf32, #tpu.memory_space<vmem>> -> memref<1x56x128xf32, #tpu.memory_space<vmem>>
      %dma_start3A_329 = tpu.memref_squeeze %dma_start3A_328 : memref<1x56x128xf32, #tpu.memory_space<vmem>> -> memref<56x128xf32, #tpu.memory_space<vmem>>
      tpu.enqueue_dma source(%dma_start3A_329 : memref<56x128xf32, #tpu.memory_space<vmem>>) target(%dma_start3A_325 : memref<56x128xf32, #tpu.memory_space<vmem_shared>>) target_semaphore(%run_scoped3A_317 : memref<!tpu.dma_semaphore, #tpu.memory_space<semaphore_mem>>)
      %dma_wait3A_330 = arith.constant 0 : i32
      %dma_wait3A_331 = arith.constant 0 : i32
      %dma_wait3A_332 = tpu.memref_slice %arg12[%run_scoped3A_12, %dma_wait3A_330, %dma_wait3A_331] : memref<2x56x128xf32, #tpu.memory_space<vmem>> -> memref<1x56x128xf32, #tpu.memory_space<vmem>>
      %dma_wait3A_333 = tpu.memref_squeeze %dma_wait3A_332 : memref<1x56x128xf32, #tpu.memory_space<vmem>> -> memref<56x128xf32, #tpu.memory_space<vmem>>
      %dma_wait3A_334 = arith.constant 0 : i32
      %dma_wait3A_335 = tpu.memref_slice %arg14[%add3A_11, %dma_wait3A_334] : memref<10112x128xf32, #tpu.memory_space<vmem_shared>> -> memref<56x128xf32, #tpu.memory_space<vmem_shared>>
      %dma_wait3A_336 = arith.constant 0 : i32
      %dma_wait3A_337 = tpu.memref_slice %arg14[%add3A_11, %dma_wait3A_336] : memref<10112x128xf32, #tpu.memory_space<vmem_shared>> -> memref<56x128xf32, #tpu.memory_space<vmem_shared>>
      %dma_wait3A_338 = arith.constant 0 : i32
      %dma_wait3A_339 = arith.constant 0 : i32
      %dma_wait3A_340 = tpu.memref_slice %arg12[%run_scoped3A_12, %dma_wait3A_338, %dma_wait3A_339] : memref<2x56x128xf32, #tpu.memory_space<vmem>> -> memref<1x56x128xf32, #tpu.memory_space<vmem>>
      %dma_wait3A_341 = tpu.memref_squeeze %dma_wait3A_340 : memref<1x56x128xf32, #tpu.memory_space<vmem>> -> memref<56x128xf32, #tpu.memory_space<vmem>>
      tpu.wait_dma2 semaphore(%run_scoped3A_317 : memref<!tpu.dma_semaphore, #tpu.memory_space<semaphore_mem>>) src(%dma_wait3A_341 : memref<56x128xf32, #tpu.memory_space<vmem>>) dst(%dma_wait3A_337 : memref<56x128xf32, #tpu.memory_space<vmem_shared>>)
      tpu.yield
    }) : () -> ()
    %add3A_13 = arith.constant 112 : i32
    %add3A_14 = arith.addi %mul3A_7, %add3A_13 : i32
    %run_scoped3A_15 = arith.constant 0 : i32
    "tpu.region"() ({
      %run_scoped3A_317 = tpu.sem_alloc : memref<!tpu.dma_semaphore, #tpu.memory_space<semaphore_mem>>
      %dma_start3A_318 = arith.constant 0 : i32
      %dma_start3A_319 = arith.constant 0 : i32
      %dma_start3A_320 = tpu.memref_slice %arg12[%run_scoped3A_15, %dma_start3A_318, %dma_start3A_319] : memref<2x56x128xf32, #tpu.memory_space<vmem>> -> memref<1x56x128xf32, #tpu.memory_space<vmem>>
      %dma_start3A_321 = tpu.memref_squeeze %dma_start3A_320 : memref<1x56x128xf32, #tpu.memory_space<vmem>> -> memref<56x128xf32, #tpu.memory_space<vmem>>
      %dma_start3A_322 = arith.constant 0 : i32
      %dma_start3A_323 = tpu.memref_slice %arg14[%add3A_14, %dma_start3A_322] : memref<10112x128xf32, #tpu.memory_space<vmem_shared>> -> memref<56x128xf32, #tpu.memory_space<vmem_shared>>
      %dma_start3A_324 = arith.constant 0 : i32
      %dma_start3A_325 = tpu.memref_slice %arg14[%add3A_14, %dma_start3A_324] : memref<10112x128xf32, #tpu.memory_space<vmem_shared>> -> memref<56x128xf32, #tpu.memory_space<vmem_shared>>
      %dma_start3A_326 = arith.constant 0 : i32
      %dma_start3A_327 = arith.constant 0 : i32
      %dma_start3A_328 = tpu.memref_slice %arg12[%run_scoped3A_15, %dma_start3A_326, %dma_start3A_327] : memref<2x56x128xf32, #tpu.memory_space<vmem>> -> memref<1x56x128xf32, #tpu.memory_space<vmem>>
      %dma_start3A_329 = tpu.memref_squeeze %dma_start3A_328 : memref<1x56x128xf32, #tpu.memory_space<vmem>> -> memref<56x128xf32, #tpu.memory_space<vmem>>
      tpu.enqueue_dma source(%dma_start3A_329 : memref<56x128xf32, #tpu.memory_space<vmem>>) target(%dma_start3A_325 : memref<56x128xf32, #tpu.memory_space<vmem_shared>>) target_semaphore(%run_scoped3A_317 : memref<!tpu.dma_semaphore, #tpu.memory_space<semaphore_mem>>)
      %dma_wait3A_330 = arith.constant 0 : i32
      %dma_wait3A_331 = arith.constant 0 : i32
      %dma_wait3A_332 = tpu.memref_slice %arg12[%run_scoped3A_15, %dma_wait3A_330, %dma_wait3A_331] : memref<2x56x128xf32, #tpu.memory_space<vmem>> -> memref<1x56x128xf32, #tpu.memory_space<vmem>>
      %dma_wait3A_333 = tpu.memref_squeeze %dma_wait3A_332 : memref<1x56x128xf32, #tpu.memory_space<vmem>> -> memref<56x128xf32, #tpu.memory_space<vmem>>
      %dma_wait3A_334 = arith.constant 0 : i32
      %dma_wait3A_335 = tpu.memref_slice %arg14[%add3A_14, %dma_wait3A_334] : memref<10112x128xf32, #tpu.memory_space<vmem_shared>> -> memref<56x128xf32, #tpu.memory_space<vmem_shared>>
      %dma_wait3A_336 = arith.constant 0 : i32
      %dma_wait3A_337 = tpu.memref_slice %arg14[%add3A_14, %dma_wait3A_336] : memref<10112x128xf32, #tpu.memory_space<vmem_shared>> -> memref<56x128xf32, #tpu.memory_space<vmem_shared>>
      %dma_wait3A_338 = arith.constant 0 : i32
      %dma_wait3A_339 = arith.constant 0 : i32
      %dma_wait3A_340 = tpu.memref_slice %arg12[%run_scoped3A_15, %dma_wait3A_338, %dma_wait3A_339] : memref<2x56x128xf32, #tpu.memory_space<vmem>> -> memref<1x56x128xf32, #tpu.memory_space<vmem>>
      %dma_wait3A_341 = tpu.memref_squeeze %dma_wait3A_340 : memref<1x56x128xf32, #tpu.memory_space<vmem>> -> memref<56x128xf32, #tpu.memory_space<vmem>>
      tpu.wait_dma2 semaphore(%run_scoped3A_317 : memref<!tpu.dma_semaphore, #tpu.memory_space<semaphore_mem>>) src(%dma_wait3A_341 : memref<56x128xf32, #tpu.memory_space<vmem>>) dst(%dma_wait3A_337 : memref<56x128xf32, #tpu.memory_space<vmem_shared>>)
      tpu.yield
    }) : () -> ()
    %add3A_16 = arith.constant 168 : i32
    %add3A_17 = arith.addi %mul3A_7, %add3A_16 : i32
    %run_scoped3A_18 = arith.constant 0 : i32
    "tpu.region"() ({
      %run_scoped3A_317 = tpu.sem_alloc : memref<!tpu.dma_semaphore, #tpu.memory_space<semaphore_mem>>
      %dma_start3A_318 = arith.constant 0 : i32
      %dma_start3A_319 = arith.constant 0 : i32
      %dma_start3A_320 = tpu.memref_slice %arg12[%run_scoped3A_18, %dma_start3A_318, %dma_start3A_319] : memref<2x56x128xf32, #tpu.memory_space<vmem>> -> memref<1x56x128xf32, #tpu.memory_space<vmem>>
      %dma_start3A_321 = tpu.memref_squeeze %dma_start3A_320 : memref<1x56x128xf32, #tpu.memory_space<vmem>> -> memref<56x128xf32, #tpu.memory_space<vmem>>
      %dma_start3A_322 = arith.constant 0 : i32
      %dma_start3A_323 = tpu.memref_slice %arg14[%add3A_17, %dma_start3A_322] : memref<10112x128xf32, #tpu.memory_space<vmem_shared>> -> memref<56x128xf32, #tpu.memory_space<vmem_shared>>
      %dma_start3A_324 = arith.constant 0 : i32
      %dma_start3A_325 = tpu.memref_slice %arg14[%add3A_17, %dma_start3A_324] : memref<10112x128xf32, #tpu.memory_space<vmem_shared>> -> memref<56x128xf32, #tpu.memory_space<vmem_shared>>
      %dma_start3A_326 = arith.constant 0 : i32
      %dma_start3A_327 = arith.constant 0 : i32
      %dma_start3A_328 = tpu.memref_slice %arg12[%run_scoped3A_18, %dma_start3A_326, %dma_start3A_327] : memref<2x56x128xf32, #tpu.memory_space<vmem>> -> memref<1x56x128xf32, #tpu.memory_space<vmem>>
      %dma_start3A_329 = tpu.memref_squeeze %dma_start3A_328 : memref<1x56x128xf32, #tpu.memory_space<vmem>> -> memref<56x128xf32, #tpu.memory_space<vmem>>
      tpu.enqueue_dma source(%dma_start3A_329 : memref<56x128xf32, #tpu.memory_space<vmem>>) target(%dma_start3A_325 : memref<56x128xf32, #tpu.memory_space<vmem_shared>>) target_semaphore(%run_scoped3A_317 : memref<!tpu.dma_semaphore, #tpu.memory_space<semaphore_mem>>)
      %dma_wait3A_330 = arith.constant 0 : i32
      %dma_wait3A_331 = arith.constant 0 : i32
      %dma_wait3A_332 = tpu.memref_slice %arg12[%run_scoped3A_18, %dma_wait3A_330, %dma_wait3A_331] : memref<2x56x128xf32, #tpu.memory_space<vmem>> -> memref<1x56x128xf32, #tpu.memory_space<vmem>>
      %dma_wait3A_333 = tpu.memref_squeeze %dma_wait3A_332 : memref<1x56x128xf32, #tpu.memory_space<vmem>> -> memref<56x128xf32, #tpu.memory_space<vmem>>
      %dma_wait3A_334 = arith.constant 0 : i32
      %dma_wait3A_335 = tpu.memref_slice %arg14[%add3A_17, %dma_wait3A_334] : memref<10112x128xf32, #tpu.memory_space<vmem_shared>> -> memref<56x128xf32, #tpu.memory_space<vmem_shared>>
      %dma_wait3A_336 = arith.constant 0 : i32
      %dma_wait3A_337 = tpu.memref_slice %arg14[%add3A_17, %dma_wait3A_336] : memref<10112x128xf32, #tpu.memory_space<vmem_shared>> -> memref<56x128xf32, #tpu.memory_space<vmem_shared>>
      %dma_wait3A_338 = arith.constant 0 : i32
      %dma_wait3A_339 = arith.constant 0 : i32
      %dma_wait3A_340 = tpu.memref_slice %arg12[%run_scoped3A_18, %dma_wait3A_338, %dma_wait3A_339] : memref<2x56x128xf32, #tpu.memory_space<vmem>> -> memref<1x56x128xf32, #tpu.memory_space<vmem>>
      %dma_wait3A_341 = tpu.memref_squeeze %dma_wait3A_340 : memref<1x56x128xf32, #tpu.memory_space<vmem>> -> memref<56x128xf32, #tpu.memory_space<vmem>>
      tpu.wait_dma2 semaphore(%run_scoped3A_317 : memref<!tpu.dma_semaphore, #tpu.memory_space<semaphore_mem>>) src(%dma_wait3A_341 : memref<56x128xf32, #tpu.memory_space<vmem>>) dst(%dma_wait3A_337 : memref<56x128xf32, #tpu.memory_space<vmem_shared>>)
      tpu.yield
    }) : () -> ()
    %add3A_19 = arith.constant 224 : i32
    %add3A_20 = arith.addi %mul3A_7, %add3A_19 : i32
    %run_scoped3A_21 = arith.constant 0 : i32
    "tpu.region"() ({
      %run_scoped3A_317 = tpu.sem_alloc : memref<!tpu.dma_semaphore, #tpu.memory_space<semaphore_mem>>
      %dma_start3A_318 = arith.constant 0 : i32
      %dma_start3A_319 = arith.constant 0 : i32
      %dma_start3A_320 = tpu.memref_slice %arg12[%run_scoped3A_21, %dma_start3A_318, %dma_start3A_319] : memref<2x56x128xf32, #tpu.memory_space<vmem>> -> memref<1x56x128xf32, #tpu.memory_space<vmem>>
      %dma_start3A_321 = tpu.memref_squeeze %dma_start3A_320 : memref<1x56x128xf32, #tpu.memory_space<vmem>> -> memref<56x128xf32, #tpu.memory_space<vmem>>
      %dma_start3A_322 = arith.constant 0 : i32
      %dma_start3A_323 = tpu.memref_slice %arg14[%add3A_20, %dma_start3A_322] : memref<10112x128xf32, #tpu.memory_space<vmem_shared>> -> memref<56x128xf32, #tpu.memory_space<vmem_shared>>
      %dma_start3A_324 = arith.constant 0 : i32
      %dma_start3A_325 = tpu.memref_slice %arg14[%add3A_20, %dma_start3A_324] : memref<10112x128xf32, #tpu.memory_space<vmem_shared>> -> memref<56x128xf32, #tpu.memory_space<vmem_shared>>
      %dma_start3A_326 = arith.constant 0 : i32
      %dma_start3A_327 = arith.constant 0 : i32
      %dma_start3A_328 = tpu.memref_slice %arg12[%run_scoped3A_21, %dma_start3A_326, %dma_start3A_327] : memref<2x56x128xf32, #tpu.memory_space<vmem>> -> memref<1x56x128xf32, #tpu.memory_space<vmem>>
      %dma_start3A_329 = tpu.memref_squeeze %dma_start3A_328 : memref<1x56x128xf32, #tpu.memory_space<vmem>> -> memref<56x128xf32, #tpu.memory_space<vmem>>
      tpu.enqueue_dma source(%dma_start3A_329 : memref<56x128xf32, #tpu.memory_space<vmem>>) target(%dma_start3A_325 : memref<56x128xf32, #tpu.memory_space<vmem_shared>>) target_semaphore(%run_scoped3A_317 : memref<!tpu.dma_semaphore, #tpu.memory_space<semaphore_mem>>)
      %dma_wait3A_330 = arith.constant 0 : i32
      %dma_wait3A_331 = arith.constant 0 : i32
      %dma_wait3A_332 = tpu.memref_slice %arg12[%run_scoped3A_21, %dma_wait3A_330, %dma_wait3A_331] : memref<2x56x128xf32, #tpu.memory_space<vmem>> -> memref<1x56x128xf32, #tpu.memory_space<vmem>>
      %dma_wait3A_333 = tpu.memref_squeeze %dma_wait3A_332 : memref<1x56x128xf32, #tpu.memory_space<vmem>> -> memref<56x128xf32, #tpu.memory_space<vmem>>
      %dma_wait3A_334 = arith.constant 0 : i32
      %dma_wait3A_335 = tpu.memref_slice %arg14[%add3A_20, %dma_wait3A_334] : memref<10112x128xf32, #tpu.memory_space<vmem_shared>> -> memref<56x128xf32, #tpu.memory_space<vmem_shared>>
      %dma_wait3A_336 = arith.constant 0 : i32
      %dma_wait3A_337 = tpu.memref_slice %arg14[%add3A_20, %dma_wait3A_336] : memref<10112x128xf32, #tpu.memory_space<vmem_shared>> -> memref<56x128xf32, #tpu.memory_space<vmem_shared>>
      %dma_wait3A_338 = arith.constant 0 : i32
      %dma_wait3A_339 = arith.constant 0 : i32
      %dma_wait3A_340 = tpu.memref_slice %arg12[%run_scoped3A_21, %dma_wait3A_338, %dma_wait3A_339] : memref<2x56x128xf32, #tpu.memory_space<vmem>> -> memref<1x56x128xf32, #tpu.memory_space<vmem>>
      %dma_wait3A_341 = tpu.memref_squeeze %dma_wait3A_340 : memref<1x56x128xf32, #tpu.memory_space<vmem>> -> memref<56x128xf32, #tpu.memory_space<vmem>>
      tpu.wait_dma2 semaphore(%run_scoped3A_317 : memref<!tpu.dma_semaphore, #tpu.memory_space<semaphore_mem>>) src(%dma_wait3A_341 : memref<56x128xf32, #tpu.memory_space<vmem>>) dst(%dma_wait3A_337 : memref<56x128xf32, #tpu.memory_space<vmem_shared>>)
      tpu.yield
    }) : () -> ()
    %add3A_22 = arith.constant 280 : i32
    %add3A_23 = arith.addi %mul3A_7, %add3A_22 : i32
    %run_scoped3A_24 = arith.constant 0 : i32
    "tpu.region"() ({
      %run_scoped3A_317 = tpu.sem_alloc : memref<!tpu.dma_semaphore, #tpu.memory_space<semaphore_mem>>
      %dma_start3A_318 = arith.constant 0 : i32
      %dma_start3A_319 = arith.constant 0 : i32
      %dma_start3A_320 = tpu.memref_slice %arg12[%run_scoped3A_24, %dma_start3A_318, %dma_start3A_319] : memref<2x56x128xf32, #tpu.memory_space<vmem>> -> memref<1x56x128xf32, #tpu.memory_space<vmem>>
      %dma_start3A_321 = tpu.memref_squeeze %dma_start3A_320 : memref<1x56x128xf32, #tpu.memory_space<vmem>> -> memref<56x128xf32, #tpu.memory_space<vmem>>
      %dma_start3A_322 = arith.constant 0 : i32
      %dma_start3A_323 = tpu.memref_slice %arg14[%add3A_23, %dma_start3A_322] : memref<10112x128xf32, #tpu.memory_space<vmem_shared>> -> memref<56x128xf32, #tpu.memory_space<vmem_shared>>
      %dma_start3A_324 = arith.constant 0 : i32
      %dma_start3A_325 = tpu.memref_slice %arg14[%add3A_23, %dma_start3A_324] : memref<10112x128xf32, #tpu.memory_space<vmem_shared>> -> memref<56x128xf32, #tpu.memory_space<vmem_shared>>
      %dma_start3A_326 = arith.constant 0 : i32
      %dma_start3A_327 = arith.constant 0 : i32
      %dma_start3A_328 = tpu.memref_slice %arg12[%run_scoped3A_24, %dma_start3A_326, %dma_start3A_327] : memref<2x56x128xf32, #tpu.memory_space<vmem>> -> memref<1x56x128xf32, #tpu.memory_space<vmem>>
      %dma_start3A_329 = tpu.memref_squeeze %dma_start3A_328 : memref<1x56x128xf32, #tpu.memory_space<vmem>> -> memref<56x128xf32, #tpu.memory_space<vmem>>
      tpu.enqueue_dma source(%dma_start3A_329 : memref<56x128xf32, #tpu.memory_space<vmem>>) target(%dma_start3A_325 : memref<56x128xf32, #tpu.memory_space<vmem_shared>>) target_semaphore(%run_scoped3A_317 : memref<!tpu.dma_semaphore, #tpu.memory_space<semaphore_mem>>)
      %dma_wait3A_330 = arith.constant 0 : i32
      %dma_wait3A_331 = arith.constant 0 : i32
      %dma_wait3A_332 = tpu.memref_slice %arg12[%run_scoped3A_24, %dma_wait3A_330, %dma_wait3A_331] : memref<2x56x128xf32, #tpu.memory_space<vmem>> -> memref<1x56x128xf32, #tpu.memory_space<vmem>>
      %dma_wait3A_333 = tpu.memref_squeeze %dma_wait3A_332 : memref<1x56x128xf32, #tpu.memory_space<vmem>> -> memref<56x128xf32, #tpu.memory_space<vmem>>
      %dma_wait3A_334 = arith.constant 0 : i32
      %dma_wait3A_335 = tpu.memref_slice %arg14[%add3A_23, %dma_wait3A_334] : memref<10112x128xf32, #tpu.memory_space<vmem_shared>> -> memref<56x128xf32, #tpu.memory_space<vmem_shared>>
      %dma_wait3A_336 = arith.constant 0 : i32
      %dma_wait3A_337 = tpu.memref_slice %arg14[%add3A_23, %dma_wait3A_336] : memref<10112x128xf32, #tpu.memory_space<vmem_shared>> -> memref<56x128xf32, #tpu.memory_space<vmem_shared>>
      %dma_wait3A_338 = arith.constant 0 : i32
      %dma_wait3A_339 = arith.constant 0 : i32
      %dma_wait3A_340 = tpu.memref_slice %arg12[%run_scoped3A_24, %dma_wait3A_338, %dma_wait3A_339] : memref<2x56x128xf32, #tpu.memory_space<vmem>> -> memref<1x56x128xf32, #tpu.memory_space<vmem>>
      %dma_wait3A_341 = tpu.memref_squeeze %dma_wait3A_340 : memref<1x56x128xf32, #tpu.memory_space<vmem>> -> memref<56x128xf32, #tpu.memory_space<vmem>>
      tpu.wait_dma2 semaphore(%run_scoped3A_317 : memref<!tpu.dma_semaphore, #tpu.memory_space<semaphore_mem>>) src(%dma_wait3A_341 : memref<56x128xf32, #tpu.memory_space<vmem>>) dst(%dma_wait3A_337 : memref<56x128xf32, #tpu.memory_space<vmem_shared>>)
      tpu.yield
    }) : () -> ()
    %add3A_25 = arith.constant 336 : i32
    %add3A_26 = arith.addi %mul3A_7, %add3A_25 : i32
    %run_scoped3A_27 = arith.constant 0 : i32
    "tpu.region"() ({
      %run_scoped3A_317 = tpu.sem_alloc : memref<!tpu.dma_semaphore, #tpu.memory_space<semaphore_mem>>
      %dma_start3A_318 = arith.constant 0 : i32
      %dma_start3A_319 = arith.constant 0 : i32
      %dma_start3A_320 = tpu.memref_slice %arg12[%run_scoped3A_27, %dma_start3A_318, %dma_start3A_319] : memref<2x56x128xf32, #tpu.memory_space<vmem>> -> memref<1x56x128xf32, #tpu.memory_space<vmem>>
      %dma_start3A_321 = tpu.memref_squeeze %dma_start3A_320 : memref<1x56x128xf32, #tpu.memory_space<vmem>> -> memref<56x128xf32, #tpu.memory_space<vmem>>
      %dma_start3A_322 = arith.constant 0 : i32
      %dma_start3A_323 = tpu.memref_slice %arg14[%add3A_26, %dma_start3A_322] : memref<10112x128xf32, #tpu.memory_space<vmem_shared>> -> memref<56x128xf32, #tpu.memory_space<vmem_shared>>
      %dma_start3A_324 = arith.constant 0 : i32
      %dma_start3A_325 = tpu.memref_slice %arg14[%add3A_26, %dma_start3A_324] : memref<10112x128xf32, #tpu.memory_space<vmem_shared>> -> memref<56x128xf32, #tpu.memory_space<vmem_shared>>
      %dma_start3A_326 = arith.constant 0 : i32
      %dma_start3A_327 = arith.constant 0 : i32
      %dma_start3A_328 = tpu.memref_slice %arg12[%run_scoped3A_27, %dma_start3A_326, %dma_start3A_327] : memref<2x56x128xf32, #tpu.memory_space<vmem>> -> memref<1x56x128xf32, #tpu.memory_space<vmem>>
      %dma_start3A_329 = tpu.memref_squeeze %dma_start3A_328 : memref<1x56x128xf32, #tpu.memory_space<vmem>> -> memref<56x128xf32, #tpu.memory_space<vmem>>
      tpu.enqueue_dma source(%dma_start3A_329 : memref<56x128xf32, #tpu.memory_space<vmem>>) target(%dma_start3A_325 : memref<56x128xf32, #tpu.memory_space<vmem_shared>>) target_semaphore(%run_scoped3A_317 : memref<!tpu.dma_semaphore, #tpu.memory_space<semaphore_mem>>)
      %dma_wait3A_330 = arith.constant 0 : i32
      %dma_wait3A_331 = arith.constant 0 : i32
      %dma_wait3A_332 = tpu.memref_slice %arg12[%run_scoped3A_27, %dma_wait3A_330, %dma_wait3A_331] : memref<2x56x128xf32, #tpu.memory_space<vmem>> -> memref<1x56x128xf32, #tpu.memory_space<vmem>>
      %dma_wait3A_333 = tpu.memref_squeeze %dma_wait3A_332 : memref<1x56x128xf32, #tpu.memory_space<vmem>> -> memref<56x128xf32, #tpu.memory_space<vmem>>
      %dma_wait3A_334 = arith.constant 0 : i32
      %dma_wait3A_335 = tpu.memref_slice %arg14[%add3A_26, %dma_wait3A_334] : memref<10112x128xf32, #tpu.memory_space<vmem_shared>> -> memref<56x128xf32, #tpu.memory_space<vmem_shared>>
      %dma_wait3A_336 = arith.constant 0 : i32
      %dma_wait3A_337 = tpu.memref_slice %arg14[%add3A_26, %dma_wait3A_336] : memref<10112x128xf32, #tpu.memory_space<vmem_shared>> -> memref<56x128xf32, #tpu.memory_space<vmem_shared>>
      %dma_wait3A_338 = arith.constant 0 : i32
      %dma_wait3A_339 = arith.constant 0 : i32
      %dma_wait3A_340 = tpu.memref_slice %arg12[%run_scoped3A_27, %dma_wait3A_338, %dma_wait3A_339] : memref<2x56x128xf32, #tpu.memory_space<vmem>> -> memref<1x56x128xf32, #tpu.memory_space<vmem>>
      %dma_wait3A_341 = tpu.memref_squeeze %dma_wait3A_340 : memref<1x56x128xf32, #tpu.memory_space<vmem>> -> memref<56x128xf32, #tpu.memory_space<vmem>>
      tpu.wait_dma2 semaphore(%run_scoped3A_317 : memref<!tpu.dma_semaphore, #tpu.memory_space<semaphore_mem>>) src(%dma_wait3A_341 : memref<56x128xf32, #tpu.memory_space<vmem>>) dst(%dma_wait3A_337 : memref<56x128xf32, #tpu.memory_space<vmem_shared>>)
      tpu.yield
    }) : () -> ()
    %add3A_28 = arith.constant 392 : i32
    %add3A_29 = arith.addi %mul3A_7, %add3A_28 : i32
    %run_scoped3A_30 = arith.constant 0 : i32
    "tpu.region"() ({
      %run_scoped3A_317 = tpu.sem_alloc : memref<!tpu.dma_semaphore, #tpu.memory_space<semaphore_mem>>
      %dma_start3A_318 = arith.constant 0 : i32
      %dma_start3A_319 = arith.constant 0 : i32
      %dma_start3A_320 = tpu.memref_slice %arg12[%run_scoped3A_30, %dma_start3A_318, %dma_start3A_319] : memref<2x56x128xf32, #tpu.memory_space<vmem>> -> memref<1x56x128xf32, #tpu.memory_space<vmem>>
      %dma_start3A_321 = tpu.memref_squeeze %dma_start3A_320 : memref<1x56x128xf32, #tpu.memory_space<vmem>> -> memref<56x128xf32, #tpu.memory_space<vmem>>
      %dma_start3A_322 = arith.constant 0 : i32
      %dma_start3A_323 = tpu.memref_slice %arg14[%add3A_29, %dma_start3A_322] : memref<10112x128xf32, #tpu.memory_space<vmem_shared>> -> memref<56x128xf32, #tpu.memory_space<vmem_shared>>
      %dma_start3A_324 = arith.constant 0 : i32
      %dma_start3A_325 = tpu.memref_slice %arg14[%add3A_29, %dma_start3A_324] : memref<10112x128xf32, #tpu.memory_space<vmem_shared>> -> memref<56x128xf32, #tpu.memory_space<vmem_shared>>
      %dma_start3A_326 = arith.constant 0 : i32
      %dma_start3A_327 = arith.constant 0 : i32
      %dma_start3A_328 = tpu.memref_slice %arg12[%run_scoped3A_30, %dma_start3A_326, %dma_start3A_327] : memref<2x56x128xf32, #tpu.memory_space<vmem>> -> memref<1x56x128xf32, #tpu.memory_space<vmem>>
      %dma_start3A_329 = tpu.memref_squeeze %dma_start3A_328 : memref<1x56x128xf32, #tpu.memory_space<vmem>> -> memref<56x128xf32, #tpu.memory_space<vmem>>
      tpu.enqueue_dma source(%dma_start3A_329 : memref<56x128xf32, #tpu.memory_space<vmem>>) target(%dma_start3A_325 : memref<56x128xf32, #tpu.memory_space<vmem_shared>>) target_semaphore(%run_scoped3A_317 : memref<!tpu.dma_semaphore, #tpu.memory_space<semaphore_mem>>)
      %dma_wait3A_330 = arith.constant 0 : i32
      %dma_wait3A_331 = arith.constant 0 : i32
      %dma_wait3A_332 = tpu.memref_slice %arg12[%run_scoped3A_30, %dma_wait3A_330, %dma_wait3A_331] : memref<2x56x128xf32, #tpu.memory_space<vmem>> -> memref<1x56x128xf32, #tpu.memory_space<vmem>>
      %dma_wait3A_333 = tpu.memref_squeeze %dma_wait3A_332 : memref<1x56x128xf32, #tpu.memory_space<vmem>> -> memref<56x128xf32, #tpu.memory_space<vmem>>
      %dma_wait3A_334 = arith.constant 0 : i32
      %dma_wait3A_335 = tpu.memref_slice %arg14[%add3A_29, %dma_wait3A_334] : memref<10112x128xf32, #tpu.memory_space<vmem_shared>> -> memref<56x128xf32, #tpu.memory_space<vmem_shared>>
      %dma_wait3A_336 = arith.constant 0 : i32
      %dma_wait3A_337 = tpu.memref_slice %arg14[%add3A_29, %dma_wait3A_336] : memref<10112x128xf32, #tpu.memory_space<vmem_shared>> -> memref<56x128xf32, #tpu.memory_space<vmem_shared>>
      %dma_wait3A_338 = arith.constant 0 : i32
      %dma_wait3A_339 = arith.constant 0 : i32
      %dma_wait3A_340 = tpu.memref_slice %arg12[%run_scoped3A_30, %dma_wait3A_338, %dma_wait3A_339] : memref<2x56x128xf32, #tpu.memory_space<vmem>> -> memref<1x56x128xf32, #tpu.memory_space<vmem>>
      %dma_wait3A_341 = tpu.memref_squeeze %dma_wait3A_340 : memref<1x56x128xf32, #tpu.memory_space<vmem>> -> memref<56x128xf32, #tpu.memory_space<vmem>>
      tpu.wait_dma2 semaphore(%run_scoped3A_317 : memref<!tpu.dma_semaphore, #tpu.memory_space<semaphore_mem>>) src(%dma_wait3A_341 : memref<56x128xf32, #tpu.memory_space<vmem>>) dst(%dma_wait3A_337 : memref<56x128xf32, #tpu.memory_space<vmem_shared>>)
      tpu.yield
    }) : () -> ()
    %add3A_31 = arith.constant 448 : i32
    %add3A_32 = arith.addi %mul3A_7, %add3A_31 : i32
    %run_scoped3A_33 = arith.constant 0 : i32
    "tpu.region"() ({
      %run_scoped3A_317 = tpu.sem_alloc : memref<!tpu.dma_semaphore, #tpu.memory_space<semaphore_mem>>
      %dma_start3A_318 = arith.constant 0 : i32
      %dma_start3A_319 = arith.constant 0 : i32
      %dma_start3A_320 = tpu.memref_slice %arg12[%run_scoped3A_33, %dma_start3A_318, %dma_start3A_319] : memref<2x56x128xf32, #tpu.memory_space<vmem>> -> memref<1x56x128xf32, #tpu.memory_space<vmem>>
      %dma_start3A_321 = tpu.memref_squeeze %dma_start3A_320 : memref<1x56x128xf32, #tpu.memory_space<vmem>> -> memref<56x128xf32, #tpu.memory_space<vmem>>
      %dma_start3A_322 = arith.constant 0 : i32
      %dma_start3A_323 = tpu.memref_slice %arg14[%add3A_32, %dma_start3A_322] : memref<10112x128xf32, #tpu.memory_space<vmem_shared>> -> memref<56x128xf32, #tpu.memory_space<vmem_shared>>
      %dma_start3A_324 = arith.constant 0 : i32
      %dma_start3A_325 = tpu.memref_slice %arg14[%add3A_32, %dma_start3A_324] : memref<10112x128xf32, #tpu.memory_space<vmem_shared>> -> memref<56x128xf32, #tpu.memory_space<vmem_shared>>
      %dma_start3A_326 = arith.constant 0 : i32
      %dma_start3A_327 = arith.constant 0 : i32
      %dma_start3A_328 = tpu.memref_slice %arg12[%run_scoped3A_33, %dma_start3A_326, %dma_start3A_327] : memref<2x56x128xf32, #tpu.memory_space<vmem>> -> memref<1x56x128xf32, #tpu.memory_space<vmem>>
      %dma_start3A_329 = tpu.memref_squeeze %dma_start3A_328 : memref<1x56x128xf32, #tpu.memory_space<vmem>> -> memref<56x128xf32, #tpu.memory_space<vmem>>
      tpu.enqueue_dma source(%dma_start3A_329 : memref<56x128xf32, #tpu.memory_space<vmem>>) target(%dma_start3A_325 : memref<56x128xf32, #tpu.memory_space<vmem_shared>>) target_semaphore(%run_scoped3A_317 : memref<!tpu.dma_semaphore, #tpu.memory_space<semaphore_mem>>)
      %dma_wait3A_330 = arith.constant 0 : i32
      %dma_wait3A_331 = arith.constant 0 : i32
      %dma_wait3A_332 = tpu.memref_slice %arg12[%run_scoped3A_33, %dma_wait3A_330, %dma_wait3A_331] : memref<2x56x128xf32, #tpu.memory_space<vmem>> -> memref<1x56x128xf32, #tpu.memory_space<vmem>>
      %dma_wait3A_333 = tpu.memref_squeeze %dma_wait3A_332 : memref<1x56x128xf32, #tpu.memory_space<vmem>> -> memref<56x128xf32, #tpu.memory_space<vmem>>
      %dma_wait3A_334 = arith.constant 0 : i32
      %dma_wait3A_335 = tpu.memref_slice %arg14[%add3A_32, %dma_wait3A_334] : memref<10112x128xf32, #tpu.memory_space<vmem_shared>> -> memref<56x128xf32, #tpu.memory_space<vmem_shared>>
      %dma_wait3A_336 = arith.constant 0 : i32
      %dma_wait3A_337 = tpu.memref_slice %arg14[%add3A_32, %dma_wait3A_336] : memref<10112x128xf32, #tpu.memory_space<vmem_shared>> -> memref<56x128xf32, #tpu.memory_space<vmem_shared>>
      %dma_wait3A_338 = arith.constant 0 : i32
      %dma_wait3A_339 = arith.constant 0 : i32
      %dma_wait3A_340 = tpu.memref_slice %arg12[%run_scoped3A_33, %dma_wait3A_338, %dma_wait3A_339] : memref<2x56x128xf32, #tpu.memory_space<vmem>> -> memref<1x56x128xf32, #tpu.memory_space<vmem>>
      %dma_wait3A_341 = tpu.memref_squeeze %dma_wait3A_340 : memref<1x56x128xf32, #tpu.memory_space<vmem>> -> memref<56x128xf32, #tpu.memory_space<vmem>>
      tpu.wait_dma2 semaphore(%run_scoped3A_317 : memref<!tpu.dma_semaphore, #tpu.memory_space<semaphore_mem>>) src(%dma_wait3A_341 : memref<56x128xf32, #tpu.memory_space<vmem>>) dst(%dma_wait3A_337 : memref<56x128xf32, #tpu.memory_space<vmem_shared>>)
      tpu.yield
    }) : () -> ()
    %add3A_34 = arith.constant 504 : i32
    %add3A_35 = arith.addi %mul3A_7, %add3A_34 : i32
    %run_scoped3A_36 = arith.constant 0 : i32
    "tpu.region"() ({
      %run_scoped3A_317 = tpu.sem_alloc : memref<!tpu.dma_semaphore, #tpu.memory_space<semaphore_mem>>
      %dma_start3A_318 = arith.constant 0 : i32
      %dma_start3A_319 = arith.constant 0 : i32
      %dma_start3A_320 = tpu.memref_slice %arg12[%run_scoped3A_36, %dma_start3A_318, %dma_start3A_319] : memref<2x56x128xf32, #tpu.memory_space<vmem>> -> memref<1x56x128xf32, #tpu.memory_space<vmem>>
      %dma_start3A_321 = tpu.memref_squeeze %dma_start3A_320 : memref<1x56x128xf32, #tpu.memory_space<vmem>> -> memref<56x128xf32, #tpu.memory_space<vmem>>
      %dma_start3A_322 = arith.constant 0 : i32
      %dma_start3A_323 = tpu.memref_slice %arg14[%add3A_35, %dma_start3A_322] : memref<10112x128xf32, #tpu.memory_space<vmem_shared>> -> memref<56x128xf32, #tpu.memory_space<vmem_shared>>
      %dma_start3A_324 = arith.constant 0 : i32
      %dma_start3A_325 = tpu.memref_slice %arg14[%add3A_35, %dma_start3A_324] : memref<10112x128xf32, #tpu.memory_space<vmem_shared>> -> memref<56x128xf32, #tpu.memory_space<vmem_shared>>
      %dma_start3A_326 = arith.constant 0 : i32
      %dma_start3A_327 = arith.constant 0 : i32
      %dma_start3A_328 = tpu.memref_slice %arg12[%run_scoped3A_36, %dma_start3A_326, %dma_start3A_327] : memref<2x56x128xf32, #tpu.memory_space<vmem>> -> memref<1x56x128xf32, #tpu.memory_space<vmem>>
      %dma_start3A_329 = tpu.memref_squeeze %dma_start3A_328 : memref<1x56x128xf32, #tpu.memory_space<vmem>> -> memref<56x128xf32, #tpu.memory_space<vmem>>
      tpu.enqueue_dma source(%dma_start3A_329 : memref<56x128xf32, #tpu.memory_space<vmem>>) target(%dma_start3A_325 : memref<56x128xf32, #tpu.memory_space<vmem_shared>>) target_semaphore(%run_scoped3A_317 : memref<!tpu.dma_semaphore, #tpu.memory_space<semaphore_mem>>)
      %dma_wait3A_330 = arith.constant 0 : i32
      %dma_wait3A_331 = arith.constant 0 : i32
      %dma_wait3A_332 = tpu.memref_slice %arg12[%run_scoped3A_36, %dma_wait3A_330, %dma_wait3A_331] : memref<2x56x128xf32, #tpu.memory_space<vmem>> -> memref<1x56x128xf32, #tpu.memory_space<vmem>>
      %dma_wait3A_333 = tpu.memref_squeeze %dma_wait3A_332 : memref<1x56x128xf32, #tpu.memory_space<vmem>> -> memref<56x128xf32, #tpu.memory_space<vmem>>
      %dma_wait3A_334 = arith.constant 0 : i32
      %dma_wait3A_335 = tpu.memref_slice %arg14[%add3A_35, %dma_wait3A_334] : memref<10112x128xf32, #tpu.memory_space<vmem_shared>> -> memref<56x128xf32, #tpu.memory_space<vmem_shared>>
      %dma_wait3A_336 = arith.constant 0 : i32
      %dma_wait3A_337 = tpu.memref_slice %arg14[%add3A_35, %dma_wait3A_336] : memref<10112x128xf32, #tpu.memory_space<vmem_shared>> -> memref<56x128xf32, #tpu.memory_space<vmem_shared>>
      %dma_wait3A_338 = arith.constant 0 : i32
      %dma_wait3A_339 = arith.constant 0 : i32
      %dma_wait3A_340 = tpu.memref_slice %arg12[%run_scoped3A_36, %dma_wait3A_338, %dma_wait3A_339] : memref<2x56x128xf32, #tpu.memory_space<vmem>> -> memref<1x56x128xf32, #tpu.memory_space<vmem>>
      %dma_wait3A_341 = tpu.memref_squeeze %dma_wait3A_340 : memref<1x56x128xf32, #tpu.memory_space<vmem>> -> memref<56x128xf32, #tpu.memory_space<vmem>>
      tpu.wait_dma2 semaphore(%run_scoped3A_317 : memref<!tpu.dma_semaphore, #tpu.memory_space<semaphore_mem>>) src(%dma_wait3A_341 : memref<56x128xf32, #tpu.memory_space<vmem>>) dst(%dma_wait3A_337 : memref<56x128xf32, #tpu.memory_space<vmem_shared>>)
      tpu.yield
    }) : () -> ()
    %add3A_37 = arith.constant 560 : i32
    %add3A_38 = arith.addi %mul3A_7, %add3A_37 : i32
    %run_scoped3A_39 = arith.constant 0 : i32
    "tpu.region"() ({
      %run_scoped3A_317 = tpu.sem_alloc : memref<!tpu.dma_semaphore, #tpu.memory_space<semaphore_mem>>
      %dma_start3A_318 = arith.constant 0 : i32
      %dma_start3A_319 = arith.constant 0 : i32
      %dma_start3A_320 = tpu.memref_slice %arg12[%run_scoped3A_39, %dma_start3A_318, %dma_start3A_319] : memref<2x56x128xf32, #tpu.memory_space<vmem>> -> memref<1x56x128xf32, #tpu.memory_space<vmem>>
      %dma_start3A_321 = tpu.memref_squeeze %dma_start3A_320 : memref<1x56x128xf32, #tpu.memory_space<vmem>> -> memref<56x128xf32, #tpu.memory_space<vmem>>
      %dma_start3A_322 = arith.constant 0 : i32
      %dma_start3A_323 = tpu.memref_slice %arg14[%add3A_38, %dma_start3A_322] : memref<10112x128xf32, #tpu.memory_space<vmem_shared>> -> memref<56x128xf32, #tpu.memory_space<vmem_shared>>
      %dma_start3A_324 = arith.constant 0 : i32
      %dma_start3A_325 = tpu.memref_slice %arg14[%add3A_38, %dma_start3A_324] : memref<10112x128xf32, #tpu.memory_space<vmem_shared>> -> memref<56x128xf32, #tpu.memory_space<vmem_shared>>
      %dma_start3A_326 = arith.constant 0 : i32
      %dma_start3A_327 = arith.constant 0 : i32
      %dma_start3A_328 = tpu.memref_slice %arg12[%run_scoped3A_39, %dma_start3A_326, %dma_start3A_327] : memref<2x56x128xf32, #tpu.memory_space<vmem>> -> memref<1x56x128xf32, #tpu.memory_space<vmem>>
      %dma_start3A_329 = tpu.memref_squeeze %dma_start3A_328 : memref<1x56x128xf32, #tpu.memory_space<vmem>> -> memref<56x128xf32, #tpu.memory_space<vmem>>
      tpu.enqueue_dma source(%dma_start3A_329 : memref<56x128xf32, #tpu.memory_space<vmem>>) target(%dma_start3A_325 : memref<56x128xf32, #tpu.memory_space<vmem_shared>>) target_semaphore(%run_scoped3A_317 : memref<!tpu.dma_semaphore, #tpu.memory_space<semaphore_mem>>)
      %dma_wait3A_330 = arith.constant 0 : i32
      %dma_wait3A_331 = arith.constant 0 : i32
      %dma_wait3A_332 = tpu.memref_slice %arg12[%run_scoped3A_39, %dma_wait3A_330, %dma_wait3A_331] : memref<2x56x128xf32, #tpu.memory_space<vmem>> -> memref<1x56x128xf32, #tpu.memory_space<vmem>>
      %dma_wait3A_333 = tpu.memref_squeeze %dma_wait3A_332 : memref<1x56x128xf32, #tpu.memory_space<vmem>> -> memref<56x128xf32, #tpu.memory_space<vmem>>
      %dma_wait3A_334 = arith.constant 0 : i32
      %dma_wait3A_335 = tpu.memref_slice %arg14[%add3A_38, %dma_wait3A_334] : memref<10112x128xf32, #tpu.memory_space<vmem_shared>> -> memref<56x128xf32, #tpu.memory_space<vmem_shared>>
      %dma_wait3A_336 = arith.constant 0 : i32
      %dma_wait3A_337 = tpu.memref_slice %arg14[%add3A_38, %dma_wait3A_336] : memref<10112x128xf32, #tpu.memory_space<vmem_shared>> -> memref<56x128xf32, #tpu.memory_space<vmem_shared>>
      %dma_wait3A_338 = arith.constant 0 : i32
      %dma_wait3A_339 = arith.constant 0 : i32
      %dma_wait3A_340 = tpu.memref_slice %arg12[%run_scoped3A_39, %dma_wait3A_338, %dma_wait3A_339] : memref<2x56x128xf32, #tpu.memory_space<vmem>> -> memref<1x56x128xf32, #tpu.memory_space<vmem>>
      %dma_wait3A_341 = tpu.memref_squeeze %dma_wait3A_340 : memref<1x56x128xf32, #tpu.memory_space<vmem>> -> memref<56x128xf32, #tpu.memory_space<vmem>>
      tpu.wait_dma2 semaphore(%run_scoped3A_317 : memref<!tpu.dma_semaphore, #tpu.memory_space<semaphore_mem>>) src(%dma_wait3A_341 : memref<56x128xf32, #tpu.memory_space<vmem>>) dst(%dma_wait3A_337 : memref<56x128xf32, #tpu.memory_space<vmem_shared>>)
      tpu.yield
    }) : () -> ()
    %add3A_40 = arith.constant 616 : i32
    %add3A_41 = arith.addi %mul3A_7, %add3A_40 : i32
    %run_scoped3A_42 = arith.constant 0 : i32
    "tpu.region"() ({
      %run_scoped3A_317 = tpu.sem_alloc : memref<!tpu.dma_semaphore, #tpu.memory_space<semaphore_mem>>
      %dma_start3A_318 = arith.constant 0 : i32
      %dma_start3A_319 = arith.constant 0 : i32
      %dma_start3A_320 = tpu.memref_slice %arg12[%run_scoped3A_42, %dma_start3A_318, %dma_start3A_319] : memref<2x56x128xf32, #tpu.memory_space<vmem>> -> memref<1x16x128xf32, #tpu.memory_space<vmem>>
      %dma_start3A_321 = tpu.memref_squeeze %dma_start3A_320 : memref<1x16x128xf32, #tpu.memory_space<vmem>> -> memref<16x128xf32, #tpu.memory_space<vmem>>
      %dma_start3A_322 = arith.constant 0 : i32
      %dma_start3A_323 = tpu.memref_slice %arg14[%add3A_41, %dma_start3A_322] : memref<10112x128xf32, #tpu.memory_space<vmem_shared>> -> memref<16x128xf32, #tpu.memory_space<vmem_shared>>
      %dma_start3A_324 = arith.constant 0 : i32
      %dma_start3A_325 = tpu.memref_slice %arg14[%add3A_41, %dma_start3A_324] : memref<10112x128xf32, #tpu.memory_space<vmem_shared>> -> memref<16x128xf32, #tpu.memory_space<vmem_shared>>
      %dma_start3A_326 = arith.constant 0 : i32
      %dma_start3A_327 = arith.constant 0 : i32
      %dma_start3A_328 = tpu.memref_slice %arg12[%run_scoped3A_42, %dma_start3A_326, %dma_start3A_327] : memref<2x56x128xf32, #tpu.memory_space<vmem>> -> memref<1x16x128xf32, #tpu.memory_space<vmem>>
      %dma_start3A_329 = tpu.memref_squeeze %dma_start3A_328 : memref<1x16x128xf32, #tpu.memory_space<vmem>> -> memref<16x128xf32, #tpu.memory_space<vmem>>
      tpu.enqueue_dma source(%dma_start3A_329 : memref<16x128xf32, #tpu.memory_space<vmem>>) target(%dma_start3A_325 : memref<16x128xf32, #tpu.memory_space<vmem_shared>>) target_semaphore(%run_scoped3A_317 : memref<!tpu.dma_semaphore, #tpu.memory_space<semaphore_mem>>)
      %dma_wait3A_330 = arith.constant 0 : i32
      %dma_wait3A_331 = arith.constant 0 : i32
      %dma_wait3A_332 = tpu.memref_slice %arg12[%run_scoped3A_42, %dma_wait3A_330, %dma_wait3A_331] : memref<2x56x128xf32, #tpu.memory_space<vmem>> -> memref<1x16x128xf32, #tpu.memory_space<vmem>>
      %dma_wait3A_333 = tpu.memref_squeeze %dma_wait3A_332 : memref<1x16x128xf32, #tpu.memory_space<vmem>> -> memref<16x128xf32, #tpu.memory_space<vmem>>
      %dma_wait3A_334 = arith.constant 0 : i32
      %dma_wait3A_335 = tpu.memref_slice %arg14[%add3A_41, %dma_wait3A_334] : memref<10112x128xf32, #tpu.memory_space<vmem_shared>> -> memref<16x128xf32, #tpu.memory_space<vmem_shared>>
      %dma_wait3A_336 = arith.constant 0 : i32
      %dma_wait3A_337 = tpu.memref_slice %arg14[%add3A_41, %dma_wait3A_336] : memref<10112x128xf32, #tpu.memory_space<vmem_shared>> -> memref<16x128xf32, #tpu.memory_space<vmem_shared>>
      %dma_wait3A_338 = arith.constant 0 : i32
      %dma_wait3A_339 = arith.constant 0 : i32
      %dma_wait3A_340 = tpu.memref_slice %arg12[%run_scoped3A_42, %dma_wait3A_338, %dma_wait3A_339] : memref<2x56x128xf32, #tpu.memory_space<vmem>> -> memref<1x16x128xf32, #tpu.memory_space<vmem>>
      %dma_wait3A_341 = tpu.memref_squeeze %dma_wait3A_340 : memref<1x16x128xf32, #tpu.memory_space<vmem>> -> memref<16x128xf32, #tpu.memory_space<vmem>>
      tpu.wait_dma2 semaphore(%run_scoped3A_317 : memref<!tpu.dma_semaphore, #tpu.memory_space<semaphore_mem>>) src(%dma_wait3A_341 : memref<16x128xf32, #tpu.memory_space<vmem>>) dst(%dma_wait3A_337 : memref<16x128xf32, #tpu.memory_space<vmem_shared>>)
      tpu.yield
    }) : () -> ()
    %barrier3A = arith.constant 0 : index
    tpu.barrier barrier_id(%barrier3A)
    %get3A = arith.constant 0 : index
    %get3A_43 = tpu.vector_load %arg13[%get3A] {strides = array<i32>} : memref<128xf32, #tpu.memory_space<vmem>>, vector<16xf32>,
    %get3A_44 = vector.shape_cast %get3A_43 : vector<16xf32> to vector<16xf32>
    %get3A_45 = arith.constant 16 : index
    %get3A_46 = tpu.vector_load %arg13[%get3A_45] {strides = array<i32>} : memref<128xf32, #tpu.memory_space<vmem>>, vector<16xf32>,
    %get3A_47 = vector.shape_cast %get3A_46 : vector<16xf32> to vector<16xf32>
    %get3A_48 = arith.constant 32 : index
    %get3A_49 = tpu.vector_load %arg13[%get3A_48] {strides = array<i32>} : memref<128xf32, #tpu.memory_space<vmem>>, vector<16xf32>,
    %get3A_50 = vector.shape_cast %get3A_49 : vector<16xf32> to vector<16xf32>
    %get3A_51 = arith.constant 48 : index
    %get3A_52 = tpu.vector_load %arg13[%get3A_51] {strides = array<i32>} : memref<128xf32, #tpu.memory_space<vmem>>, vector<16xf32>,
    %get3A_53 = vector.shape_cast %get3A_52 : vector<16xf32> to vector<16xf32>
    %get3A_54 = arith.constant 64 : index
    %get3A_55 = tpu.vector_load %arg13[%get3A_54] {strides = array<i32>} : memref<128xf32, #tpu.memory_space<vmem>>, vector<16xf32>,
    %get3A_56 = vector.shape_cast %get3A_55 : vector<16xf32> to vector<16xf32>
    %get3A_57 = arith.constant 80 : index
    %get3A_58 = tpu.vector_load %arg13[%get3A_57] {strides = array<i32>} : memref<128xf32, #tpu.memory_space<vmem>>, vector<16xf32>,
    %get3A_59 = vector.shape_cast %get3A_58 : vector<16xf32> to vector<16xf32>
    %get3A_60 = arith.constant 96 : index
    %get3A_61 = tpu.vector_load %arg13[%get3A_60] {strides = array<i32>} : memref<128xf32, #tpu.memory_space<vmem>>, vector<16xf32>,
    %get3A_62 = vector.shape_cast %get3A_61 : vector<16xf32> to vector<16xf32>
    %get3A_63 = arith.constant 112 : index
    %get3A_64 = tpu.vector_load %arg13[%get3A_63] {strides = array<i32>} : memref<128xf32, #tpu.memory_space<vmem>>, vector<16xf32>,
    %get3A_65 = vector.shape_cast %get3A_64 : vector<16xf32> to vector<16xf32>
    %run_scoped3A_66 = arith.constant 0 : i32
    "tpu.region"() ({
      %run_scoped3A_317 = tpu.sem_alloc : memref<!tpu.dma_semaphore, #tpu.memory_space<semaphore_mem>>
      %dma_start3A_318 = arith.constant 0 : i32
      %dma_start3A_319 = arith.constant 0 : i32
      %dma_start3A_320 = tpu.memref_slice %arg8[%run_scoped3A_66, %dma_start3A_318, %dma_start3A_319] : memref<3x2x56xi32, #tpu.memory_space<vmem>> -> memref<1x2x56xi32, #tpu.memory_space<vmem>>
      %dma_start3A_321 = tpu.memref_squeeze %dma_start3A_320 : memref<1x2x56xi32, #tpu.memory_space<vmem>> -> memref<2x56xi32, #tpu.memory_space<vmem>>
      %dma_start3A_322 = arith.constant 0 : i32
      %dma_start3A_323 = arith.constant 0 : i32
      %dma_start3A_324 = tpu.memref_slice %arg4[%add3A, %dma_start3A_322, %dma_start3A_323] : memref<32x180x56xi32, #tpu.memory_space<hbm>> -> memref<1x2x56xi32, #tpu.memory_space<hbm>>
      %dma_start3A_325 = tpu.memref_squeeze %dma_start3A_324 : memref<1x2x56xi32, #tpu.memory_space<hbm>> -> memref<2x56xi32, #tpu.memory_space<hbm>>
      %dma_start3A_326 = arith.constant 0 : i32
      %dma_start3A_327 = arith.constant 0 : i32
      %dma_start3A_328 = tpu.memref_slice %arg8[%run_scoped3A_66, %dma_start3A_326, %dma_start3A_327] : memref<3x2x56xi32, #tpu.memory_space<vmem>> -> memref<1x2x56xi32, #tpu.memory_space<vmem>>
      %dma_start3A_329 = tpu.memref_squeeze %dma_start3A_328 : memref<1x2x56xi32, #tpu.memory_space<vmem>> -> memref<2x56xi32, #tpu.memory_space<vmem>>
      %dma_start3A_330 = arith.constant 0 : i32
      %dma_start3A_331 = arith.constant 0 : i32
      %dma_start3A_332 = tpu.memref_slice %arg4[%add3A, %dma_start3A_330, %dma_start3A_331] : memref<32x180x56xi32, #tpu.memory_space<hbm>> -> memref<1x2x56xi32, #tpu.memory_space<hbm>>
      %dma_start3A_333 = tpu.memref_squeeze %dma_start3A_332 : memref<1x2x56xi32, #tpu.memory_space<hbm>> -> memref<2x56xi32, #tpu.memory_space<hbm>>
      tpu.enqueue_dma source(%dma_start3A_333 : memref<2x56xi32, #tpu.memory_space<hbm>>) target(%dma_start3A_329 : memref<2x56xi32, #tpu.memory_space<vmem>>) target_semaphore(%run_scoped3A_317 : memref<!tpu.dma_semaphore, #tpu.memory_space<semaphore_mem>>)
      %dma_wait3A_334 = arith.constant 0 : i32
      %dma_wait3A_335 = arith.constant 0 : i32
      %dma_wait3A_336 = tpu.memref_slice %arg8[%run_scoped3A_66, %dma_wait3A_334, %dma_wait3A_335] : memref<3x2x56xi32, #tpu.memory_space<vmem>> -> memref<1x2x56xi32, #tpu.memory_space<vmem>>
      %dma_wait3A_337 = tpu.memref_squeeze %dma_wait3A_336 : memref<1x2x56xi32, #tpu.memory_space<vmem>> -> memref<2x56xi32, #tpu.memory_space<vmem>>
      %dma_wait3A_338 = arith.constant 0 : i32
      %dma_wait3A_339 = arith.constant 0 : i32
      %dma_wait3A_340 = tpu.memref_slice %arg4[%add3A, %dma_wait3A_338, %dma_wait3A_339] : memref<32x180x56xi32, #tpu.memory_space<hbm>> -> memref<1x2x56xi32, #tpu.memory_space<hbm>>
      %dma_wait3A_341 = tpu.memref_squeeze %dma_wait3A_340 : memref<1x2x56xi32, #tpu.memory_space<hbm>> -> memref<2x56xi32, #tpu.memory_space<hbm>>
      %dma_wait3A_342 = arith.constant 0 : i32
      %dma_wait3A_343 = arith.constant 0 : i32
      %dma_wait3A_344 = tpu.memref_slice %arg8[%run_scoped3A_66, %dma_wait3A_342, %dma_wait3A_343] : memref<3x2x56xi32, #tpu.memory_space<vmem>> -> memref<1x2x56xi32, #tpu.memory_space<vmem>>
      %dma_wait3A_345 = tpu.memref_squeeze %dma_wait3A_344 : memref<1x2x56xi32, #tpu.memory_space<vmem>> -> memref<2x56xi32, #tpu.memory_space<vmem>>
      %dma_wait3A_346 = arith.constant 0 : i32
      %dma_wait3A_347 = arith.constant 0 : i32
      %dma_wait3A_348 = tpu.memref_slice %arg4[%add3A, %dma_wait3A_346, %dma_wait3A_347] : memref<32x180x56xi32, #tpu.memory_space<hbm>> -> memref<1x2x56xi32, #tpu.memory_space<hbm>>
      %dma_wait3A_349 = tpu.memref_squeeze %dma_wait3A_348 : memref<1x2x56xi32, #tpu.memory_space<hbm>> -> memref<2x56xi32, #tpu.memory_space<hbm>>
      tpu.wait_dma2 semaphore(%run_scoped3A_317 : memref<!tpu.dma_semaphore, #tpu.memory_space<semaphore_mem>>) src(%dma_wait3A_349 : memref<2x56xi32, #tpu.memory_space<hbm>>) dst(%dma_wait3A_345 : memref<2x56xi32, #tpu.memory_space<vmem>>)
      tpu.yield
    }) : () -> ()
    %run_scoped3A_67 = arith.constant 0 : i32
    "tpu.region"() ({
      %run_scoped3A_317 = tpu.sem_alloc : memref<!tpu.dma_semaphore, #tpu.memory_space<semaphore_mem>>
      %dma_start3A_318 = arith.constant 0 : i32
      %dma_start3A_319 = arith.constant 0 : i32
      %dma_start3A_320 = tpu.memref_slice %arg9[%run_scoped3A_67, %dma_start3A_318, %dma_start3A_319] : memref<3x2x56xi32, #tpu.memory_space<vmem>> -> memref<1x2x56xi32, #tpu.memory_space<vmem>>
      %dma_start3A_321 = tpu.memref_squeeze %dma_start3A_320 : memref<1x2x56xi32, #tpu.memory_space<vmem>> -> memref<2x56xi32, #tpu.memory_space<vmem>>
      %dma_start3A_322 = arith.constant 0 : i32
      %dma_start3A_323 = arith.constant 0 : i32
      %dma_start3A_324 = tpu.memref_slice %arg5[%add3A, %dma_start3A_322, %dma_start3A_323] : memref<32x180x56xi32, #tpu.memory_space<hbm>> -> memref<1x2x56xi32, #tpu.memory_space<hbm>>
      %dma_start3A_325 = tpu.memref_squeeze %dma_start3A_324 : memref<1x2x56xi32, #tpu.memory_space<hbm>> -> memref<2x56xi32, #tpu.memory_space<hbm>>
      %dma_start3A_326 = arith.constant 0 : i32
      %dma_start3A_327 = arith.constant 0 : i32
      %dma_start3A_328 = tpu.memref_slice %arg9[%run_scoped3A_67, %dma_start3A_326, %dma_start3A_327] : memref<3x2x56xi32, #tpu.memory_space<vmem>> -> memref<1x2x56xi32, #tpu.memory_space<vmem>>
      %dma_start3A_329 = tpu.memref_squeeze %dma_start3A_328 : memref<1x2x56xi32, #tpu.memory_space<vmem>> -> memref<2x56xi32, #tpu.memory_space<vmem>>
      %dma_start3A_330 = arith.constant 0 : i32
      %dma_start3A_331 = arith.constant 0 : i32
      %dma_start3A_332 = tpu.memref_slice %arg5[%add3A, %dma_start3A_330, %dma_start3A_331] : memref<32x180x56xi32, #tpu.memory_space<hbm>> -> memref<1x2x56xi32, #tpu.memory_space<hbm>>
      %dma_start3A_333 = tpu.memref_squeeze %dma_start3A_332 : memref<1x2x56xi32, #tpu.memory_space<hbm>> -> memref<2x56xi32, #tpu.memory_space<hbm>>
      tpu.enqueue_dma source(%dma_start3A_333 : memref<2x56xi32, #tpu.memory_space<hbm>>) target(%dma_start3A_329 : memref<2x56xi32, #tpu.memory_space<vmem>>) target_semaphore(%run_scoped3A_317 : memref<!tpu.dma_semaphore, #tpu.memory_space<semaphore_mem>>)
      %dma_wait3A_334 = arith.constant 0 : i32
      %dma_wait3A_335 = arith.constant 0 : i32
      %dma_wait3A_336 = tpu.memref_slice %arg9[%run_scoped3A_67, %dma_wait3A_334, %dma_wait3A_335] : memref<3x2x56xi32, #tpu.memory_space<vmem>> -> memref<1x2x56xi32, #tpu.memory_space<vmem>>
      %dma_wait3A_337 = tpu.memref_squeeze %dma_wait3A_336 : memref<1x2x56xi32, #tpu.memory_space<vmem>> -> memref<2x56xi32, #tpu.memory_space<vmem>>
      %dma_wait3A_338 = arith.constant 0 : i32
      %dma_wait3A_339 = arith.constant 0 : i32
      %dma_wait3A_340 = tpu.memref_slice %arg5[%add3A, %dma_wait3A_338, %dma_wait3A_339] : memref<32x180x56xi32, #tpu.memory_space<hbm>> -> memref<1x2x56xi32, #tpu.memory_space<hbm>>
      %dma_wait3A_341 = tpu.memref_squeeze %dma_wait3A_340 : memref<1x2x56xi32, #tpu.memory_space<hbm>> -> memref<2x56xi32, #tpu.memory_space<hbm>>
      %dma_wait3A_342 = arith.constant 0 : i32
      %dma_wait3A_343 = arith.constant 0 : i32
      %dma_wait3A_344 = tpu.memref_slice %arg9[%run_scoped3A_67, %dma_wait3A_342, %dma_wait3A_343] : memref<3x2x56xi32, #tpu.memory_space<vmem>> -> memref<1x2x56xi32, #tpu.memory_space<vmem>>
      %dma_wait3A_345 = tpu.memref_squeeze %dma_wait3A_344 : memref<1x2x56xi32, #tpu.memory_space<vmem>> -> memref<2x56xi32, #tpu.memory_space<vmem>>
      %dma_wait3A_346 = arith.constant 0 : i32
      %dma_wait3A_347 = arith.constant 0 : i32
      %dma_wait3A_348 = tpu.memref_slice %arg5[%add3A, %dma_wait3A_346, %dma_wait3A_347] : memref<32x180x56xi32, #tpu.memory_space<hbm>> -> memref<1x2x56xi32, #tpu.memory_space<hbm>>
      %dma_wait3A_349 = tpu.memref_squeeze %dma_wait3A_348 : memref<1x2x56xi32, #tpu.memory_space<hbm>> -> memref<2x56xi32, #tpu.memory_space<hbm>>
      tpu.wait_dma2 semaphore(%run_scoped3A_317 : memref<!tpu.dma_semaphore, #tpu.memory_space<semaphore_mem>>) src(%dma_wait3A_349 : memref<2x56xi32, #tpu.memory_space<hbm>>) dst(%dma_wait3A_345 : memref<2x56xi32, #tpu.memory_space<vmem>>)
      tpu.yield
    }) : () -> ()
    %dma_start3A = arith.constant 1 : i32
    %dma_start3A_68 = arith.constant 0 : i32
    %dma_start3A_69 = arith.constant 0 : i32
    %dma_start3A_70 = tpu.memref_slice %arg8[%dma_start3A, %dma_start3A_68, %dma_start3A_69] : memref<3x2x56xi32, #tpu.memory_space<vmem>> -> memref<1x2x56xi32, #tpu.memory_space<vmem>>
    %dma_start3A_71 = tpu.memref_squeeze %dma_start3A_70 : memref<1x2x56xi32, #tpu.memory_space<vmem>> -> memref<2x56xi32, #tpu.memory_space<vmem>>
    %dma_start3A_72 = arith.constant 2 : i32
    %dma_start3A_73 = arith.constant 0 : i32
    %dma_start3A_74 = tpu.memref_slice %arg4[%add3A, %dma_start3A_72, %dma_start3A_73] : memref<32x180x56xi32, #tpu.memory_space<hbm>> -> memref<1x2x56xi32, #tpu.memory_space<hbm>>
    %dma_start3A_75 = tpu.memref_squeeze %dma_start3A_74 : memref<1x2x56xi32, #tpu.memory_space<hbm>> -> memref<2x56xi32, #tpu.memory_space<hbm>>
    %dma_start3A_76 = arith.constant 0 : i32
    %dma_start3A_77 = arith.constant 0 : i32
    %dma_start3A_78 = tpu.memref_slice %arg8[%dma_start3A, %dma_start3A_76, %dma_start3A_77] : memref<3x2x56xi32, #tpu.memory_space<vmem>> -> memref<1x2x56xi32, #tpu.memory_space<vmem>>
    %dma_start3A_79 = tpu.memref_squeeze %dma_start3A_78 : memref<1x2x56xi32, #tpu.memory_space<vmem>> -> memref<2x56xi32, #tpu.memory_space<vmem>>
    %dma_start3A_80 = arith.constant 2 : i32
    %dma_start3A_81 = arith.constant 0 : i32
    %dma_start3A_82 = tpu.memref_slice %arg4[%add3A, %dma_start3A_80, %dma_start3A_81] : memref<32x180x56xi32, #tpu.memory_space<hbm>> -> memref<1x2x56xi32, #tpu.memory_space<hbm>>
    %dma_start3A_83 = tpu.memref_squeeze %dma_start3A_82 : memref<1x2x56xi32, #tpu.memory_space<hbm>> -> memref<2x56xi32, #tpu.memory_space<hbm>>
    tpu.enqueue_dma source(%dma_start3A_83 : memref<2x56xi32, #tpu.memory_space<hbm>>) target(%dma_start3A_79 : memref<2x56xi32, #tpu.memory_space<vmem>>) target_semaphore(%arg17 : memref<!tpu.dma_semaphore, #tpu.memory_space<semaphore_mem>>)
    %dma_start3A_84 = arith.constant 1 : i32
    %dma_start3A_85 = arith.constant 0 : i32
    %dma_start3A_86 = arith.constant 0 : i32
    %dma_start3A_87 = tpu.memref_slice %arg9[%dma_start3A_84, %dma_start3A_85, %dma_start3A_86] : memref<3x2x56xi32, #tpu.memory_space<vmem>> -> memref<1x2x56xi32, #tpu.memory_space<vmem>>
    %dma_start3A_88 = tpu.memref_squeeze %dma_start3A_87 : memref<1x2x56xi32, #tpu.memory_space<vmem>> -> memref<2x56xi32, #tpu.memory_space<vmem>>
    %dma_start3A_89 = arith.constant 2 : i32
    %dma_start3A_90 = arith.constant 0 : i32
    %dma_start3A_91 = tpu.memref_slice %arg5[%add3A, %dma_start3A_89, %dma_start3A_90] : memref<32x180x56xi32, #tpu.memory_space<hbm>> -> memref<1x2x56xi32, #tpu.memory_space<hbm>>
    %dma_start3A_92 = tpu.memref_squeeze %dma_start3A_91 : memref<1x2x56xi32, #tpu.memory_space<hbm>> -> memref<2x56xi32, #tpu.memory_space<hbm>>
    %dma_start3A_93 = arith.constant 0 : i32
    %dma_start3A_94 = arith.constant 0 : i32
    %dma_start3A_95 = tpu.memref_slice %arg9[%dma_start3A_84, %dma_start3A_93, %dma_start3A_94] : memref<3x2x56xi32, #tpu.memory_space<vmem>> -> memref<1x2x56xi32, #tpu.memory_space<vmem>>
    %dma_start3A_96 = tpu.memref_squeeze %dma_start3A_95 : memref<1x2x56xi32, #tpu.memory_space<vmem>> -> memref<2x56xi32, #tpu.memory_space<vmem>>
    %dma_start3A_97 = arith.constant 2 : i32
    %dma_start3A_98 = arith.constant 0 : i32
    %dma_start3A_99 = tpu.memref_slice %arg5[%add3A, %dma_start3A_97, %dma_start3A_98] : memref<32x180x56xi32, #tpu.memory_space<hbm>> -> memref<1x2x56xi32, #tpu.memory_space<hbm>>
    %dma_start3A_100 = tpu.memref_squeeze %dma_start3A_99 : memref<1x2x56xi32, #tpu.memory_space<hbm>> -> memref<2x56xi32, #tpu.memory_space<hbm>>
    tpu.enqueue_dma source(%dma_start3A_100 : memref<2x56xi32, #tpu.memory_space<hbm>>) target(%dma_start3A_96 : memref<2x56xi32, #tpu.memory_space<vmem>>) target_semaphore(%arg17 : memref<!tpu.dma_semaphore, #tpu.memory_space<semaphore_mem>>)
    %dma_start3A_101 = arith.constant 0 : i32
    %dma_start3A_102 = arith.constant 0 : i32
    %dma_start3A_103 = arith.constant 0 : i32
    %dma_start3A_104 = arith.constant 0 : i32
    %dma_start3A_105 = arith.constant 0 : i32
    %dma_start3A_106 = tpu.memref_slice %arg10[%dma_start3A_103, %dma_start3A_104, %dma_start3A_105] : memref<2x56x128xf32, #tpu.memory_space<vmem>> -> memref<1x56x128xf32, #tpu.memory_space<vmem>>
    %dma_start3A_107 = tpu.memref_squeeze %dma_start3A_106 : memref<1x56x128xf32, #tpu.memory_space<vmem>> -> memref<56x128xf32, #tpu.memory_space<vmem>>
    %dma_start3A_108 = arith.constant 0 : i32
    %dma_start3A_109 = tpu.memref_slice %arg8[%dma_start3A_101, %dma_start3A_102, %dma_start3A_108] : memref<3x2x56xi32, #tpu.memory_space<vmem>> -> memref<1x1x56xi32, #tpu.memory_space<vmem>>
    %dma_start3A_110 = tpu.memref_squeeze %dma_start3A_109 : memref<1x1x56xi32, #tpu.memory_space<vmem>> -> memref<56xi32, #tpu.memory_space<vmem>>
    %dma_start3A_111 = arith.constant 0 : i32
    %dma_start3A_112 = arith.constant 0 : i32
    %dma_start3A_113 = tpu.memref_slice %arg2[%dma_start3A_111, %dma_start3A_112] : memref<20224x128xf32, #tpu.memory_space<hbm>> -> memref<20224x128xf32, #tpu.memory_space<hbm>>
    tpu.enqueue_indirect_dma source(%dma_start3A_113 : memref<20224x128xf32, #tpu.memory_space<hbm>>) target(%dma_start3A_107 : memref<56x128xf32, #tpu.memory_space<vmem>>) offsets(%dma_start3A_110 : memref<56xi32, #tpu.memory_space<vmem>>) semaphore(%arg15 : memref<!tpu.dma_semaphore, #tpu.memory_space<semaphore_mem>>)
    %dma_start3A_114 = arith.constant 0 : i32
    %dma_start3A_115 = arith.constant 0 : i32
    %dma_start3A_116 = arith.constant 0 : i32
    %dma_start3A_117 = arith.constant 0 : i32
    %dma_start3A_118 = arith.constant 0 : i32
    %dma_start3A_119 = tpu.memref_slice %arg11[%dma_start3A_116, %dma_start3A_117, %dma_start3A_118] : memref<2x56x128xf32, #tpu.memory_space<vmem>> -> memref<1x56x128xf32, #tpu.memory_space<vmem>>
    %dma_start3A_120 = tpu.memref_squeeze %dma_start3A_119 : memref<1x56x128xf32, #tpu.memory_space<vmem>> -> memref<56x128xf32, #tpu.memory_space<vmem>>
    %dma_start3A_121 = arith.constant 0 : i32
    %dma_start3A_122 = tpu.memref_slice %arg9[%dma_start3A_114, %dma_start3A_115, %dma_start3A_121] : memref<3x2x56xi32, #tpu.memory_space<vmem>> -> memref<1x1x56xi32, #tpu.memory_space<vmem>>
    %dma_start3A_123 = tpu.memref_squeeze %dma_start3A_122 : memref<1x1x56xi32, #tpu.memory_space<vmem>> -> memref<56xi32, #tpu.memory_space<vmem>>
    %dma_start3A_124 = arith.constant 0 : i32
    %dma_start3A_125 = arith.constant 0 : i32
    %dma_start3A_126 = tpu.memref_slice %arg2[%dma_start3A_124, %dma_start3A_125] : memref<20224x128xf32, #tpu.memory_space<hbm>> -> memref<20224x128xf32, #tpu.memory_space<hbm>>
    tpu.enqueue_indirect_dma source(%dma_start3A_126 : memref<20224x128xf32, #tpu.memory_space<hbm>>) target(%dma_start3A_120 : memref<56x128xf32, #tpu.memory_space<vmem>>) offsets(%dma_start3A_123 : memref<56xi32, #tpu.memory_space<vmem>>) semaphore(%arg15 : memref<!tpu.dma_semaphore, #tpu.memory_space<semaphore_mem>>)
    %dma_start3A_127 = arith.constant 0 : i32
    %dma_start3A_128 = arith.constant 0 : i32
    %dma_start3A_129 = arith.constant 0 : i32
    %dma_start3A_130 = arith.constant 0 : i32
    %dma_start3A_131 = tpu.memref_slice %arg12[%dma_start3A_128, %dma_start3A_129, %dma_start3A_130] : memref<2x56x128xf32, #tpu.memory_space<vmem>> -> memref<1x56x128xf32, #tpu.memory_space<vmem>>
    %dma_start3A_132 = tpu.memref_squeeze %dma_start3A_131 : memref<1x56x128xf32, #tpu.memory_space<vmem>> -> memref<56x128xf32, #tpu.memory_space<vmem>>
    %dma_start3A_133 = arith.constant 0 : i32
    %dma_start3A_134 = arith.constant 0 : i32
    %dma_start3A_135 = tpu.memref_slice %arg3[%add3A, %dma_start3A_127, %dma_start3A_133, %dma_start3A_134] : memref<32x180x56x128xf32, #tpu.memory_space<hbm>> -> memref<1x1x56x128xf32, #tpu.memory_space<hbm>>
    %dma_start3A_136 = tpu.memref_squeeze %dma_start3A_135 : memref<1x1x56x128xf32, #tpu.memory_space<hbm>> -> memref<56x128xf32, #tpu.memory_space<hbm>>
    %dma_start3A_137 = arith.constant 0 : i32
    %dma_start3A_138 = arith.constant 0 : i32
    %dma_start3A_139 = tpu.memref_slice %arg12[%dma_start3A_128, %dma_start3A_137, %dma_start3A_138] : memref<2x56x128xf32, #tpu.memory_space<vmem>> -> memref<1x56x128xf32, #tpu.memory_space<vmem>>
    %dma_start3A_140 = tpu.memref_squeeze %dma_start3A_139 : memref<1x56x128xf32, #tpu.memory_space<vmem>> -> memref<56x128xf32, #tpu.memory_space<vmem>>
    %dma_start3A_141 = arith.constant 0 : i32
    %dma_start3A_142 = arith.constant 0 : i32
    %dma_start3A_143 = tpu.memref_slice %arg3[%add3A, %dma_start3A_127, %dma_start3A_141, %dma_start3A_142] : memref<32x180x56x128xf32, #tpu.memory_space<hbm>> -> memref<1x1x56x128xf32, #tpu.memory_space<hbm>>
    %dma_start3A_144 = tpu.memref_squeeze %dma_start3A_143 : memref<1x1x56x128xf32, #tpu.memory_space<hbm>> -> memref<56x128xf32, #tpu.memory_space<hbm>>
    tpu.enqueue_dma source(%dma_start3A_144 : memref<56x128xf32, #tpu.memory_space<hbm>>) target(%dma_start3A_140 : memref<56x128xf32, #tpu.memory_space<vmem>>) target_semaphore(%arg15 : memref<!tpu.dma_semaphore, #tpu.memory_space<semaphore_mem>>)
    %dma_start3A_145 = arith.constant 0 : i32
    %dma_start3A_146 = arith.constant 1 : i32
    %dma_start3A_147 = arith.constant 1 : i32
    %dma_start3A_148 = arith.constant 0 : i32
    %dma_start3A_149 = arith.constant 0 : i32
    %dma_start3A_150 = tpu.memref_slice %arg10[%dma_start3A_147, %dma_start3A_148, %dma_start3A_149] : memref<2x56x128xf32, #tpu.memory_space<vmem>> -> memref<1x56x128xf32, #tpu.memory_space<vmem>>
    %dma_start3A_151 = tpu.memref_squeeze %dma_start3A_150 : memref<1x56x128xf32, #tpu.memory_space<vmem>> -> memref<56x128xf32, #tpu.memory_space<vmem>>
    %dma_start3A_152 = arith.constant 0 : i32
    %dma_start3A_153 = tpu.memref_slice %arg8[%dma_start3A_145, %dma_start3A_146, %dma_start3A_152] : memref<3x2x56xi32, #tpu.memory_space<vmem>> -> memref<1x1x56xi32, #tpu.memory_space<vmem>>
    %dma_start3A_154 = tpu.memref_squeeze %dma_start3A_153 : memref<1x1x56xi32, #tpu.memory_space<vmem>> -> memref<56xi32, #tpu.memory_space<vmem>>
    %dma_start3A_155 = arith.constant 0 : i32
    %dma_start3A_156 = arith.constant 0 : i32
    %dma_start3A_157 = tpu.memref_slice %arg2[%dma_start3A_155, %dma_start3A_156] : memref<20224x128xf32, #tpu.memory_space<hbm>> -> memref<20224x128xf32, #tpu.memory_space<hbm>>
    tpu.enqueue_indirect_dma source(%dma_start3A_157 : memref<20224x128xf32, #tpu.memory_space<hbm>>) target(%dma_start3A_151 : memref<56x128xf32, #tpu.memory_space<vmem>>) offsets(%dma_start3A_154 : memref<56xi32, #tpu.memory_space<vmem>>) semaphore(%arg16 : memref<!tpu.dma_semaphore, #tpu.memory_space<semaphore_mem>>)
    %dma_start3A_158 = arith.constant 0 : i32
    %dma_start3A_159 = arith.constant 1 : i32
    %dma_start3A_160 = arith.constant 1 : i32
    %dma_start3A_161 = arith.constant 0 : i32
    %dma_start3A_162 = arith.constant 0 : i32
    %dma_start3A_163 = tpu.memref_slice %arg11[%dma_start3A_160, %dma_start3A_161, %dma_start3A_162] : memref<2x56x128xf32, #tpu.memory_space<vmem>> -> memref<1x56x128xf32, #tpu.memory_space<vmem>>
    %dma_start3A_164 = tpu.memref_squeeze %dma_start3A_163 : memref<1x56x128xf32, #tpu.memory_space<vmem>> -> memref<56x128xf32, #tpu.memory_space<vmem>>
    %dma_start3A_165 = arith.constant 0 : i32
    %dma_start3A_166 = tpu.memref_slice %arg9[%dma_start3A_158, %dma_start3A_159, %dma_start3A_165] : memref<3x2x56xi32, #tpu.memory_space<vmem>> -> memref<1x1x56xi32, #tpu.memory_space<vmem>>
    %dma_start3A_167 = tpu.memref_squeeze %dma_start3A_166 : memref<1x1x56xi32, #tpu.memory_space<vmem>> -> memref<56xi32, #tpu.memory_space<vmem>>
    %dma_start3A_168 = arith.constant 0 : i32
    %dma_start3A_169 = arith.constant 0 : i32
    %dma_start3A_170 = tpu.memref_slice %arg2[%dma_start3A_168, %dma_start3A_169] : memref<20224x128xf32, #tpu.memory_space<hbm>> -> memref<20224x128xf32, #tpu.memory_space<hbm>>
    tpu.enqueue_indirect_dma source(%dma_start3A_170 : memref<20224x128xf32, #tpu.memory_space<hbm>>) target(%dma_start3A_164 : memref<56x128xf32, #tpu.memory_space<vmem>>) offsets(%dma_start3A_167 : memref<56xi32, #tpu.memory_space<vmem>>) semaphore(%arg16 : memref<!tpu.dma_semaphore, #tpu.memory_space<semaphore_mem>>)
    %dma_start3A_171 = arith.constant 1 : i32
    %dma_start3A_172 = arith.constant 1 : i32
    %dma_start3A_173 = arith.constant 0 : i32
    %dma_start3A_174 = arith.constant 0 : i32
    %dma_start3A_175 = tpu.memref_slice %arg12[%dma_start3A_172, %dma_start3A_173, %dma_start3A_174] : memref<2x56x128xf32, #tpu.memory_space<vmem>> -> memref<1x56x128xf32, #tpu.memory_space<vmem>>
    %dma_start3A_176 = tpu.memref_squeeze %dma_start3A_175 : memref<1x56x128xf32, #tpu.memory_space<vmem>> -> memref<56x128xf32, #tpu.memory_space<vmem>>
    %dma_start3A_177 = arith.constant 0 : i32
    %dma_start3A_178 = arith.constant 0 : i32
    %dma_start3A_179 = tpu.memref_slice %arg3[%add3A, %dma_start3A_171, %dma_start3A_177, %dma_start3A_178] : memref<32x180x56x128xf32, #tpu.memory_space<hbm>> -> memref<1x1x56x128xf32, #tpu.memory_space<hbm>>
    %dma_start3A_180 = tpu.memref_squeeze %dma_start3A_179 : memref<1x1x56x128xf32, #tpu.memory_space<hbm>> -> memref<56x128xf32, #tpu.memory_space<hbm>>
    %dma_start3A_181 = arith.constant 0 : i32
    %dma_start3A_182 = arith.constant 0 : i32
    %dma_start3A_183 = tpu.memref_slice %arg12[%dma_start3A_172, %dma_start3A_181, %dma_start3A_182] : memref<2x56x128xf32, #tpu.memory_space<vmem>> -> memref<1x56x128xf32, #tpu.memory_space<vmem>>
    %dma_start3A_184 = tpu.memref_squeeze %dma_start3A_183 : memref<1x56x128xf32, #tpu.memory_space<vmem>> -> memref<56x128xf32, #tpu.memory_space<vmem>>
    %dma_start3A_185 = arith.constant 0 : i32
    %dma_start3A_186 = arith.constant 0 : i32
    %dma_start3A_187 = tpu.memref_slice %arg3[%add3A, %dma_start3A_171, %dma_start3A_185, %dma_start3A_186] : memref<32x180x56x128xf32, #tpu.memory_space<hbm>> -> memref<1x1x56x128xf32, #tpu.memory_space<hbm>>
    %dma_start3A_188 = tpu.memref_squeeze %dma_start3A_187 : memref<1x1x56x128xf32, #tpu.memory_space<hbm>> -> memref<56x128xf32, #tpu.memory_space<hbm>>
    tpu.enqueue_dma source(%dma_start3A_188 : memref<56x128xf32, #tpu.memory_space<hbm>>) target(%dma_start3A_184 : memref<56x128xf32, #tpu.memory_space<vmem>>) target_semaphore(%arg16 : memref<!tpu.dma_semaphore, #tpu.memory_space<semaphore_mem>>)
    %scan3A_189 = arith.constant 0 : i32
    %scan3A_190 = arith.constant 0 : i32
    %scan3A_191 = arith.constant 90 : i32
    %scan3A_192 = arith.addi %scan3A_190, %scan3A_191 : i32
    %scan3A_193 = arith.constant 1 : i32
    scf.for %scan3A_317 = %scan3A_190 to %scan3A_192 step %scan3A_193  : i32 {
      %rem3A = arith.constant 3 : i32
      %rem3A_318 = arith.remsi %scan3A_317, %rem3A : i32
      %add3A_319 = arith.constant 1 : i32
      %add3A_320 = arith.addi %scan3A_317, %add3A_319 : i32
      %rem3A_321 = arith.constant 3 : i32
      %rem3A_322 = arith.remsi %add3A_320, %rem3A_321 : i32
      %mul3A_323 = arith.constant 2 : i32
      %mul3A_324 = arith.muli %scan3A_317, %mul3A_323 : i32
      %add3A_325 = arith.constant 0 : i32
      %add3A_326 = arith.addi %mul3A_324, %add3A_325 : i32
      %dma_wait3A_327 = arith.constant 0 : i32
      %dma_wait3A_328 = arith.constant 0 : i32
      %dma_wait3A_329 = arith.constant 0 : i32
      %dma_wait3A_330 = arith.constant 0 : i32
      %dma_wait3A_331 = tpu.memref_slice %arg10[%dma_wait3A_328, %dma_wait3A_329, %dma_wait3A_330] : memref<2x56x128xf32, #tpu.memory_space<vmem>> -> memref<1x56x128xf32, #tpu.memory_space<vmem>>
      %dma_wait3A_332 = tpu.memref_squeeze %dma_wait3A_331 : memref<1x56x128xf32, #tpu.memory_space<vmem>> -> memref<56x128xf32, #tpu.memory_space<vmem>>
      %dma_wait3A_333 = arith.constant 0 : i32
      %dma_wait3A_334 = tpu.memref_slice %arg8[%rem3A_318, %dma_wait3A_327, %dma_wait3A_333] : memref<3x2x56xi32, #tpu.memory_space<vmem>> -> memref<1x1x56xi32, #tpu.memory_space<vmem>>
      %dma_wait3A_335 = tpu.memref_squeeze %dma_wait3A_334 : memref<1x1x56xi32, #tpu.memory_space<vmem>> -> memref<56xi32, #tpu.memory_space<vmem>>
      %dma_wait3A_336 = arith.constant 0 : i32
      %dma_wait3A_337 = arith.constant 0 : i32
      %dma_wait3A_338 = tpu.memref_slice %arg2[%dma_wait3A_336, %dma_wait3A_337] : memref<20224x128xf32, #tpu.memory_space<hbm>> -> memref<20224x128xf32, #tpu.memory_space<hbm>>
      tpu.wait_indirect_dma semaphore(%arg15 : memref<!tpu.dma_semaphore, #tpu.memory_space<semaphore_mem>>) src(%dma_wait3A_338 : memref<20224x128xf32, #tpu.memory_space<hbm>>) dst(%dma_wait3A_332 : memref<56x128xf32, #tpu.memory_space<vmem>>)
      %dma_wait3A_339 = arith.constant 0 : i32
      %dma_wait3A_340 = arith.constant 0 : i32
      %dma_wait3A_341 = arith.constant 0 : i32
      %dma_wait3A_342 = arith.constant 0 : i32
      %dma_wait3A_343 = tpu.memref_slice %arg11[%dma_wait3A_340, %dma_wait3A_341, %dma_wait3A_342] : memref<2x56x128xf32, #tpu.memory_space<vmem>> -> memref<1x56x128xf32, #tpu.memory_space<vmem>>
      %dma_wait3A_344 = tpu.memref_squeeze %dma_wait3A_343 : memref<1x56x128xf32, #tpu.memory_space<vmem>> -> memref<56x128xf32, #tpu.memory_space<vmem>>
      %dma_wait3A_345 = arith.constant 0 : i32
      %dma_wait3A_346 = tpu.memref_slice %arg9[%rem3A_318, %dma_wait3A_339, %dma_wait3A_345] : memref<3x2x56xi32, #tpu.memory_space<vmem>> -> memref<1x1x56xi32, #tpu.memory_space<vmem>>
      %dma_wait3A_347 = tpu.memref_squeeze %dma_wait3A_346 : memref<1x1x56xi32, #tpu.memory_space<vmem>> -> memref<56xi32, #tpu.memory_space<vmem>>
      %dma_wait3A_348 = arith.constant 0 : i32
      %dma_wait3A_349 = arith.constant 0 : i32
      %dma_wait3A_350 = tpu.memref_slice %arg2[%dma_wait3A_348, %dma_wait3A_349] : memref<20224x128xf32, #tpu.memory_space<hbm>> -> memref<20224x128xf32, #tpu.memory_space<hbm>>
      tpu.wait_indirect_dma semaphore(%arg15 : memref<!tpu.dma_semaphore, #tpu.memory_space<semaphore_mem>>) src(%dma_wait3A_350 : memref<20224x128xf32, #tpu.memory_space<hbm>>) dst(%dma_wait3A_344 : memref<56x128xf32, #tpu.memory_space<vmem>>)
      %dma_wait3A_351 = arith.constant 0 : i32
      %dma_wait3A_352 = arith.constant 0 : i32
      %dma_wait3A_353 = arith.constant 0 : i32
      %dma_wait3A_354 = tpu.memref_slice %arg12[%dma_wait3A_351, %dma_wait3A_352, %dma_wait3A_353] : memref<2x56x128xf32, #tpu.memory_space<vmem>> -> memref<1x56x128xf32, #tpu.memory_space<vmem>>
      %dma_wait3A_355 = tpu.memref_squeeze %dma_wait3A_354 : memref<1x56x128xf32, #tpu.memory_space<vmem>> -> memref<56x128xf32, #tpu.memory_space<vmem>>
      %dma_wait3A_356 = arith.constant 0 : i32
      %dma_wait3A_357 = arith.constant 0 : i32
      %dma_wait3A_358 = tpu.memref_slice %arg3[%add3A, %add3A_326, %dma_wait3A_356, %dma_wait3A_357] : memref<32x180x56x128xf32, #tpu.memory_space<hbm>> -> memref<1x1x56x128xf32, #tpu.memory_space<hbm>>
      %dma_wait3A_359 = tpu.memref_squeeze %dma_wait3A_358 : memref<1x1x56x128xf32, #tpu.memory_space<hbm>> -> memref<56x128xf32, #tpu.memory_space<hbm>>
      %dma_wait3A_360 = arith.constant 0 : i32
      %dma_wait3A_361 = arith.constant 0 : i32
      %dma_wait3A_362 = tpu.memref_slice %arg12[%dma_wait3A_351, %dma_wait3A_360, %dma_wait3A_361] : memref<2x56x128xf32, #tpu.memory_space<vmem>> -> memref<1x56x128xf32, #tpu.memory_space<vmem>>
      %dma_wait3A_363 = tpu.memref_squeeze %dma_wait3A_362 : memref<1x56x128xf32, #tpu.memory_space<vmem>> -> memref<56x128xf32, #tpu.memory_space<vmem>>
      %dma_wait3A_364 = arith.constant 0 : i32
      %dma_wait3A_365 = arith.constant 0 : i32
      %dma_wait3A_366 = tpu.memref_slice %arg3[%add3A, %add3A_326, %dma_wait3A_364, %dma_wait3A_365] : memref<32x180x56x128xf32, #tpu.memory_space<hbm>> -> memref<1x1x56x128xf32, #tpu.memory_space<hbm>>
      %dma_wait3A_367 = tpu.memref_squeeze %dma_wait3A_366 : memref<1x1x56x128xf32, #tpu.memory_space<hbm>> -> memref<56x128xf32, #tpu.memory_space<hbm>>
      tpu.wait_dma2 semaphore(%arg15 : memref<!tpu.dma_semaphore, #tpu.memory_space<semaphore_mem>>) src(%dma_wait3A_367 : memref<56x128xf32, #tpu.memory_space<hbm>>) dst(%dma_wait3A_363 : memref<56x128xf32, #tpu.memory_space<vmem>>)
      %scan3A_368 = arith.constant 0 : i32
      %scan3A_369 = arith.constant 0 : i32
      %scan3A_370 = arith.constant 56 : i32
      %scan3A_371 = arith.addi %scan3A_369, %scan3A_370 : i32
      %scan3A_372 = arith.constant 1 : i32
      scf.for %scan3A_590 = %scan3A_369 to %scan3A_371 step %scan3A_372  : i32 {
        %get3A_591 = arith.constant 0 : i32
        %get3A_592 = arith.index_cast %get3A_591 : i32 to index
        %get3A_593 = arith.index_cast %scan3A_590 : i32 to index
        %get3A_594 = arith.constant 0 : index
        %get3A_595 = tpu.vector_load %arg10[%get3A_592, %get3A_593, %get3A_594] {strides = array<i32>} : memref<2x56x128xf32, #tpu.memory_space<vmem>>, vector<1x1x16xf32>,
        %get3A_596 = vector.shape_cast %get3A_595 : vector<1x1x16xf32> to vector<16xf32>
        %get3A_597 = arith.constant 0 : i32
        %get3A_598 = arith.index_cast %get3A_597 : i32 to index
        %get3A_599 = arith.index_cast %scan3A_590 : i32 to index
        %get3A_600 = arith.constant 0 : index
        %get3A_601 = tpu.vector_load %arg11[%get3A_598, %get3A_599, %get3A_600] {strides = array<i32>} : memref<2x56x128xf32, #tpu.memory_space<vmem>>, vector<1x1x16xf32>,
        %get3A_602 = vector.shape_cast %get3A_601 : vector<1x1x16xf32> to vector<16xf32>
        %add3A_603 = arith.addf %get3A_596, %get3A_602 : vector<16xf32>
        %get3A_604 = arith.constant 0 : i32
        %get3A_605 = arith.index_cast %get3A_604 : i32 to index
        %get3A_606 = arith.index_cast %scan3A_590 : i32 to index
        %get3A_607 = arith.constant 0 : index
        %get3A_608 = tpu.vector_load %arg12[%get3A_605, %get3A_606, %get3A_607] {strides = array<i32>} : memref<2x56x128xf32, #tpu.memory_space<vmem>>, vector<1x1x16xf32>,
        %get3A_609 = vector.shape_cast %get3A_608 : vector<1x1x16xf32> to vector<16xf32>
        %add3A_610 = arith.addf %add3A_603, %get3A_609 : vector<16xf32>
        %neg3A = arith.constant 0.000000e+00 : f32
        %neg3A_611 = vector.broadcast %neg3A : f32 to vector<16xf32>
        %neg3A_612 = arith.subf %neg3A_611, %add3A_610 : vector<16xf32>
        %exp3A = math.exp %neg3A_612 : vector<16xf32>
        %add3A_613 = arith.constant 1.000000e+00 : f32
        %add3A_614 = vector.broadcast %add3A_613 : f32 to vector<16xf32>
        %add3A_615 = arith.addf %add3A_614, %exp3A : vector<16xf32>
        %div3A = arith.divf %add3A_610, %add3A_615 : vector<16xf32>
        %add3A_616 = arith.addf %div3A, %get3A_44 : vector<16xf32>
        %swap3A = arith.constant 0 : i32
        %swap3A_617 = arith.index_cast %swap3A : i32 to index
        %swap3A_618 = arith.index_cast %scan3A_590 : i32 to index
        %swap3A_619 = arith.constant 0 : index
        %swap3A_620 = tpu.vector_load %arg12[%swap3A_617, %swap3A_618, %swap3A_619] {strides = array<i32>} : memref<2x56x128xf32, #tpu.memory_space<vmem>>, vector<1x1x16xf32>,
        %swap3A_621 = vector.shape_cast %swap3A_620 : vector<1x1x16xf32> to vector<16xf32>
        %swap3A_622 = vector.shape_cast %add3A_616 : vector<16xf32> to vector<1x1x16xf32>
        tpu.vector_store %arg12[%swap3A_617, %swap3A_618, %swap3A_619], %swap3A_622 {strides = array<i32>} : memref<2x56x128xf32, #tpu.memory_space<vmem>>, vector<1x1x16xf32>,
        %get3A_623 = arith.constant 0 : i32
        %get3A_624 = arith.index_cast %get3A_623 : i32 to index
        %get3A_625 = arith.index_cast %scan3A_590 : i32 to index
        %get3A_626 = arith.constant 16 : index
        %get3A_627 = tpu.vector_load %arg10[%get3A_624, %get3A_625, %get3A_626] {strides = array<i32>} : memref<2x56x128xf32, #tpu.memory_space<vmem>>, vector<1x1x16xf32>,
        %get3A_628 = vector.shape_cast %get3A_627 : vector<1x1x16xf32> to vector<16xf32>
        %get3A_629 = arith.constant 0 : i32
        %get3A_630 = arith.index_cast %get3A_629 : i32 to index
        %get3A_631 = arith.index_cast %scan3A_590 : i32 to index
        %get3A_632 = arith.constant 16 : index
        %get3A_633 = tpu.vector_load %arg11[%get3A_630, %get3A_631, %get3A_632] {strides = array<i32>} : memref<2x56x128xf32, #tpu.memory_space<vmem>>, vector<1x1x16xf32>,
        %get3A_634 = vector.shape_cast %get3A_633 : vector<1x1x16xf32> to vector<16xf32>
        %add3A_635 = arith.addf %get3A_628, %get3A_634 : vector<16xf32>
        %get3A_636 = arith.constant 0 : i32
        %get3A_637 = arith.index_cast %get3A_636 : i32 to index
        %get3A_638 = arith.index_cast %scan3A_590 : i32 to index
        %get3A_639 = arith.constant 16 : index
        %get3A_640 = tpu.vector_load %arg12[%get3A_637, %get3A_638, %get3A_639] {strides = array<i32>} : memref<2x56x128xf32, #tpu.memory_space<vmem>>, vector<1x1x16xf32>,
        %get3A_641 = vector.shape_cast %get3A_640 : vector<1x1x16xf32> to vector<16xf32>
        %add3A_642 = arith.addf %add3A_635, %get3A_641 : vector<16xf32>
        %neg3A_643 = arith.constant 0.000000e+00 : f32
        %neg3A_644 = vector.broadcast %neg3A_643 : f32 to vector<16xf32>
        %neg3A_645 = arith.subf %neg3A_644, %add3A_642 : vector<16xf32>
        %exp3A_646 = math.exp %neg3A_645 : vector<16xf32>
        %add3A_647 = arith.constant 1.000000e+00 : f32
        %add3A_648 = vector.broadcast %add3A_647 : f32 to vector<16xf32>
        %add3A_649 = arith.addf %add3A_648, %exp3A_646 : vector<16xf32>
        %div3A_650 = arith.divf %add3A_642, %add3A_649 : vector<16xf32>
        %add3A_651 = arith.addf %div3A_650, %get3A_47 : vector<16xf32>
        %swap3A_652 = arith.constant 0 : i32
        %swap3A_653 = arith.index_cast %swap3A_652 : i32 to index
        %swap3A_654 = arith.index_cast %scan3A_590 : i32 to index
        %swap3A_655 = arith.constant 16 : index
        %swap3A_656 = tpu.vector_load %arg12[%swap3A_653, %swap3A_654, %swap3A_655] {strides = array<i32>} : memref<2x56x128xf32, #tpu.memory_space<vmem>>, vector<1x1x16xf32>,
        %swap3A_657 = vector.shape_cast %swap3A_656 : vector<1x1x16xf32> to vector<16xf32>
        %swap3A_658 = vector.shape_cast %add3A_651 : vector<16xf32> to vector<1x1x16xf32>
        tpu.vector_store %arg12[%swap3A_653, %swap3A_654, %swap3A_655], %swap3A_658 {strides = array<i32>} : memref<2x56x128xf32, #tpu.memory_space<vmem>>, vector<1x1x16xf32>,
        %get3A_659 = arith.constant 0 : i32
        %get3A_660 = arith.index_cast %get3A_659 : i32 to index
        %get3A_661 = arith.index_cast %scan3A_590 : i32 to index
        %get3A_662 = arith.constant 32 : index
        %get3A_663 = tpu.vector_load %arg10[%get3A_660, %get3A_661, %get3A_662] {strides = array<i32>} : memref<2x56x128xf32, #tpu.memory_space<vmem>>, vector<1x1x16xf32>,
        %get3A_664 = vector.shape_cast %get3A_663 : vector<1x1x16xf32> to vector<16xf32>
        %get3A_665 = arith.constant 0 : i32
        %get3A_666 = arith.index_cast %get3A_665 : i32 to index
        %get3A_667 = arith.index_cast %scan3A_590 : i32 to index
        %get3A_668 = arith.constant 32 : index
        %get3A_669 = tpu.vector_load %arg11[%get3A_666, %get3A_667, %get3A_668] {strides = array<i32>} : memref<2x56x128xf32, #tpu.memory_space<vmem>>, vector<1x1x16xf32>,
        %get3A_670 = vector.shape_cast %get3A_669 : vector<1x1x16xf32> to vector<16xf32>
        %add3A_671 = arith.addf %get3A_664, %get3A_670 : vector<16xf32>
        %get3A_672 = arith.constant 0 : i32
        %get3A_673 = arith.index_cast %get3A_672 : i32 to index
        %get3A_674 = arith.index_cast %scan3A_590 : i32 to index
        %get3A_675 = arith.constant 32 : index
        %get3A_676 = tpu.vector_load %arg12[%get3A_673, %get3A_674, %get3A_675] {strides = array<i32>} : memref<2x56x128xf32, #tpu.memory_space<vmem>>, vector<1x1x16xf32>,
        %get3A_677 = vector.shape_cast %get3A_676 : vector<1x1x16xf32> to vector<16xf32>
        %add3A_678 = arith.addf %add3A_671, %get3A_677 : vector<16xf32>
        %neg3A_679 = arith.constant 0.000000e+00 : f32
        %neg3A_680 = vector.broadcast %neg3A_679 : f32 to vector<16xf32>
        %neg3A_681 = arith.subf %neg3A_680, %add3A_678 : vector<16xf32>
        %exp3A_682 = math.exp %neg3A_681 : vector<16xf32>
        %add3A_683 = arith.constant 1.000000e+00 : f32
        %add3A_684 = vector.broadcast %add3A_683 : f32 to vector<16xf32>
        %add3A_685 = arith.addf %add3A_684, %exp3A_682 : vector<16xf32>
        %div3A_686 = arith.divf %add3A_678, %add3A_685 : vector<16xf32>
        %add3A_687 = arith.addf %div3A_686, %get3A_50 : vector<16xf32>
        %swap3A_688 = arith.constant 0 : i32
        %swap3A_689 = arith.index_cast %swap3A_688 : i32 to index
        %swap3A_690 = arith.index_cast %scan3A_590 : i32 to index
        %swap3A_691 = arith.constant 32 : index
        %swap3A_692 = tpu.vector_load %arg12[%swap3A_689, %swap3A_690, %swap3A_691] {strides = array<i32>} : memref<2x56x128xf32, #tpu.memory_space<vmem>>, vector<1x1x16xf32>,
        %swap3A_693 = vector.shape_cast %swap3A_692 : vector<1x1x16xf32> to vector<16xf32>
        %swap3A_694 = vector.shape_cast %add3A_687 : vector<16xf32> to vector<1x1x16xf32>
        tpu.vector_store %arg12[%swap3A_689, %swap3A_690, %swap3A_691], %swap3A_694 {strides = array<i32>} : memref<2x56x128xf32, #tpu.memory_space<vmem>>, vector<1x1x16xf32>,
        %get3A_695 = arith.constant 0 : i32
        %get3A_696 = arith.index_cast %get3A_695 : i32 to index
        %get3A_697 = arith.index_cast %scan3A_590 : i32 to index
        %get3A_698 = arith.constant 48 : index
        %get3A_699 = tpu.vector_load %arg10[%get3A_696, %get3A_697, %get3A_698] {strides = array<i32>} : memref<2x56x128xf32, #tpu.memory_space<vmem>>, vector<1x1x16xf32>,
        %get3A_700 = vector.shape_cast %get3A_699 : vector<1x1x16xf32> to vector<16xf32>
        %get3A_701 = arith.constant 0 : i32
        %get3A_702 = arith.index_cast %get3A_701 : i32 to index
        %get3A_703 = arith.index_cast %scan3A_590 : i32 to index
        %get3A_704 = arith.constant 48 : index
        %get3A_705 = tpu.vector_load %arg11[%get3A_702, %get3A_703, %get3A_704] {strides = array<i32>} : memref<2x56x128xf32, #tpu.memory_space<vmem>>, vector<1x1x16xf32>,
        %get3A_706 = vector.shape_cast %get3A_705 : vector<1x1x16xf32> to vector<16xf32>
        %add3A_707 = arith.addf %get3A_700, %get3A_706 : vector<16xf32>
        %get3A_708 = arith.constant 0 : i32
        %get3A_709 = arith.index_cast %get3A_708 : i32 to index
        %get3A_710 = arith.index_cast %scan3A_590 : i32 to index
        %get3A_711 = arith.constant 48 : index
        %get3A_712 = tpu.vector_load %arg12[%get3A_709, %get3A_710, %get3A_711] {strides = array<i32>} : memref<2x56x128xf32, #tpu.memory_space<vmem>>, vector<1x1x16xf32>,
        %get3A_713 = vector.shape_cast %get3A_712 : vector<1x1x16xf32> to vector<16xf32>
        %add3A_714 = arith.addf %add3A_707, %get3A_713 : vector<16xf32>
        %neg3A_715 = arith.constant 0.000000e+00 : f32
        %neg3A_716 = vector.broadcast %neg3A_715 : f32 to vector<16xf32>
        %neg3A_717 = arith.subf %neg3A_716, %add3A_714 : vector<16xf32>
        %exp3A_718 = math.exp %neg3A_717 : vector<16xf32>
        %add3A_719 = arith.constant 1.000000e+00 : f32
        %add3A_720 = vector.broadcast %add3A_719 : f32 to vector<16xf32>
        %add3A_721 = arith.addf %add3A_720, %exp3A_718 : vector<16xf32>
        %div3A_722 = arith.divf %add3A_714, %add3A_721 : vector<16xf32>
        %add3A_723 = arith.addf %div3A_722, %get3A_53 : vector<16xf32>
        %swap3A_724 = arith.constant 0 : i32
        %swap3A_725 = arith.index_cast %swap3A_724 : i32 to index
        %swap3A_726 = arith.index_cast %scan3A_590 : i32 to index
        %swap3A_727 = arith.constant 48 : index
        %swap3A_728 = tpu.vector_load %arg12[%swap3A_725, %swap3A_726, %swap3A_727] {strides = array<i32>} : memref<2x56x128xf32, #tpu.memory_space<vmem>>, vector<1x1x16xf32>,
        %swap3A_729 = vector.shape_cast %swap3A_728 : vector<1x1x16xf32> to vector<16xf32>
        %swap3A_730 = vector.shape_cast %add3A_723 : vector<16xf32> to vector<1x1x16xf32>
        tpu.vector_store %arg12[%swap3A_725, %swap3A_726, %swap3A_727], %swap3A_730 {strides = array<i32>} : memref<2x56x128xf32, #tpu.memory_space<vmem>>, vector<1x1x16xf32>,
        %get3A_731 = arith.constant 0 : i32
        %get3A_732 = arith.index_cast %get3A_731 : i32 to index
        %get3A_733 = arith.index_cast %scan3A_590 : i32 to index
        %get3A_734 = arith.constant 64 : index
        %get3A_735 = tpu.vector_load %arg10[%get3A_732, %get3A_733, %get3A_734] {strides = array<i32>} : memref<2x56x128xf32, #tpu.memory_space<vmem>>, vector<1x1x16xf32>,
        %get3A_736 = vector.shape_cast %get3A_735 : vector<1x1x16xf32> to vector<16xf32>
        %get3A_737 = arith.constant 0 : i32
        %get3A_738 = arith.index_cast %get3A_737 : i32 to index
        %get3A_739 = arith.index_cast %scan3A_590 : i32 to index
        %get3A_740 = arith.constant 64 : index
        %get3A_741 = tpu.vector_load %arg11[%get3A_738, %get3A_739, %get3A_740] {strides = array<i32>} : memref<2x56x128xf32, #tpu.memory_space<vmem>>, vector<1x1x16xf32>,
        %get3A_742 = vector.shape_cast %get3A_741 : vector<1x1x16xf32> to vector<16xf32>
        %add3A_743 = arith.addf %get3A_736, %get3A_742 : vector<16xf32>
        %get3A_744 = arith.constant 0 : i32
        %get3A_745 = arith.index_cast %get3A_744 : i32 to index
        %get3A_746 = arith.index_cast %scan3A_590 : i32 to index
        %get3A_747 = arith.constant 64 : index
        %get3A_748 = tpu.vector_load %arg12[%get3A_745, %get3A_746, %get3A_747] {strides = array<i32>} : memref<2x56x128xf32, #tpu.memory_space<vmem>>, vector<1x1x16xf32>,
        %get3A_749 = vector.shape_cast %get3A_748 : vector<1x1x16xf32> to vector<16xf32>
        %add3A_750 = arith.addf %add3A_743, %get3A_749 : vector<16xf32>
        %neg3A_751 = arith.constant 0.000000e+00 : f32
        %neg3A_752 = vector.broadcast %neg3A_751 : f32 to vector<16xf32>
        %neg3A_753 = arith.subf %neg3A_752, %add3A_750 : vector<16xf32>
        %exp3A_754 = math.exp %neg3A_753 : vector<16xf32>
        %add3A_755 = arith.constant 1.000000e+00 : f32
        %add3A_756 = vector.broadcast %add3A_755 : f32 to vector<16xf32>
        %add3A_757 = arith.addf %add3A_756, %exp3A_754 : vector<16xf32>
        %div3A_758 = arith.divf %add3A_750, %add3A_757 : vector<16xf32>
        %add3A_759 = arith.addf %div3A_758, %get3A_56 : vector<16xf32>
        %swap3A_760 = arith.constant 0 : i32
        %swap3A_761 = arith.index_cast %swap3A_760 : i32 to index
        %swap3A_762 = arith.index_cast %scan3A_590 : i32 to index
        %swap3A_763 = arith.constant 64 : index
        %swap3A_764 = tpu.vector_load %arg12[%swap3A_761, %swap3A_762, %swap3A_763] {strides = array<i32>} : memref<2x56x128xf32, #tpu.memory_space<vmem>>, vector<1x1x16xf32>,
        %swap3A_765 = vector.shape_cast %swap3A_764 : vector<1x1x16xf32> to vector<16xf32>
        %swap3A_766 = vector.shape_cast %add3A_759 : vector<16xf32> to vector<1x1x16xf32>
        tpu.vector_store %arg12[%swap3A_761, %swap3A_762, %swap3A_763], %swap3A_766 {strides = array<i32>} : memref<2x56x128xf32, #tpu.memory_space<vmem>>, vector<1x1x16xf32>,
        %get3A_767 = arith.constant 0 : i32
        %get3A_768 = arith.index_cast %get3A_767 : i32 to index
        %get3A_769 = arith.index_cast %scan3A_590 : i32 to index
        %get3A_770 = arith.constant 80 : index
        %get3A_771 = tpu.vector_load %arg10[%get3A_768, %get3A_769, %get3A_770] {strides = array<i32>} : memref<2x56x128xf32, #tpu.memory_space<vmem>>, vector<1x1x16xf32>,
        %get3A_772 = vector.shape_cast %get3A_771 : vector<1x1x16xf32> to vector<16xf32>
        %get3A_773 = arith.constant 0 : i32
        %get3A_774 = arith.index_cast %get3A_773 : i32 to index
        %get3A_775 = arith.index_cast %scan3A_590 : i32 to index
        %get3A_776 = arith.constant 80 : index
        %get3A_777 = tpu.vector_load %arg11[%get3A_774, %get3A_775, %get3A_776] {strides = array<i32>} : memref<2x56x128xf32, #tpu.memory_space<vmem>>, vector<1x1x16xf32>,
        %get3A_778 = vector.shape_cast %get3A_777 : vector<1x1x16xf32> to vector<16xf32>
        %add3A_779 = arith.addf %get3A_772, %get3A_778 : vector<16xf32>
        %get3A_780 = arith.constant 0 : i32
        %get3A_781 = arith.index_cast %get3A_780 : i32 to index
        %get3A_782 = arith.index_cast %scan3A_590 : i32 to index
        %get3A_783 = arith.constant 80 : index
        %get3A_784 = tpu.vector_load %arg12[%get3A_781, %get3A_782, %get3A_783] {strides = array<i32>} : memref<2x56x128xf32, #tpu.memory_space<vmem>>, vector<1x1x16xf32>,
        %get3A_785 = vector.shape_cast %get3A_784 : vector<1x1x16xf32> to vector<16xf32>
        %add3A_786 = arith.addf %add3A_779, %get3A_785 : vector<16xf32>
        %neg3A_787 = arith.constant 0.000000e+00 : f32
        %neg3A_788 = vector.broadcast %neg3A_787 : f32 to vector<16xf32>
        %neg3A_789 = arith.subf %neg3A_788, %add3A_786 : vector<16xf32>
        %exp3A_790 = math.exp %neg3A_789 : vector<16xf32>
        %add3A_791 = arith.constant 1.000000e+00 : f32
        %add3A_792 = vector.broadcast %add3A_791 : f32 to vector<16xf32>
        %add3A_793 = arith.addf %add3A_792, %exp3A_790 : vector<16xf32>
        %div3A_794 = arith.divf %add3A_786, %add3A_793 : vector<16xf32>
        %add3A_795 = arith.addf %div3A_794, %get3A_59 : vector<16xf32>
        %swap3A_796 = arith.constant 0 : i32
        %swap3A_797 = arith.index_cast %swap3A_796 : i32 to index
        %swap3A_798 = arith.index_cast %scan3A_590 : i32 to index
        %swap3A_799 = arith.constant 80 : index
        %swap3A_800 = tpu.vector_load %arg12[%swap3A_797, %swap3A_798, %swap3A_799] {strides = array<i32>} : memref<2x56x128xf32, #tpu.memory_space<vmem>>, vector<1x1x16xf32>,
        %swap3A_801 = vector.shape_cast %swap3A_800 : vector<1x1x16xf32> to vector<16xf32>
        %swap3A_802 = vector.shape_cast %add3A_795 : vector<16xf32> to vector<1x1x16xf32>
        tpu.vector_store %arg12[%swap3A_797, %swap3A_798, %swap3A_799], %swap3A_802 {strides = array<i32>} : memref<2x56x128xf32, #tpu.memory_space<vmem>>, vector<1x1x16xf32>,
        %get3A_803 = arith.constant 0 : i32
        %get3A_804 = arith.index_cast %get3A_803 : i32 to index
        %get3A_805 = arith.index_cast %scan3A_590 : i32 to index
        %get3A_806 = arith.constant 96 : index
        %get3A_807 = tpu.vector_load %arg10[%get3A_804, %get3A_805, %get3A_806] {strides = array<i32>} : memref<2x56x128xf32, #tpu.memory_space<vmem>>, vector<1x1x16xf32>,
        %get3A_808 = vector.shape_cast %get3A_807 : vector<1x1x16xf32> to vector<16xf32>
        %get3A_809 = arith.constant 0 : i32
        %get3A_810 = arith.index_cast %get3A_809 : i32 to index
        %get3A_811 = arith.index_cast %scan3A_590 : i32 to index
        %get3A_812 = arith.constant 96 : index
        %get3A_813 = tpu.vector_load %arg11[%get3A_810, %get3A_811, %get3A_812] {strides = array<i32>} : memref<2x56x128xf32, #tpu.memory_space<vmem>>, vector<1x1x16xf32>,
        %get3A_814 = vector.shape_cast %get3A_813 : vector<1x1x16xf32> to vector<16xf32>
        %add3A_815 = arith.addf %get3A_808, %get3A_814 : vector<16xf32>
        %get3A_816 = arith.constant 0 : i32
        %get3A_817 = arith.index_cast %get3A_816 : i32 to index
        %get3A_818 = arith.index_cast %scan3A_590 : i32 to index
        %get3A_819 = arith.constant 96 : index
        %get3A_820 = tpu.vector_load %arg12[%get3A_817, %get3A_818, %get3A_819] {strides = array<i32>} : memref<2x56x128xf32, #tpu.memory_space<vmem>>, vector<1x1x16xf32>,
        %get3A_821 = vector.shape_cast %get3A_820 : vector<1x1x16xf32> to vector<16xf32>
        %add3A_822 = arith.addf %add3A_815, %get3A_821 : vector<16xf32>
        %neg3A_823 = arith.constant 0.000000e+00 : f32
        %neg3A_824 = vector.broadcast %neg3A_823 : f32 to vector<16xf32>
        %neg3A_825 = arith.subf %neg3A_824, %add3A_822 : vector<16xf32>
        %exp3A_826 = math.exp %neg3A_825 : vector<16xf32>
        %add3A_827 = arith.constant 1.000000e+00 : f32
        %add3A_828 = vector.broadcast %add3A_827 : f32 to vector<16xf32>
        %add3A_829 = arith.addf %add3A_828, %exp3A_826 : vector<16xf32>
        %div3A_830 = arith.divf %add3A_822, %add3A_829 : vector<16xf32>
        %add3A_831 = arith.addf %div3A_830, %get3A_62 : vector<16xf32>
        %swap3A_832 = arith.constant 0 : i32
        %swap3A_833 = arith.index_cast %swap3A_832 : i32 to index
        %swap3A_834 = arith.index_cast %scan3A_590 : i32 to index
        %swap3A_835 = arith.constant 96 : index
        %swap3A_836 = tpu.vector_load %arg12[%swap3A_833, %swap3A_834, %swap3A_835] {strides = array<i32>} : memref<2x56x128xf32, #tpu.memory_space<vmem>>, vector<1x1x16xf32>,
        %swap3A_837 = vector.shape_cast %swap3A_836 : vector<1x1x16xf32> to vector<16xf32>
        %swap3A_838 = vector.shape_cast %add3A_831 : vector<16xf32> to vector<1x1x16xf32>
        tpu.vector_store %arg12[%swap3A_833, %swap3A_834, %swap3A_835], %swap3A_838 {strides = array<i32>} : memref<2x56x128xf32, #tpu.memory_space<vmem>>, vector<1x1x16xf32>,
        %get3A_839 = arith.constant 0 : i32
        %get3A_840 = arith.index_cast %get3A_839 : i32 to index
        %get3A_841 = arith.index_cast %scan3A_590 : i32 to index
        %get3A_842 = arith.constant 112 : index
        %get3A_843 = tpu.vector_load %arg10[%get3A_840, %get3A_841, %get3A_842] {strides = array<i32>} : memref<2x56x128xf32, #tpu.memory_space<vmem>>, vector<1x1x16xf32>,
        %get3A_844 = vector.shape_cast %get3A_843 : vector<1x1x16xf32> to vector<16xf32>
        %get3A_845 = arith.constant 0 : i32
        %get3A_846 = arith.index_cast %get3A_845 : i32 to index
        %get3A_847 = arith.index_cast %scan3A_590 : i32 to index
        %get3A_848 = arith.constant 112 : index
        %get3A_849 = tpu.vector_load %arg11[%get3A_846, %get3A_847, %get3A_848] {strides = array<i32>} : memref<2x56x128xf32, #tpu.memory_space<vmem>>, vector<1x1x16xf32>,
        %get3A_850 = vector.shape_cast %get3A_849 : vector<1x1x16xf32> to vector<16xf32>
        %add3A_851 = arith.addf %get3A_844, %get3A_850 : vector<16xf32>
        %get3A_852 = arith.constant 0 : i32
        %get3A_853 = arith.index_cast %get3A_852 : i32 to index
        %get3A_854 = arith.index_cast %scan3A_590 : i32 to index
        %get3A_855 = arith.constant 112 : index
        %get3A_856 = tpu.vector_load %arg12[%get3A_853, %get3A_854, %get3A_855] {strides = array<i32>} : memref<2x56x128xf32, #tpu.memory_space<vmem>>, vector<1x1x16xf32>,
        %get3A_857 = vector.shape_cast %get3A_856 : vector<1x1x16xf32> to vector<16xf32>
        %add3A_858 = arith.addf %add3A_851, %get3A_857 : vector<16xf32>
        %neg3A_859 = arith.constant 0.000000e+00 : f32
        %neg3A_860 = vector.broadcast %neg3A_859 : f32 to vector<16xf32>
        %neg3A_861 = arith.subf %neg3A_860, %add3A_858 : vector<16xf32>
        %exp3A_862 = math.exp %neg3A_861 : vector<16xf32>
        %add3A_863 = arith.constant 1.000000e+00 : f32
        %add3A_864 = vector.broadcast %add3A_863 : f32 to vector<16xf32>
        %add3A_865 = arith.addf %add3A_864, %exp3A_862 : vector<16xf32>
        %div3A_866 = arith.divf %add3A_858, %add3A_865 : vector<16xf32>
        %add3A_867 = arith.addf %div3A_866, %get3A_65 : vector<16xf32>
        %swap3A_868 = arith.constant 0 : i32
        %swap3A_869 = arith.index_cast %swap3A_868 : i32 to index
        %swap3A_870 = arith.index_cast %scan3A_590 : i32 to index
        %swap3A_871 = arith.constant 112 : index
        %swap3A_872 = tpu.vector_load %arg12[%swap3A_869, %swap3A_870, %swap3A_871] {strides = array<i32>} : memref<2x56x128xf32, #tpu.memory_space<vmem>>, vector<1x1x16xf32>,
        %swap3A_873 = vector.shape_cast %swap3A_872 : vector<1x1x16xf32> to vector<16xf32>
        %swap3A_874 = vector.shape_cast %add3A_867 : vector<16xf32> to vector<1x1x16xf32>
        tpu.vector_store %arg12[%swap3A_869, %swap3A_870, %swap3A_871], %swap3A_874 {strides = array<i32>} : memref<2x56x128xf32, #tpu.memory_space<vmem>>, vector<1x1x16xf32>,
      }
      %scan3A_373 = arith.constant 56 : i32
      %run_scoped3A_374 = arith.constant 0 : i32
      %run_scoped3A_375 = arith.constant 0 : i32
      "tpu.region"() ({
        %run_scoped3A_590 = tpu.sem_alloc : memref<!tpu.dma_semaphore, #tpu.memory_space<semaphore_mem>>
        %dma_start3A_591 = arith.constant 0 : i32
        %dma_start3A_592 = arith.constant 0 : i32
        %dma_start3A_593 = tpu.memref_slice %arg12[%run_scoped3A_374, %dma_start3A_591, %dma_start3A_592] : memref<2x56x128xf32, #tpu.memory_space<vmem>> -> memref<1x56x128xf32, #tpu.memory_space<vmem>>
        %dma_start3A_594 = tpu.memref_squeeze %dma_start3A_593 : memref<1x56x128xf32, #tpu.memory_space<vmem>> -> memref<56x128xf32, #tpu.memory_space<vmem>>
        %dma_start3A_595 = arith.constant 0 : i32
        %dma_start3A_596 = tpu.memref_slice %arg9[%rem3A_318, %run_scoped3A_375, %dma_start3A_595] : memref<3x2x56xi32, #tpu.memory_space<vmem>> -> memref<1x1x56xi32, #tpu.memory_space<vmem>>
        %dma_start3A_597 = tpu.memref_squeeze %dma_start3A_596 : memref<1x1x56xi32, #tpu.memory_space<vmem>> -> memref<56xi32, #tpu.memory_space<vmem>>
        %dma_start3A_598 = arith.constant 0 : i32
        %dma_start3A_599 = arith.constant 0 : i32
        %dma_start3A_600 = tpu.memref_slice %arg14[%dma_start3A_598, %dma_start3A_599] : memref<10112x128xf32, #tpu.memory_space<vmem_shared>> -> memref<10112x128xf32, #tpu.memory_space<vmem_shared>>
        tpu.enqueue_indirect_dma source(%dma_start3A_594 : memref<56x128xf32, #tpu.memory_space<vmem>>) target(%dma_start3A_600 : memref<10112x128xf32, #tpu.memory_space<vmem_shared>>) offsets(%dma_start3A_597 : memref<56xi32, #tpu.memory_space<vmem>>) semaphore(%run_scoped3A_590 : memref<!tpu.dma_semaphore, #tpu.memory_space<semaphore_mem>>) {add = true}
        %dma_wait3A_601 = arith.constant 0 : i32
        %dma_wait3A_602 = arith.constant 0 : i32
        %dma_wait3A_603 = tpu.memref_slice %arg12[%run_scoped3A_374, %dma_wait3A_601, %dma_wait3A_602] : memref<2x56x128xf32, #tpu.memory_space<vmem>> -> memref<1x56x128xf32, #tpu.memory_space<vmem>>
        %dma_wait3A_604 = tpu.memref_squeeze %dma_wait3A_603 : memref<1x56x128xf32, #tpu.memory_space<vmem>> -> memref<56x128xf32, #tpu.memory_space<vmem>>
        %dma_wait3A_605 = arith.constant 0 : i32
        %dma_wait3A_606 = tpu.memref_slice %arg9[%rem3A_318, %run_scoped3A_375, %dma_wait3A_605] : memref<3x2x56xi32, #tpu.memory_space<vmem>> -> memref<1x1x56xi32, #tpu.memory_space<vmem>>
        %dma_wait3A_607 = tpu.memref_squeeze %dma_wait3A_606 : memref<1x1x56xi32, #tpu.memory_space<vmem>> -> memref<56xi32, #tpu.memory_space<vmem>>
        %dma_wait3A_608 = arith.constant 0 : i32
        %dma_wait3A_609 = arith.constant 0 : i32
        %dma_wait3A_610 = tpu.memref_slice %arg14[%dma_wait3A_608, %dma_wait3A_609] : memref<10112x128xf32, #tpu.memory_space<vmem_shared>> -> memref<10112x128xf32, #tpu.memory_space<vmem_shared>>
        tpu.wait_indirect_dma semaphore(%run_scoped3A_590 : memref<!tpu.dma_semaphore, #tpu.memory_space<semaphore_mem>>) src(%dma_wait3A_604 : memref<56x128xf32, #tpu.memory_space<vmem>>) dst(%dma_wait3A_610 : memref<10112x128xf32, #tpu.memory_space<vmem_shared>>)
        tpu.yield
      }) : () -> ()
      %dma_wait3A_376 = arith.constant 0 : i32
      %dma_wait3A_377 = arith.constant 0 : i32
      %dma_wait3A_378 = tpu.memref_slice %arg8[%rem3A_322, %dma_wait3A_376, %dma_wait3A_377] : memref<3x2x56xi32, #tpu.memory_space<vmem>> -> memref<1x2x56xi32, #tpu.memory_space<vmem>>
      %dma_wait3A_379 = tpu.memref_squeeze %dma_wait3A_378 : memref<1x2x56xi32, #tpu.memory_space<vmem>> -> memref<2x56xi32, #tpu.memory_space<vmem>>
      %dma_wait3A_380 = arith.constant 0 : i32
      %dma_wait3A_381 = arith.constant 0 : i32
      %dma_wait3A_382 = tpu.memref_slice %arg4[%add3A, %dma_wait3A_380, %dma_wait3A_381] : memref<32x180x56xi32, #tpu.memory_space<hbm>> -> memref<1x2x56xi32, #tpu.memory_space<hbm>>
      %dma_wait3A_383 = tpu.memref_squeeze %dma_wait3A_382 : memref<1x2x56xi32, #tpu.memory_space<hbm>> -> memref<2x56xi32, #tpu.memory_space<hbm>>
      %dma_wait3A_384 = arith.constant 0 : i32
      %dma_wait3A_385 = arith.constant 0 : i32
      %dma_wait3A_386 = tpu.memref_slice %arg8[%rem3A_322, %dma_wait3A_384, %dma_wait3A_385] : memref<3x2x56xi32, #tpu.memory_space<vmem>> -> memref<1x2x56xi32, #tpu.memory_space<vmem>>
      %dma_wait3A_387 = tpu.memref_squeeze %dma_wait3A_386 : memref<1x2x56xi32, #tpu.memory_space<vmem>> -> memref<2x56xi32, #tpu.memory_space<vmem>>
      %dma_wait3A_388 = arith.constant 0 : i32
      %dma_wait3A_389 = arith.constant 0 : i32
      %dma_wait3A_390 = tpu.memref_slice %arg4[%add3A, %dma_wait3A_388, %dma_wait3A_389] : memref<32x180x56xi32, #tpu.memory_space<hbm>> -> memref<1x2x56xi32, #tpu.memory_space<hbm>>
      %dma_wait3A_391 = tpu.memref_squeeze %dma_wait3A_390 : memref<1x2x56xi32, #tpu.memory_space<hbm>> -> memref<2x56xi32, #tpu.memory_space<hbm>>
      tpu.wait_dma2 semaphore(%arg17 : memref<!tpu.dma_semaphore, #tpu.memory_space<semaphore_mem>>) src(%dma_wait3A_391 : memref<2x56xi32, #tpu.memory_space<hbm>>) dst(%dma_wait3A_387 : memref<2x56xi32, #tpu.memory_space<vmem>>)
      %dma_wait3A_392 = arith.constant 0 : i32
      %dma_wait3A_393 = arith.constant 0 : i32
      %dma_wait3A_394 = tpu.memref_slice %arg9[%rem3A_322, %dma_wait3A_392, %dma_wait3A_393] : memref<3x2x56xi32, #tpu.memory_space<vmem>> -> memref<1x2x56xi32, #tpu.memory_space<vmem>>
      %dma_wait3A_395 = tpu.memref_squeeze %dma_wait3A_394 : memref<1x2x56xi32, #tpu.memory_space<vmem>> -> memref<2x56xi32, #tpu.memory_space<vmem>>
      %dma_wait3A_396 = arith.constant 0 : i32
      %dma_wait3A_397 = arith.constant 0 : i32
      %dma_wait3A_398 = tpu.memref_slice %arg5[%add3A, %dma_wait3A_396, %dma_wait3A_397] : memref<32x180x56xi32, #tpu.memory_space<hbm>> -> memref<1x2x56xi32, #tpu.memory_space<hbm>>
      %dma_wait3A_399 = tpu.memref_squeeze %dma_wait3A_398 : memref<1x2x56xi32, #tpu.memory_space<hbm>> -> memref<2x56xi32, #tpu.memory_space<hbm>>
      %dma_wait3A_400 = arith.constant 0 : i32
      %dma_wait3A_401 = arith.constant 0 : i32
      %dma_wait3A_402 = tpu.memref_slice %arg9[%rem3A_322, %dma_wait3A_400, %dma_wait3A_401] : memref<3x2x56xi32, #tpu.memory_space<vmem>> -> memref<1x2x56xi32, #tpu.memory_space<vmem>>
      %dma_wait3A_403 = tpu.memref_squeeze %dma_wait3A_402 : memref<1x2x56xi32, #tpu.memory_space<vmem>> -> memref<2x56xi32, #tpu.memory_space<vmem>>
      %dma_wait3A_404 = arith.constant 0 : i32
      %dma_wait3A_405 = arith.constant 0 : i32
      %dma_wait3A_406 = tpu.memref_slice %arg5[%add3A, %dma_wait3A_404, %dma_wait3A_405] : memref<32x180x56xi32, #tpu.memory_space<hbm>> -> memref<1x2x56xi32, #tpu.memory_space<hbm>>
      %dma_wait3A_407 = tpu.memref_squeeze %dma_wait3A_406 : memref<1x2x56xi32, #tpu.memory_space<hbm>> -> memref<2x56xi32, #tpu.memory_space<hbm>>
      tpu.wait_dma2 semaphore(%arg17 : memref<!tpu.dma_semaphore, #tpu.memory_space<semaphore_mem>>) src(%dma_wait3A_407 : memref<2x56xi32, #tpu.memory_space<hbm>>) dst(%dma_wait3A_403 : memref<2x56xi32, #tpu.memory_space<vmem>>)
      %add3A_408 = arith.constant 2 : i32
      %add3A_409 = arith.addi %scan3A_317, %add3A_408 : i32
      %min3A = arith.constant 89 : i32
      %min3A_410 = arith.minsi %add3A_409, %min3A : i32
      %add3A_411 = arith.constant 2 : i32
      %add3A_412 = arith.addi %scan3A_317, %add3A_411 : i32
      %rem3A_413 = arith.constant 3 : i32
      %rem3A_414 = arith.remsi %add3A_412, %rem3A_413 : i32
      %mul3A_415 = arith.constant 2 : i32
      %mul3A_416 = arith.muli %min3A_410, %mul3A_415 : i32
      %dma_start3A_417 = arith.constant 0 : i32
      %dma_start3A_418 = arith.constant 0 : i32
      %dma_start3A_419 = tpu.memref_slice %arg8[%rem3A_414, %dma_start3A_417, %dma_start3A_418] : memref<3x2x56xi32, #tpu.memory_space<vmem>> -> memref<1x2x56xi32, #tpu.memory_space<vmem>>
      %dma_start3A_420 = tpu.memref_squeeze %dma_start3A_419 : memref<1x2x56xi32, #tpu.memory_space<vmem>> -> memref<2x56xi32, #tpu.memory_space<vmem>>
      %dma_start3A_421 = arith.constant 0 : i32
      %dma_start3A_422 = tpu.memref_slice %arg4[%add3A, %mul3A_416, %dma_start3A_421] : memref<32x180x56xi32, #tpu.memory_space<hbm>> -> memref<1x2x56xi32, #tpu.memory_space<hbm>>
      %dma_start3A_423 = tpu.memref_squeeze %dma_start3A_422 : memref<1x2x56xi32, #tpu.memory_space<hbm>> -> memref<2x56xi32, #tpu.memory_space<hbm>>
      %dma_start3A_424 = arith.constant 0 : i32
      %dma_start3A_425 = arith.constant 0 : i32
      %dma_start3A_426 = tpu.memref_slice %arg8[%rem3A_414, %dma_start3A_424, %dma_start3A_425] : memref<3x2x56xi32, #tpu.memory_space<vmem>> -> memref<1x2x56xi32, #tpu.memory_space<vmem>>
      %dma_start3A_427 = tpu.memref_squeeze %dma_start3A_426 : memref<1x2x56xi32, #tpu.memory_space<vmem>> -> memref<2x56xi32, #tpu.memory_space<vmem>>
      %dma_start3A_428 = arith.constant 0 : i32
      %dma_start3A_429 = tpu.memref_slice %arg4[%add3A, %mul3A_416, %dma_start3A_428] : memref<32x180x56xi32, #tpu.memory_space<hbm>> -> memref<1x2x56xi32, #tpu.memory_space<hbm>>
      %dma_start3A_430 = tpu.memref_squeeze %dma_start3A_429 : memref<1x2x56xi32, #tpu.memory_space<hbm>> -> memref<2x56xi32, #tpu.memory_space<hbm>>
      tpu.enqueue_dma source(%dma_start3A_430 : memref<2x56xi32, #tpu.memory_space<hbm>>) target(%dma_start3A_427 : memref<2x56xi32, #tpu.memory_space<vmem>>) target_semaphore(%arg17 : memref<!tpu.dma_semaphore, #tpu.memory_space<semaphore_mem>>)
      %mul3A_431 = arith.constant 2 : i32
      %mul3A_432 = arith.muli %min3A_410, %mul3A_431 : i32
      %dma_start3A_433 = arith.constant 0 : i32
      %dma_start3A_434 = arith.constant 0 : i32
      %dma_start3A_435 = tpu.memref_slice %arg9[%rem3A_414, %dma_start3A_433, %dma_start3A_434] : memref<3x2x56xi32, #tpu.memory_space<vmem>> -> memref<1x2x56xi32, #tpu.memory_space<vmem>>
      %dma_start3A_436 = tpu.memref_squeeze %dma_start3A_435 : memref<1x2x56xi32, #tpu.memory_space<vmem>> -> memref<2x56xi32, #tpu.memory_space<vmem>>
      %dma_start3A_437 = arith.constant 0 : i32
      %dma_start3A_438 = tpu.memref_slice %arg5[%add3A, %mul3A_432, %dma_start3A_437] : memref<32x180x56xi32, #tpu.memory_space<hbm>> -> memref<1x2x56xi32, #tpu.memory_space<hbm>>
      %dma_start3A_439 = tpu.memref_squeeze %dma_start3A_438 : memref<1x2x56xi32, #tpu.memory_space<hbm>> -> memref<2x56xi32, #tpu.memory_space<hbm>>
      %dma_start3A_440 = arith.constant 0 : i32
      %dma_start3A_441 = arith.constant 0 : i32
      %dma_start3A_442 = tpu.memref_slice %arg9[%rem3A_414, %dma_start3A_440, %dma_start3A_441] : memref<3x2x56xi32, #tpu.memory_space<vmem>> -> memref<1x2x56xi32, #tpu.memory_space<vmem>>
      %dma_start3A_443 = tpu.memref_squeeze %dma_start3A_442 : memref<1x2x56xi32, #tpu.memory_space<vmem>> -> memref<2x56xi32, #tpu.memory_space<vmem>>
      %dma_start3A_444 = arith.constant 0 : i32
      %dma_start3A_445 = tpu.memref_slice %arg5[%add3A, %mul3A_432, %dma_start3A_444] : memref<32x180x56xi32, #tpu.memory_space<hbm>> -> memref<1x2x56xi32, #tpu.memory_space<hbm>>
      %dma_start3A_446 = tpu.memref_squeeze %dma_start3A_445 : memref<1x2x56xi32, #tpu.memory_space<hbm>> -> memref<2x56xi32, #tpu.memory_space<hbm>>
      tpu.enqueue_dma source(%dma_start3A_446 : memref<2x56xi32, #tpu.memory_space<hbm>>) target(%dma_start3A_443 : memref<2x56xi32, #tpu.memory_space<vmem>>) target_semaphore(%arg17 : memref<!tpu.dma_semaphore, #tpu.memory_space<semaphore_mem>>)
      %add3A_447 = arith.constant 2 : i32
      %add3A_448 = arith.addi %add3A_326, %add3A_447 : i32
      %min3A_449 = arith.constant 179 : i32
      %min3A_450 = arith.minsi %add3A_448, %min3A_449 : i32
      %dma_start3A_451 = arith.constant 0 : i32
      %dma_start3A_452 = arith.constant 0 : i32
      %dma_start3A_453 = arith.constant 0 : i32
      %dma_start3A_454 = arith.constant 0 : i32
      %dma_start3A_455 = tpu.memref_slice %arg10[%dma_start3A_452, %dma_start3A_453, %dma_start3A_454] : memref<2x56x128xf32, #tpu.memory_space<vmem>> -> memref<1x56x128xf32, #tpu.memory_space<vmem>>
      %dma_start3A_456 = tpu.memref_squeeze %dma_start3A_455 : memref<1x56x128xf32, #tpu.memory_space<vmem>> -> memref<56x128xf32, #tpu.memory_space<vmem>>
      %dma_start3A_457 = arith.constant 0 : i32
      %dma_start3A_458 = tpu.memref_slice %arg8[%rem3A_322, %dma_start3A_451, %dma_start3A_457] : memref<3x2x56xi32, #tpu.memory_space<vmem>> -> memref<1x1x56xi32, #tpu.memory_space<vmem>>
      %dma_start3A_459 = tpu.memref_squeeze %dma_start3A_458 : memref<1x1x56xi32, #tpu.memory_space<vmem>> -> memref<56xi32, #tpu.memory_space<vmem>>
      %dma_start3A_460 = arith.constant 0 : i32
      %dma_start3A_461 = arith.constant 0 : i32
      %dma_start3A_462 = tpu.memref_slice %arg2[%dma_start3A_460, %dma_start3A_461] : memref<20224x128xf32, #tpu.memory_space<hbm>> -> memref<20224x128xf32, #tpu.memory_space<hbm>>
      tpu.enqueue_indirect_dma source(%dma_start3A_462 : memref<20224x128xf32, #tpu.memory_space<hbm>>) target(%dma_start3A_456 : memref<56x128xf32, #tpu.memory_space<vmem>>) offsets(%dma_start3A_459 : memref<56xi32, #tpu.memory_space<vmem>>) semaphore(%arg15 : memref<!tpu.dma_semaphore, #tpu.memory_space<semaphore_mem>>)
      %dma_start3A_463 = arith.constant 0 : i32
      %dma_start3A_464 = arith.constant 0 : i32
      %dma_start3A_465 = arith.constant 0 : i32
      %dma_start3A_466 = arith.constant 0 : i32
      %dma_start3A_467 = tpu.memref_slice %arg11[%dma_start3A_464, %dma_start3A_465, %dma_start3A_466] : memref<2x56x128xf32, #tpu.memory_space<vmem>> -> memref<1x56x128xf32, #tpu.memory_space<vmem>>
      %dma_start3A_468 = tpu.memref_squeeze %dma_start3A_467 : memref<1x56x128xf32, #tpu.memory_space<vmem>> -> memref<56x128xf32, #tpu.memory_space<vmem>>
      %dma_start3A_469 = arith.constant 0 : i32
      %dma_start3A_470 = tpu.memref_slice %arg9[%rem3A_322, %dma_start3A_463, %dma_start3A_469] : memref<3x2x56xi32, #tpu.memory_space<vmem>> -> memref<1x1x56xi32, #tpu.memory_space<vmem>>
      %dma_start3A_471 = tpu.memref_squeeze %dma_start3A_470 : memref<1x1x56xi32, #tpu.memory_space<vmem>> -> memref<56xi32, #tpu.memory_space<vmem>>
      %dma_start3A_472 = arith.constant 0 : i32
      %dma_start3A_473 = arith.constant 0 : i32
      %dma_start3A_474 = tpu.memref_slice %arg2[%dma_start3A_472, %dma_start3A_473] : memref<20224x128xf32, #tpu.memory_space<hbm>> -> memref<20224x128xf32, #tpu.memory_space<hbm>>
      tpu.enqueue_indirect_dma source(%dma_start3A_474 : memref<20224x128xf32, #tpu.memory_space<hbm>>) target(%dma_start3A_468 : memref<56x128xf32, #tpu.memory_space<vmem>>) offsets(%dma_start3A_471 : memref<56xi32, #tpu.memory_space<vmem>>) semaphore(%arg15 : memref<!tpu.dma_semaphore, #tpu.memory_space<semaphore_mem>>)
      %dma_start3A_475 = arith.constant 0 : i32
      %dma_start3A_476 = arith.constant 0 : i32
      %dma_start3A_477 = arith.constant 0 : i32
      %dma_start3A_478 = tpu.memref_slice %arg12[%dma_start3A_475, %dma_start3A_476, %dma_start3A_477] : memref<2x56x128xf32, #tpu.memory_space<vmem>> -> memref<1x56x128xf32, #tpu.memory_space<vmem>>
      %dma_start3A_479 = tpu.memref_squeeze %dma_start3A_478 : memref<1x56x128xf32, #tpu.memory_space<vmem>> -> memref<56x128xf32, #tpu.memory_space<vmem>>
      %dma_start3A_480 = arith.constant 0 : i32
      %dma_start3A_481 = arith.constant 0 : i32
      %dma_start3A_482 = tpu.memref_slice %arg3[%add3A, %min3A_450, %dma_start3A_480, %dma_start3A_481] : memref<32x180x56x128xf32, #tpu.memory_space<hbm>> -> memref<1x1x56x128xf32, #tpu.memory_space<hbm>>
      %dma_start3A_483 = tpu.memref_squeeze %dma_start3A_482 : memref<1x1x56x128xf32, #tpu.memory_space<hbm>> -> memref<56x128xf32, #tpu.memory_space<hbm>>
      %dma_start3A_484 = arith.constant 0 : i32
      %dma_start3A_485 = arith.constant 0 : i32
      %dma_start3A_486 = tpu.memref_slice %arg12[%dma_start3A_475, %dma_start3A_484, %dma_start3A_485] : memref<2x56x128xf32, #tpu.memory_space<vmem>> -> memref<1x56x128xf32, #tpu.memory_space<vmem>>
      %dma_start3A_487 = tpu.memref_squeeze %dma_start3A_486 : memref<1x56x128xf32, #tpu.memory_space<vmem>> -> memref<56x128xf32, #tpu.memory_space<vmem>>
      %dma_start3A_488 = arith.constant 0 : i32
      %dma_start3A_489 = arith.constant 0 : i32
      %dma_start3A_490 = tpu.memref_slice %arg3[%add3A, %min3A_450, %dma_start3A_488, %dma_start3A_489] : memref<32x180x56x128xf32, #tpu.memory_space<hbm>> -> memref<1x1x56x128xf32, #tpu.memory_space<hbm>>
      %dma_start3A_491 = tpu.memref_squeeze %dma_start3A_490 : memref<1x1x56x128xf32, #tpu.memory_space<hbm>> -> memref<56x128xf32, #tpu.memory_space<hbm>>
      tpu.enqueue_dma source(%dma_start3A_491 : memref<56x128xf32, #tpu.memory_space<hbm>>) target(%dma_start3A_487 : memref<56x128xf32, #tpu.memory_space<vmem>>) target_semaphore(%arg15 : memref<!tpu.dma_semaphore, #tpu.memory_space<semaphore_mem>>)
      %mul3A_492 = arith.constant 2 : i32
      %mul3A_493 = arith.muli %scan3A_317, %mul3A_492 : i32
      %add3A_494 = arith.constant 1 : i32
      %add3A_495 = arith.addi %mul3A_493, %add3A_494 : i32
      %dma_wait3A_496 = arith.constant 1 : i32
      %dma_wait3A_497 = arith.constant 1 : i32
      %dma_wait3A_498 = arith.constant 0 : i32
      %dma_wait3A_499 = arith.constant 0 : i32
      %dma_wait3A_500 = tpu.memref_slice %arg10[%dma_wait3A_497, %dma_wait3A_498, %dma_wait3A_499] : memref<2x56x128xf32, #tpu.memory_space<vmem>> -> memref<1x56x128xf32, #tpu.memory_space<vmem>>
      %dma_wait3A_501 = tpu.memref_squeeze %dma_wait3A_500 : memref<1x56x128xf32, #tpu.memory_space<vmem>> -> memref<56x128xf32, #tpu.memory_space<vmem>>
      %dma_wait3A_502 = arith.constant 0 : i32
      %dma_wait3A_503 = tpu.memref_slice %arg8[%rem3A_318, %dma_wait3A_496, %dma_wait3A_502] : memref<3x2x56xi32, #tpu.memory_space<vmem>> -> memref<1x1x56xi32, #tpu.memory_space<vmem>>
      %dma_wait3A_504 = tpu.memref_squeeze %dma_wait3A_503 : memref<1x1x56xi32, #tpu.memory_space<vmem>> -> memref<56xi32, #tpu.memory_space<vmem>>
      %dma_wait3A_505 = arith.constant 0 : i32
      %dma_wait3A_506 = arith.constant 0 : i32
      %dma_wait3A_507 = tpu.memref_slice %arg2[%dma_wait3A_505, %dma_wait3A_506] : memref<20224x128xf32, #tpu.memory_space<hbm>> -> memref<20224x128xf32, #tpu.memory_space<hbm>>
      tpu.wait_indirect_dma semaphore(%arg16 : memref<!tpu.dma_semaphore, #tpu.memory_space<semaphore_mem>>) src(%dma_wait3A_507 : memref<20224x128xf32, #tpu.memory_space<hbm>>) dst(%dma_wait3A_501 : memref<56x128xf32, #tpu.memory_space<vmem>>)
      %dma_wait3A_508 = arith.constant 1 : i32
      %dma_wait3A_509 = arith.constant 1 : i32
      %dma_wait3A_510 = arith.constant 0 : i32
      %dma_wait3A_511 = arith.constant 0 : i32
      %dma_wait3A_512 = tpu.memref_slice %arg11[%dma_wait3A_509, %dma_wait3A_510, %dma_wait3A_511] : memref<2x56x128xf32, #tpu.memory_space<vmem>> -> memref<1x56x128xf32, #tpu.memory_space<vmem>>
      %dma_wait3A_513 = tpu.memref_squeeze %dma_wait3A_512 : memref<1x56x128xf32, #tpu.memory_space<vmem>> -> memref<56x128xf32, #tpu.memory_space<vmem>>
      %dma_wait3A_514 = arith.constant 0 : i32
      %dma_wait3A_515 = tpu.memref_slice %arg9[%rem3A_318, %dma_wait3A_508, %dma_wait3A_514] : memref<3x2x56xi32, #tpu.memory_space<vmem>> -> memref<1x1x56xi32, #tpu.memory_space<vmem>>
      %dma_wait3A_516 = tpu.memref_squeeze %dma_wait3A_515 : memref<1x1x56xi32, #tpu.memory_space<vmem>> -> memref<56xi32, #tpu.memory_space<vmem>>
      %dma_wait3A_517 = arith.constant 0 : i32
      %dma_wait3A_518 = arith.constant 0 : i32
      %dma_wait3A_519 = tpu.memref_slice %arg2[%dma_wait3A_517, %dma_wait3A_518] : memref<20224x128xf32, #tpu.memory_space<hbm>> -> memref<20224x128xf32, #tpu.memory_space<hbm>>
      tpu.wait_indirect_dma semaphore(%arg16 : memref<!tpu.dma_semaphore, #tpu.memory_space<semaphore_mem>>) src(%dma_wait3A_519 : memref<20224x128xf32, #tpu.memory_space<hbm>>) dst(%dma_wait3A_513 : memref<56x128xf32, #tpu.memory_space<vmem>>)
      %dma_wait3A_520 = arith.constant 1 : i32
      %dma_wait3A_521 = arith.constant 0 : i32
      %dma_wait3A_522 = arith.constant 0 : i32
      %dma_wait3A_523 = tpu.memref_slice %arg12[%dma_wait3A_520, %dma_wait3A_521, %dma_wait3A_522] : memref<2x56x128xf32, #tpu.memory_space<vmem>> -> memref<1x56x128xf32, #tpu.memory_space<vmem>>
      %dma_wait3A_524 = tpu.memref_squeeze %dma_wait3A_523 : memref<1x56x128xf32, #tpu.memory_space<vmem>> -> memref<56x128xf32, #tpu.memory_space<vmem>>
      %dma_wait3A_525 = arith.constant 0 : i32
      %dma_wait3A_526 = arith.constant 0 : i32
      %dma_wait3A_527 = tpu.memref_slice %arg3[%add3A, %add3A_495, %dma_wait3A_525, %dma_wait3A_526] : memref<32x180x56x128xf32, #tpu.memory_space<hbm>> -> memref<1x1x56x128xf32, #tpu.memory_space<hbm>>
      %dma_wait3A_528 = tpu.memref_squeeze %dma_wait3A_527 : memref<1x1x56x128xf32, #tpu.memory_space<hbm>> -> memref<56x128xf32, #tpu.memory_space<hbm>>
      %dma_wait3A_529 = arith.constant 0 : i32
      %dma_wait3A_530 = arith.constant 0 : i32
      %dma_wait3A_531 = tpu.memref_slice %arg12[%dma_wait3A_520, %dma_wait3A_529, %dma_wait3A_530] : memref<2x56x128xf32, #tpu.memory_space<vmem>> -> memref<1x56x128xf32, #tpu.memory_space<vmem>>
      %dma_wait3A_532 = tpu.memref_squeeze %dma_wait3A_531 : memref<1x56x128xf32, #tpu.memory_space<vmem>> -> memref<56x128xf32, #tpu.memory_space<vmem>>
      %dma_wait3A_533 = arith.constant 0 : i32
      %dma_wait3A_534 = arith.constant 0 : i32
      %dma_wait3A_535 = tpu.memref_slice %arg3[%add3A, %add3A_495, %dma_wait3A_533, %dma_wait3A_534] : memref<32x180x56x128xf32, #tpu.memory_space<hbm>> -> memref<1x1x56x128xf32, #tpu.memory_space<hbm>>
      %dma_wait3A_536 = tpu.memref_squeeze %dma_wait3A_535 : memref<1x1x56x128xf32, #tpu.memory_space<hbm>> -> memref<56x128xf32, #tpu.memory_space<hbm>>
      tpu.wait_dma2 semaphore(%arg16 : memref<!tpu.dma_semaphore, #tpu.memory_space<semaphore_mem>>) src(%dma_wait3A_536 : memref<56x128xf32, #tpu.memory_space<hbm>>) dst(%dma_wait3A_532 : memref<56x128xf32, #tpu.memory_space<vmem>>)
      %scan3A_537 = arith.constant 0 : i32
      %scan3A_538 = arith.constant 0 : i32
      %scan3A_539 = arith.constant 56 : i32
      %scan3A_540 = arith.addi %scan3A_538, %scan3A_539 : i32
      %scan3A_541 = arith.constant 1 : i32
      scf.for %scan3A_590 = %scan3A_538 to %scan3A_540 step %scan3A_541  : i32 {
        %get3A_591 = arith.constant 1 : i32
        %get3A_592 = arith.index_cast %get3A_591 : i32 to index
        %get3A_593 = arith.index_cast %scan3A_590 : i32 to index
        %get3A_594 = arith.constant 0 : index
        %get3A_595 = tpu.vector_load %arg10[%get3A_592, %get3A_593, %get3A_594] {strides = array<i32>} : memref<2x56x128xf32, #tpu.memory_space<vmem>>, vector<1x1x16xf32>,
        %get3A_596 = vector.shape_cast %get3A_595 : vector<1x1x16xf32> to vector<16xf32>
        %get3A_597 = arith.constant 1 : i32
        %get3A_598 = arith.index_cast %get3A_597 : i32 to index
        %get3A_599 = arith.index_cast %scan3A_590 : i32 to index
        %get3A_600 = arith.constant 0 : index
        %get3A_601 = tpu.vector_load %arg11[%get3A_598, %get3A_599, %get3A_600] {strides = array<i32>} : memref<2x56x128xf32, #tpu.memory_space<vmem>>, vector<1x1x16xf32>,
        %get3A_602 = vector.shape_cast %get3A_601 : vector<1x1x16xf32> to vector<16xf32>
        %add3A_603 = arith.addf %get3A_596, %get3A_602 : vector<16xf32>
        %get3A_604 = arith.constant 1 : i32
        %get3A_605 = arith.index_cast %get3A_604 : i32 to index
        %get3A_606 = arith.index_cast %scan3A_590 : i32 to index
        %get3A_607 = arith.constant 0 : index
        %get3A_608 = tpu.vector_load %arg12[%get3A_605, %get3A_606, %get3A_607] {strides = array<i32>} : memref<2x56x128xf32, #tpu.memory_space<vmem>>, vector<1x1x16xf32>,
        %get3A_609 = vector.shape_cast %get3A_608 : vector<1x1x16xf32> to vector<16xf32>
        %add3A_610 = arith.addf %add3A_603, %get3A_609 : vector<16xf32>
        %neg3A = arith.constant 0.000000e+00 : f32
        %neg3A_611 = vector.broadcast %neg3A : f32 to vector<16xf32>
        %neg3A_612 = arith.subf %neg3A_611, %add3A_610 : vector<16xf32>
        %exp3A = math.exp %neg3A_612 : vector<16xf32>
        %add3A_613 = arith.constant 1.000000e+00 : f32
        %add3A_614 = vector.broadcast %add3A_613 : f32 to vector<16xf32>
        %add3A_615 = arith.addf %add3A_614, %exp3A : vector<16xf32>
        %div3A = arith.divf %add3A_610, %add3A_615 : vector<16xf32>
        %add3A_616 = arith.addf %div3A, %get3A_44 : vector<16xf32>
        %swap3A = arith.constant 1 : i32
        %swap3A_617 = arith.index_cast %swap3A : i32 to index
        %swap3A_618 = arith.index_cast %scan3A_590 : i32 to index
        %swap3A_619 = arith.constant 0 : index
        %swap3A_620 = tpu.vector_load %arg12[%swap3A_617, %swap3A_618, %swap3A_619] {strides = array<i32>} : memref<2x56x128xf32, #tpu.memory_space<vmem>>, vector<1x1x16xf32>,
        %swap3A_621 = vector.shape_cast %swap3A_620 : vector<1x1x16xf32> to vector<16xf32>
        %swap3A_622 = vector.shape_cast %add3A_616 : vector<16xf32> to vector<1x1x16xf32>
        tpu.vector_store %arg12[%swap3A_617, %swap3A_618, %swap3A_619], %swap3A_622 {strides = array<i32>} : memref<2x56x128xf32, #tpu.memory_space<vmem>>, vector<1x1x16xf32>,
        %get3A_623 = arith.constant 1 : i32
        %get3A_624 = arith.index_cast %get3A_623 : i32 to index
        %get3A_625 = arith.index_cast %scan3A_590 : i32 to index
        %get3A_626 = arith.constant 16 : index
        %get3A_627 = tpu.vector_load %arg10[%get3A_624, %get3A_625, %get3A_626] {strides = array<i32>} : memref<2x56x128xf32, #tpu.memory_space<vmem>>, vector<1x1x16xf32>,
        %get3A_628 = vector.shape_cast %get3A_627 : vector<1x1x16xf32> to vector<16xf32>
        %get3A_629 = arith.constant 1 : i32
        %get3A_630 = arith.index_cast %get3A_629 : i32 to index
        %get3A_631 = arith.index_cast %scan3A_590 : i32 to index
        %get3A_632 = arith.constant 16 : index
        %get3A_633 = tpu.vector_load %arg11[%get3A_630, %get3A_631, %get3A_632] {strides = array<i32>} : memref<2x56x128xf32, #tpu.memory_space<vmem>>, vector<1x1x16xf32>,
        %get3A_634 = vector.shape_cast %get3A_633 : vector<1x1x16xf32> to vector<16xf32>
        %add3A_635 = arith.addf %get3A_628, %get3A_634 : vector<16xf32>
        %get3A_636 = arith.constant 1 : i32
        %get3A_637 = arith.index_cast %get3A_636 : i32 to index
        %get3A_638 = arith.index_cast %scan3A_590 : i32 to index
        %get3A_639 = arith.constant 16 : index
        %get3A_640 = tpu.vector_load %arg12[%get3A_637, %get3A_638, %get3A_639] {strides = array<i32>} : memref<2x56x128xf32, #tpu.memory_space<vmem>>, vector<1x1x16xf32>,
        %get3A_641 = vector.shape_cast %get3A_640 : vector<1x1x16xf32> to vector<16xf32>
        %add3A_642 = arith.addf %add3A_635, %get3A_641 : vector<16xf32>
        %neg3A_643 = arith.constant 0.000000e+00 : f32
        %neg3A_644 = vector.broadcast %neg3A_643 : f32 to vector<16xf32>
        %neg3A_645 = arith.subf %neg3A_644, %add3A_642 : vector<16xf32>
        %exp3A_646 = math.exp %neg3A_645 : vector<16xf32>
        %add3A_647 = arith.constant 1.000000e+00 : f32
        %add3A_648 = vector.broadcast %add3A_647 : f32 to vector<16xf32>
        %add3A_649 = arith.addf %add3A_648, %exp3A_646 : vector<16xf32>
        %div3A_650 = arith.divf %add3A_642, %add3A_649 : vector<16xf32>
        %add3A_651 = arith.addf %div3A_650, %get3A_47 : vector<16xf32>
        %swap3A_652 = arith.constant 1 : i32
        %swap3A_653 = arith.index_cast %swap3A_652 : i32 to index
        %swap3A_654 = arith.index_cast %scan3A_590 : i32 to index
        %swap3A_655 = arith.constant 16 : index
        %swap3A_656 = tpu.vector_load %arg12[%swap3A_653, %swap3A_654, %swap3A_655] {strides = array<i32>} : memref<2x56x128xf32, #tpu.memory_space<vmem>>, vector<1x1x16xf32>,
        %swap3A_657 = vector.shape_cast %swap3A_656 : vector<1x1x16xf32> to vector<16xf32>
        %swap3A_658 = vector.shape_cast %add3A_651 : vector<16xf32> to vector<1x1x16xf32>
        tpu.vector_store %arg12[%swap3A_653, %swap3A_654, %swap3A_655], %swap3A_658 {strides = array<i32>} : memref<2x56x128xf32, #tpu.memory_space<vmem>>, vector<1x1x16xf32>,
        %get3A_659 = arith.constant 1 : i32
        %get3A_660 = arith.index_cast %get3A_659 : i32 to index
        %get3A_661 = arith.index_cast %scan3A_590 : i32 to index
        %get3A_662 = arith.constant 32 : index
        %get3A_663 = tpu.vector_load %arg10[%get3A_660, %get3A_661, %get3A_662] {strides = array<i32>} : memref<2x56x128xf32, #tpu.memory_space<vmem>>, vector<1x1x16xf32>,
        %get3A_664 = vector.shape_cast %get3A_663 : vector<1x1x16xf32> to vector<16xf32>
        %get3A_665 = arith.constant 1 : i32
        %get3A_666 = arith.index_cast %get3A_665 : i32 to index
        %get3A_667 = arith.index_cast %scan3A_590 : i32 to index
        %get3A_668 = arith.constant 32 : index
        %get3A_669 = tpu.vector_load %arg11[%get3A_666, %get3A_667, %get3A_668] {strides = array<i32>} : memref<2x56x128xf32, #tpu.memory_space<vmem>>, vector<1x1x16xf32>,
        %get3A_670 = vector.shape_cast %get3A_669 : vector<1x1x16xf32> to vector<16xf32>
        %add3A_671 = arith.addf %get3A_664, %get3A_670 : vector<16xf32>
        %get3A_672 = arith.constant 1 : i32
        %get3A_673 = arith.index_cast %get3A_672 : i32 to index
        %get3A_674 = arith.index_cast %scan3A_590 : i32 to index
        %get3A_675 = arith.constant 32 : index
        %get3A_676 = tpu.vector_load %arg12[%get3A_673, %get3A_674, %get3A_675] {strides = array<i32>} : memref<2x56x128xf32, #tpu.memory_space<vmem>>, vector<1x1x16xf32>,
        %get3A_677 = vector.shape_cast %get3A_676 : vector<1x1x16xf32> to vector<16xf32>
        %add3A_678 = arith.addf %add3A_671, %get3A_677 : vector<16xf32>
        %neg3A_679 = arith.constant 0.000000e+00 : f32
        %neg3A_680 = vector.broadcast %neg3A_679 : f32 to vector<16xf32>
        %neg3A_681 = arith.subf %neg3A_680, %add3A_678 : vector<16xf32>
        %exp3A_682 = math.exp %neg3A_681 : vector<16xf32>
        %add3A_683 = arith.constant 1.000000e+00 : f32
        %add3A_684 = vector.broadcast %add3A_683 : f32 to vector<16xf32>
        %add3A_685 = arith.addf %add3A_684, %exp3A_682 : vector<16xf32>
        %div3A_686 = arith.divf %add3A_678, %add3A_685 : vector<16xf32>
        %add3A_687 = arith.addf %div3A_686, %get3A_50 : vector<16xf32>
        %swap3A_688 = arith.constant 1 : i32
        %swap3A_689 = arith.index_cast %swap3A_688 : i32 to index
        %swap3A_690 = arith.index_cast %scan3A_590 : i32 to index
        %swap3A_691 = arith.constant 32 : index
        %swap3A_692 = tpu.vector_load %arg12[%swap3A_689, %swap3A_690, %swap3A_691] {strides = array<i32>} : memref<2x56x128xf32, #tpu.memory_space<vmem>>, vector<1x1x16xf32>,
        %swap3A_693 = vector.shape_cast %swap3A_692 : vector<1x1x16xf32> to vector<16xf32>
        %swap3A_694 = vector.shape_cast %add3A_687 : vector<16xf32> to vector<1x1x16xf32>
        tpu.vector_store %arg12[%swap3A_689, %swap3A_690, %swap3A_691], %swap3A_694 {strides = array<i32>} : memref<2x56x128xf32, #tpu.memory_space<vmem>>, vector<1x1x16xf32>,
        %get3A_695 = arith.constant 1 : i32
        %get3A_696 = arith.index_cast %get3A_695 : i32 to index
        %get3A_697 = arith.index_cast %scan3A_590 : i32 to index
        %get3A_698 = arith.constant 48 : index
        %get3A_699 = tpu.vector_load %arg10[%get3A_696, %get3A_697, %get3A_698] {strides = array<i32>} : memref<2x56x128xf32, #tpu.memory_space<vmem>>, vector<1x1x16xf32>,
        %get3A_700 = vector.shape_cast %get3A_699 : vector<1x1x16xf32> to vector<16xf32>
        %get3A_701 = arith.constant 1 : i32
        %get3A_702 = arith.index_cast %get3A_701 : i32 to index
        %get3A_703 = arith.index_cast %scan3A_590 : i32 to index
        %get3A_704 = arith.constant 48 : index
        %get3A_705 = tpu.vector_load %arg11[%get3A_702, %get3A_703, %get3A_704] {strides = array<i32>} : memref<2x56x128xf32, #tpu.memory_space<vmem>>, vector<1x1x16xf32>,
        %get3A_706 = vector.shape_cast %get3A_705 : vector<1x1x16xf32> to vector<16xf32>
        %add3A_707 = arith.addf %get3A_700, %get3A_706 : vector<16xf32>
        %get3A_708 = arith.constant 1 : i32
        %get3A_709 = arith.index_cast %get3A_708 : i32 to index
        %get3A_710 = arith.index_cast %scan3A_590 : i32 to index
        %get3A_711 = arith.constant 48 : index
        %get3A_712 = tpu.vector_load %arg12[%get3A_709, %get3A_710, %get3A_711] {strides = array<i32>} : memref<2x56x128xf32, #tpu.memory_space<vmem>>, vector<1x1x16xf32>,
        %get3A_713 = vector.shape_cast %get3A_712 : vector<1x1x16xf32> to vector<16xf32>
        %add3A_714 = arith.addf %add3A_707, %get3A_713 : vector<16xf32>
        %neg3A_715 = arith.constant 0.000000e+00 : f32
        %neg3A_716 = vector.broadcast %neg3A_715 : f32 to vector<16xf32>
        %neg3A_717 = arith.subf %neg3A_716, %add3A_714 : vector<16xf32>
        %exp3A_718 = math.exp %neg3A_717 : vector<16xf32>
        %add3A_719 = arith.constant 1.000000e+00 : f32
        %add3A_720 = vector.broadcast %add3A_719 : f32 to vector<16xf32>
        %add3A_721 = arith.addf %add3A_720, %exp3A_718 : vector<16xf32>
        %div3A_722 = arith.divf %add3A_714, %add3A_721 : vector<16xf32>
        %add3A_723 = arith.addf %div3A_722, %get3A_53 : vector<16xf32>
        %swap3A_724 = arith.constant 1 : i32
        %swap3A_725 = arith.index_cast %swap3A_724 : i32 to index
        %swap3A_726 = arith.index_cast %scan3A_590 : i32 to index
        %swap3A_727 = arith.constant 48 : index
        %swap3A_728 = tpu.vector_load %arg12[%swap3A_725, %swap3A_726, %swap3A_727] {strides = array<i32>} : memref<2x56x128xf32, #tpu.memory_space<vmem>>, vector<1x1x16xf32>,
        %swap3A_729 = vector.shape_cast %swap3A_728 : vector<1x1x16xf32> to vector<16xf32>
        %swap3A_730 = vector.shape_cast %add3A_723 : vector<16xf32> to vector<1x1x16xf32>
        tpu.vector_store %arg12[%swap3A_725, %swap3A_726, %swap3A_727], %swap3A_730 {strides = array<i32>} : memref<2x56x128xf32, #tpu.memory_space<vmem>>, vector<1x1x16xf32>,
        %get3A_731 = arith.constant 1 : i32
        %get3A_732 = arith.index_cast %get3A_731 : i32 to index
        %get3A_733 = arith.index_cast %scan3A_590 : i32 to index
        %get3A_734 = arith.constant 64 : index
        %get3A_735 = tpu.vector_load %arg10[%get3A_732, %get3A_733, %get3A_734] {strides = array<i32>} : memref<2x56x128xf32, #tpu.memory_space<vmem>>, vector<1x1x16xf32>,
        %get3A_736 = vector.shape_cast %get3A_735 : vector<1x1x16xf32> to vector<16xf32>
        %get3A_737 = arith.constant 1 : i32
        %get3A_738 = arith.index_cast %get3A_737 : i32 to index
        %get3A_739 = arith.index_cast %scan3A_590 : i32 to index
        %get3A_740 = arith.constant 64 : index
        %get3A_741 = tpu.vector_load %arg11[%get3A_738, %get3A_739, %get3A_740] {strides = array<i32>} : memref<2x56x128xf32, #tpu.memory_space<vmem>>, vector<1x1x16xf32>,
        %get3A_742 = vector.shape_cast %get3A_741 : vector<1x1x16xf32> to vector<16xf32>
        %add3A_743 = arith.addf %get3A_736, %get3A_742 : vector<16xf32>
        %get3A_744 = arith.constant 1 : i32
        %get3A_745 = arith.index_cast %get3A_744 : i32 to index
        %get3A_746 = arith.index_cast %scan3A_590 : i32 to index
        %get3A_747 = arith.constant 64 : index
        %get3A_748 = tpu.vector_load %arg12[%get3A_745, %get3A_746, %get3A_747] {strides = array<i32>} : memref<2x56x128xf32, #tpu.memory_space<vmem>>, vector<1x1x16xf32>,
        %get3A_749 = vector.shape_cast %get3A_748 : vector<1x1x16xf32> to vector<16xf32>
        %add3A_750 = arith.addf %add3A_743, %get3A_749 : vector<16xf32>
        %neg3A_751 = arith.constant 0.000000e+00 : f32
        %neg3A_752 = vector.broadcast %neg3A_751 : f32 to vector<16xf32>
        %neg3A_753 = arith.subf %neg3A_752, %add3A_750 : vector<16xf32>
        %exp3A_754 = math.exp %neg3A_753 : vector<16xf32>
        %add3A_755 = arith.constant 1.000000e+00 : f32
        %add3A_756 = vector.broadcast %add3A_755 : f32 to vector<16xf32>
        %add3A_757 = arith.addf %add3A_756, %exp3A_754 : vector<16xf32>
        %div3A_758 = arith.divf %add3A_750, %add3A_757 : vector<16xf32>
        %add3A_759 = arith.addf %div3A_758, %get3A_56 : vector<16xf32>
        %swap3A_760 = arith.constant 1 : i32
        %swap3A_761 = arith.index_cast %swap3A_760 : i32 to index
        %swap3A_762 = arith.index_cast %scan3A_590 : i32 to index
        %swap3A_763 = arith.constant 64 : index
        %swap3A_764 = tpu.vector_load %arg12[%swap3A_761, %swap3A_762, %swap3A_763] {strides = array<i32>} : memref<2x56x128xf32, #tpu.memory_space<vmem>>, vector<1x1x16xf32>,
        %swap3A_765 = vector.shape_cast %swap3A_764 : vector<1x1x16xf32> to vector<16xf32>
        %swap3A_766 = vector.shape_cast %add3A_759 : vector<16xf32> to vector<1x1x16xf32>
        tpu.vector_store %arg12[%swap3A_761, %swap3A_762, %swap3A_763], %swap3A_766 {strides = array<i32>} : memref<2x56x128xf32, #tpu.memory_space<vmem>>, vector<1x1x16xf32>,
        %get3A_767 = arith.constant 1 : i32
        %get3A_768 = arith.index_cast %get3A_767 : i32 to index
        %get3A_769 = arith.index_cast %scan3A_590 : i32 to index
        %get3A_770 = arith.constant 80 : index
        %get3A_771 = tpu.vector_load %arg10[%get3A_768, %get3A_769, %get3A_770] {strides = array<i32>} : memref<2x56x128xf32, #tpu.memory_space<vmem>>, vector<1x1x16xf32>,
        %get3A_772 = vector.shape_cast %get3A_771 : vector<1x1x16xf32> to vector<16xf32>
        %get3A_773 = arith.constant 1 : i32
        %get3A_774 = arith.index_cast %get3A_773 : i32 to index
        %get3A_775 = arith.index_cast %scan3A_590 : i32 to index
        %get3A_776 = arith.constant 80 : index
        %get3A_777 = tpu.vector_load %arg11[%get3A_774, %get3A_775, %get3A_776] {strides = array<i32>} : memref<2x56x128xf32, #tpu.memory_space<vmem>>, vector<1x1x16xf32>,
        %get3A_778 = vector.shape_cast %get3A_777 : vector<1x1x16xf32> to vector<16xf32>
        %add3A_779 = arith.addf %get3A_772, %get3A_778 : vector<16xf32>
        %get3A_780 = arith.constant 1 : i32
        %get3A_781 = arith.index_cast %get3A_780 : i32 to index
        %get3A_782 = arith.index_cast %scan3A_590 : i32 to index
        %get3A_783 = arith.constant 80 : index
        %get3A_784 = tpu.vector_load %arg12[%get3A_781, %get3A_782, %get3A_783] {strides = array<i32>} : memref<2x56x128xf32, #tpu.memory_space<vmem>>, vector<1x1x16xf32>,
        %get3A_785 = vector.shape_cast %get3A_784 : vector<1x1x16xf32> to vector<16xf32>
        %add3A_786 = arith.addf %add3A_779, %get3A_785 : vector<16xf32>
        %neg3A_787 = arith.constant 0.000000e+00 : f32
        %neg3A_788 = vector.broadcast %neg3A_787 : f32 to vector<16xf32>
        %neg3A_789 = arith.subf %neg3A_788, %add3A_786 : vector<16xf32>
        %exp3A_790 = math.exp %neg3A_789 : vector<16xf32>
        %add3A_791 = arith.constant 1.000000e+00 : f32
        %add3A_792 = vector.broadcast %add3A_791 : f32 to vector<16xf32>
        %add3A_793 = arith.addf %add3A_792, %exp3A_790 : vector<16xf32>
        %div3A_794 = arith.divf %add3A_786, %add3A_793 : vector<16xf32>
        %add3A_795 = arith.addf %div3A_794, %get3A_59 : vector<16xf32>
        %swap3A_796 = arith.constant 1 : i32
        %swap3A_797 = arith.index_cast %swap3A_796 : i32 to index
        %swap3A_798 = arith.index_cast %scan3A_590 : i32 to index
        %swap3A_799 = arith.constant 80 : index
        %swap3A_800 = tpu.vector_load %arg12[%swap3A_797, %swap3A_798, %swap3A_799] {strides = array<i32>} : memref<2x56x128xf32, #tpu.memory_space<vmem>>, vector<1x1x16xf32>,
        %swap3A_801 = vector.shape_cast %swap3A_800 : vector<1x1x16xf32> to vector<16xf32>
        %swap3A_802 = vector.shape_cast %add3A_795 : vector<16xf32> to vector<1x1x16xf32>
        tpu.vector_store %arg12[%swap3A_797, %swap3A_798, %swap3A_799], %swap3A_802 {strides = array<i32>} : memref<2x56x128xf32, #tpu.memory_space<vmem>>, vector<1x1x16xf32>,
        %get3A_803 = arith.constant 1 : i32
        %get3A_804 = arith.index_cast %get3A_803 : i32 to index
        %get3A_805 = arith.index_cast %scan3A_590 : i32 to index
        %get3A_806 = arith.constant 96 : index
        %get3A_807 = tpu.vector_load %arg10[%get3A_804, %get3A_805, %get3A_806] {strides = array<i32>} : memref<2x56x128xf32, #tpu.memory_space<vmem>>, vector<1x1x16xf32>,
        %get3A_808 = vector.shape_cast %get3A_807 : vector<1x1x16xf32> to vector<16xf32>
        %get3A_809 = arith.constant 1 : i32
        %get3A_810 = arith.index_cast %get3A_809 : i32 to index
        %get3A_811 = arith.index_cast %scan3A_590 : i32 to index
        %get3A_812 = arith.constant 96 : index
        %get3A_813 = tpu.vector_load %arg11[%get3A_810, %get3A_811, %get3A_812] {strides = array<i32>} : memref<2x56x128xf32, #tpu.memory_space<vmem>>, vector<1x1x16xf32>,
        %get3A_814 = vector.shape_cast %get3A_813 : vector<1x1x16xf32> to vector<16xf32>
        %add3A_815 = arith.addf %get3A_808, %get3A_814 : vector<16xf32>
        %get3A_816 = arith.constant 1 : i32
        %get3A_817 = arith.index_cast %get3A_816 : i32 to index
        %get3A_818 = arith.index_cast %scan3A_590 : i32 to index
        %get3A_819 = arith.constant 96 : index
        %get3A_820 = tpu.vector_load %arg12[%get3A_817, %get3A_818, %get3A_819] {strides = array<i32>} : memref<2x56x128xf32, #tpu.memory_space<vmem>>, vector<1x1x16xf32>,
        %get3A_821 = vector.shape_cast %get3A_820 : vector<1x1x16xf32> to vector<16xf32>
        %add3A_822 = arith.addf %add3A_815, %get3A_821 : vector<16xf32>
        %neg3A_823 = arith.constant 0.000000e+00 : f32
        %neg3A_824 = vector.broadcast %neg3A_823 : f32 to vector<16xf32>
        %neg3A_825 = arith.subf %neg3A_824, %add3A_822 : vector<16xf32>
        %exp3A_826 = math.exp %neg3A_825 : vector<16xf32>
        %add3A_827 = arith.constant 1.000000e+00 : f32
        %add3A_828 = vector.broadcast %add3A_827 : f32 to vector<16xf32>
        %add3A_829 = arith.addf %add3A_828, %exp3A_826 : vector<16xf32>
        %div3A_830 = arith.divf %add3A_822, %add3A_829 : vector<16xf32>
        %add3A_831 = arith.addf %div3A_830, %get3A_62 : vector<16xf32>
        %swap3A_832 = arith.constant 1 : i32
        %swap3A_833 = arith.index_cast %swap3A_832 : i32 to index
        %swap3A_834 = arith.index_cast %scan3A_590 : i32 to index
        %swap3A_835 = arith.constant 96 : index
        %swap3A_836 = tpu.vector_load %arg12[%swap3A_833, %swap3A_834, %swap3A_835] {strides = array<i32>} : memref<2x56x128xf32, #tpu.memory_space<vmem>>, vector<1x1x16xf32>,
        %swap3A_837 = vector.shape_cast %swap3A_836 : vector<1x1x16xf32> to vector<16xf32>
        %swap3A_838 = vector.shape_cast %add3A_831 : vector<16xf32> to vector<1x1x16xf32>
        tpu.vector_store %arg12[%swap3A_833, %swap3A_834, %swap3A_835], %swap3A_838 {strides = array<i32>} : memref<2x56x128xf32, #tpu.memory_space<vmem>>, vector<1x1x16xf32>,
        %get3A_839 = arith.constant 1 : i32
        %get3A_840 = arith.index_cast %get3A_839 : i32 to index
        %get3A_841 = arith.index_cast %scan3A_590 : i32 to index
        %get3A_842 = arith.constant 112 : index
        %get3A_843 = tpu.vector_load %arg10[%get3A_840, %get3A_841, %get3A_842] {strides = array<i32>} : memref<2x56x128xf32, #tpu.memory_space<vmem>>, vector<1x1x16xf32>,
        %get3A_844 = vector.shape_cast %get3A_843 : vector<1x1x16xf32> to vector<16xf32>
        %get3A_845 = arith.constant 1 : i32
        %get3A_846 = arith.index_cast %get3A_845 : i32 to index
        %get3A_847 = arith.index_cast %scan3A_590 : i32 to index
        %get3A_848 = arith.constant 112 : index
        %get3A_849 = tpu.vector_load %arg11[%get3A_846, %get3A_847, %get3A_848] {strides = array<i32>} : memref<2x56x128xf32, #tpu.memory_space<vmem>>, vector<1x1x16xf32>,
        %get3A_850 = vector.shape_cast %get3A_849 : vector<1x1x16xf32> to vector<16xf32>
        %add3A_851 = arith.addf %get3A_844, %get3A_850 : vector<16xf32>
        %get3A_852 = arith.constant 1 : i32
        %get3A_853 = arith.index_cast %get3A_852 : i32 to index
        %get3A_854 = arith.index_cast %scan3A_590 : i32 to index
        %get3A_855 = arith.constant 112 : index
        %get3A_856 = tpu.vector_load %arg12[%get3A_853, %get3A_854, %get3A_855] {strides = array<i32>} : memref<2x56x128xf32, #tpu.memory_space<vmem>>, vector<1x1x16xf32>,
        %get3A_857 = vector.shape_cast %get3A_856 : vector<1x1x16xf32> to vector<16xf32>
        %add3A_858 = arith.addf %add3A_851, %get3A_857 : vector<16xf32>
        %neg3A_859 = arith.constant 0.000000e+00 : f32
        %neg3A_860 = vector.broadcast %neg3A_859 : f32 to vector<16xf32>
        %neg3A_861 = arith.subf %neg3A_860, %add3A_858 : vector<16xf32>
        %exp3A_862 = math.exp %neg3A_861 : vector<16xf32>
        %add3A_863 = arith.constant 1.000000e+00 : f32
        %add3A_864 = vector.broadcast %add3A_863 : f32 to vector<16xf32>
        %add3A_865 = arith.addf %add3A_864, %exp3A_862 : vector<16xf32>
        %div3A_866 = arith.divf %add3A_858, %add3A_865 : vector<16xf32>
        %add3A_867 = arith.addf %div3A_866, %get3A_65 : vector<16xf32>
        %swap3A_868 = arith.constant 1 : i32
        %swap3A_869 = arith.index_cast %swap3A_868 : i32 to index
        %swap3A_870 = arith.index_cast %scan3A_590 : i32 to index
        %swap3A_871 = arith.constant 112 : index
        %swap3A_872 = tpu.vector_load %arg12[%swap3A_869, %swap3A_870, %swap3A_871] {strides = array<i32>} : memref<2x56x128xf32, #tpu.memory_space<vmem>>, vector<1x1x16xf32>,
        %swap3A_873 = vector.shape_cast %swap3A_872 : vector<1x1x16xf32> to vector<16xf32>
        %swap3A_874 = vector.shape_cast %add3A_867 : vector<16xf32> to vector<1x1x16xf32>
        tpu.vector_store %arg12[%swap3A_869, %swap3A_870, %swap3A_871], %swap3A_874 {strides = array<i32>} : memref<2x56x128xf32, #tpu.memory_space<vmem>>, vector<1x1x16xf32>,
      }
      %scan3A_542 = arith.constant 56 : i32
      %run_scoped3A_543 = arith.constant 1 : i32
      %run_scoped3A_544 = arith.constant 1 : i32
      "tpu.region"() ({
        %run_scoped3A_590 = tpu.sem_alloc : memref<!tpu.dma_semaphore, #tpu.memory_space<semaphore_mem>>
        %dma_start3A_591 = arith.constant 0 : i32
        %dma_start3A_592 = arith.constant 0 : i32
        %dma_start3A_593 = tpu.memref_slice %arg12[%run_scoped3A_543, %dma_start3A_591, %dma_start3A_592] : memref<2x56x128xf32, #tpu.memory_space<vmem>> -> memref<1x56x128xf32, #tpu.memory_space<vmem>>
        %dma_start3A_594 = tpu.memref_squeeze %dma_start3A_593 : memref<1x56x128xf32, #tpu.memory_space<vmem>> -> memref<56x128xf32, #tpu.memory_space<vmem>>
        %dma_start3A_595 = arith.constant 0 : i32
        %dma_start3A_596 = tpu.memref_slice %arg9[%rem3A_318, %run_scoped3A_544, %dma_start3A_595] : memref<3x2x56xi32, #tpu.memory_space<vmem>> -> memref<1x1x56xi32, #tpu.memory_space<vmem>>
        %dma_start3A_597 = tpu.memref_squeeze %dma_start3A_596 : memref<1x1x56xi32, #tpu.memory_space<vmem>> -> memref<56xi32, #tpu.memory_space<vmem>>
        %dma_start3A_598 = arith.constant 0 : i32
        %dma_start3A_599 = arith.constant 0 : i32
        %dma_start3A_600 = tpu.memref_slice %arg14[%dma_start3A_598, %dma_start3A_599] : memref<10112x128xf32, #tpu.memory_space<vmem_shared>> -> memref<10112x128xf32, #tpu.memory_space<vmem_shared>>
        tpu.enqueue_indirect_dma source(%dma_start3A_594 : memref<56x128xf32, #tpu.memory_space<vmem>>) target(%dma_start3A_600 : memref<10112x128xf32, #tpu.memory_space<vmem_shared>>) offsets(%dma_start3A_597 : memref<56xi32, #tpu.memory_space<vmem>>) semaphore(%run_scoped3A_590 : memref<!tpu.dma_semaphore, #tpu.memory_space<semaphore_mem>>) {add = true}
        %dma_wait3A_601 = arith.constant 0 : i32
        %dma_wait3A_602 = arith.constant 0 : i32
        %dma_wait3A_603 = tpu.memref_slice %arg12[%run_scoped3A_543, %dma_wait3A_601, %dma_wait3A_602] : memref<2x56x128xf32, #tpu.memory_space<vmem>> -> memref<1x56x128xf32, #tpu.memory_space<vmem>>
        %dma_wait3A_604 = tpu.memref_squeeze %dma_wait3A_603 : memref<1x56x128xf32, #tpu.memory_space<vmem>> -> memref<56x128xf32, #tpu.memory_space<vmem>>
        %dma_wait3A_605 = arith.constant 0 : i32
        %dma_wait3A_606 = tpu.memref_slice %arg9[%rem3A_318, %run_scoped3A_544, %dma_wait3A_605] : memref<3x2x56xi32, #tpu.memory_space<vmem>> -> memref<1x1x56xi32, #tpu.memory_space<vmem>>
        %dma_wait3A_607 = tpu.memref_squeeze %dma_wait3A_606 : memref<1x1x56xi32, #tpu.memory_space<vmem>> -> memref<56xi32, #tpu.memory_space<vmem>>
        %dma_wait3A_608 = arith.constant 0 : i32
        %dma_wait3A_609 = arith.constant 0 : i32
        %dma_wait3A_610 = tpu.memref_slice %arg14[%dma_wait3A_608, %dma_wait3A_609] : memref<10112x128xf32, #tpu.memory_space<vmem_shared>> -> memref<10112x128xf32, #tpu.memory_space<vmem_shared>>
        tpu.wait_indirect_dma semaphore(%run_scoped3A_590 : memref<!tpu.dma_semaphore, #tpu.memory_space<semaphore_mem>>) src(%dma_wait3A_604 : memref<56x128xf32, #tpu.memory_space<vmem>>) dst(%dma_wait3A_610 : memref<10112x128xf32, #tpu.memory_space<vmem_shared>>)
        tpu.yield
      }) : () -> ()
      %add3A_545 = arith.constant 2 : i32
      %add3A_546 = arith.addi %add3A_495, %add3A_545 : i32
      %min3A_547 = arith.constant 179 : i32
      %min3A_548 = arith.minsi %add3A_546, %min3A_547 : i32
      %dma_start3A_549 = arith.constant 1 : i32
      %dma_start3A_550 = arith.constant 1 : i32
      %dma_start3A_551 = arith.constant 0 : i32
      %dma_start3A_552 = arith.constant 0 : i32
      %dma_start3A_553 = tpu.memref_slice %arg10[%dma_start3A_550, %dma_start3A_551, %dma_start3A_552] : memref<2x56x128xf32, #tpu.memory_space<vmem>> -> memref<1x56x128xf32, #tpu.memory_space<vmem>>
      %dma_start3A_554 = tpu.memref_squeeze %dma_start3A_553 : memref<1x56x128xf32, #tpu.memory_space<vmem>> -> memref<56x128xf32, #tpu.memory_space<vmem>>
      %dma_start3A_555 = arith.constant 0 : i32
      %dma_start3A_556 = tpu.memref_slice %arg8[%rem3A_322, %dma_start3A_549, %dma_start3A_555] : memref<3x2x56xi32, #tpu.memory_space<vmem>> -> memref<1x1x56xi32, #tpu.memory_space<vmem>>
      %dma_start3A_557 = tpu.memref_squeeze %dma_start3A_556 : memref<1x1x56xi32, #tpu.memory_space<vmem>> -> memref<56xi32, #tpu.memory_space<vmem>>
      %dma_start3A_558 = arith.constant 0 : i32
      %dma_start3A_559 = arith.constant 0 : i32
      %dma_start3A_560 = tpu.memref_slice %arg2[%dma_start3A_558, %dma_start3A_559] : memref<20224x128xf32, #tpu.memory_space<hbm>> -> memref<20224x128xf32, #tpu.memory_space<hbm>>
      tpu.enqueue_indirect_dma source(%dma_start3A_560 : memref<20224x128xf32, #tpu.memory_space<hbm>>) target(%dma_start3A_554 : memref<56x128xf32, #tpu.memory_space<vmem>>) offsets(%dma_start3A_557 : memref<56xi32, #tpu.memory_space<vmem>>) semaphore(%arg16 : memref<!tpu.dma_semaphore, #tpu.memory_space<semaphore_mem>>)
      %dma_start3A_561 = arith.constant 1 : i32
      %dma_start3A_562 = arith.constant 1 : i32
      %dma_start3A_563 = arith.constant 0 : i32
      %dma_start3A_564 = arith.constant 0 : i32
      %dma_start3A_565 = tpu.memref_slice %arg11[%dma_start3A_562, %dma_start3A_563, %dma_start3A_564] : memref<2x56x128xf32, #tpu.memory_space<vmem>> -> memref<1x56x128xf32, #tpu.memory_space<vmem>>
      %dma_start3A_566 = tpu.memref_squeeze %dma_start3A_565 : memref<1x56x128xf32, #tpu.memory_space<vmem>> -> memref<56x128xf32, #tpu.memory_space<vmem>>
      %dma_start3A_567 = arith.constant 0 : i32
      %dma_start3A_568 = tpu.memref_slice %arg9[%rem3A_322, %dma_start3A_561, %dma_start3A_567] : memref<3x2x56xi32, #tpu.memory_space<vmem>> -> memref<1x1x56xi32, #tpu.memory_space<vmem>>
      %dma_start3A_569 = tpu.memref_squeeze %dma_start3A_568 : memref<1x1x56xi32, #tpu.memory_space<vmem>> -> memref<56xi32, #tpu.memory_space<vmem>>
      %dma_start3A_570 = arith.constant 0 : i32
      %dma_start3A_571 = arith.constant 0 : i32
      %dma_start3A_572 = tpu.memref_slice %arg2[%dma_start3A_570, %dma_start3A_571] : memref<20224x128xf32, #tpu.memory_space<hbm>> -> memref<20224x128xf32, #tpu.memory_space<hbm>>
      tpu.enqueue_indirect_dma source(%dma_start3A_572 : memref<20224x128xf32, #tpu.memory_space<hbm>>) target(%dma_start3A_566 : memref<56x128xf32, #tpu.memory_space<vmem>>) offsets(%dma_start3A_569 : memref<56xi32, #tpu.memory_space<vmem>>) semaphore(%arg16 : memref<!tpu.dma_semaphore, #tpu.memory_space<semaphore_mem>>)
      %dma_start3A_573 = arith.constant 1 : i32
      %dma_start3A_574 = arith.constant 0 : i32
      %dma_start3A_575 = arith.constant 0 : i32
      %dma_start3A_576 = tpu.memref_slice %arg12[%dma_start3A_573, %dma_start3A_574, %dma_start3A_575] : memref<2x56x128xf32, #tpu.memory_space<vmem>> -> memref<1x56x128xf32, #tpu.memory_space<vmem>>
      %dma_start3A_577 = tpu.memref_squeeze %dma_start3A_576 : memref<1x56x128xf32, #tpu.memory_space<vmem>> -> memref<56x128xf32, #tpu.memory_space<vmem>>
      %dma_start3A_578 = arith.constant 0 : i32
      %dma_start3A_579 = arith.constant 0 : i32
      %dma_start3A_580 = tpu.memref_slice %arg3[%add3A, %min3A_548, %dma_start3A_578, %dma_start3A_579] : memref<32x180x56x128xf32, #tpu.memory_space<hbm>> -> memref<1x1x56x128xf32, #tpu.memory_space<hbm>>
      %dma_start3A_581 = tpu.memref_squeeze %dma_start3A_580 : memref<1x1x56x128xf32, #tpu.memory_space<hbm>> -> memref<56x128xf32, #tpu.memory_space<hbm>>
      %dma_start3A_582 = arith.constant 0 : i32
      %dma_start3A_583 = arith.constant 0 : i32
      %dma_start3A_584 = tpu.memref_slice %arg12[%dma_start3A_573, %dma_start3A_582, %dma_start3A_583] : memref<2x56x128xf32, #tpu.memory_space<vmem>> -> memref<1x56x128xf32, #tpu.memory_space<vmem>>
      %dma_start3A_585 = tpu.memref_squeeze %dma_start3A_584 : memref<1x56x128xf32, #tpu.memory_space<vmem>> -> memref<56x128xf32, #tpu.memory_space<vmem>>
      %dma_start3A_586 = arith.constant 0 : i32
      %dma_start3A_587 = arith.constant 0 : i32
      %dma_start3A_588 = tpu.memref_slice %arg3[%add3A, %min3A_548, %dma_start3A_586, %dma_start3A_587] : memref<32x180x56x128xf32, #tpu.memory_space<hbm>> -> memref<1x1x56x128xf32, #tpu.memory_space<hbm>>
      %dma_start3A_589 = tpu.memref_squeeze %dma_start3A_588 : memref<1x1x56x128xf32, #tpu.memory_space<hbm>> -> memref<56x128xf32, #tpu.memory_space<hbm>>
      tpu.enqueue_dma source(%dma_start3A_589 : memref<56x128xf32, #tpu.memory_space<hbm>>) target(%dma_start3A_585 : memref<56x128xf32, #tpu.memory_space<vmem>>) target_semaphore(%arg16 : memref<!tpu.dma_semaphore, #tpu.memory_space<semaphore_mem>>)
    }
    %scan3A_194 = arith.constant 90 : i32
    %dma_wait3A = arith.constant 0 : i32
    %dma_wait3A_195 = arith.constant 0 : i32
    %dma_wait3A_196 = arith.constant 0 : i32
    %dma_wait3A_197 = arith.constant 0 : i32
    %dma_wait3A_198 = arith.constant 0 : i32
    %dma_wait3A_199 = tpu.memref_slice %arg10[%dma_wait3A_196, %dma_wait3A_197, %dma_wait3A_198] : memref<2x56x128xf32, #tpu.memory_space<vmem>> -> memref<1x56x128xf32, #tpu.memory_space<vmem>>
    %dma_wait3A_200 = tpu.memref_squeeze %dma_wait3A_199 : memref<1x56x128xf32, #tpu.memory_space<vmem>> -> memref<56x128xf32, #tpu.memory_space<vmem>>
    %dma_wait3A_201 = arith.constant 0 : i32
    %dma_wait3A_202 = tpu.memref_slice %arg8[%dma_wait3A, %dma_wait3A_195, %dma_wait3A_201] : memref<3x2x56xi32, #tpu.memory_space<vmem>> -> memref<1x1x56xi32, #tpu.memory_space<vmem>>
    %dma_wait3A_203 = tpu.memref_squeeze %dma_wait3A_202 : memref<1x1x56xi32, #tpu.memory_space<vmem>> -> memref<56xi32, #tpu.memory_space<vmem>>
    %dma_wait3A_204 = arith.constant 0 : i32
    %dma_wait3A_205 = arith.constant 0 : i32
    %dma_wait3A_206 = tpu.memref_slice %arg2[%dma_wait3A_204, %dma_wait3A_205] : memref<20224x128xf32, #tpu.memory_space<hbm>> -> memref<20224x128xf32, #tpu.memory_space<hbm>>
    tpu.wait_indirect_dma semaphore(%arg15 : memref<!tpu.dma_semaphore, #tpu.memory_space<semaphore_mem>>) src(%dma_wait3A_206 : memref<20224x128xf32, #tpu.memory_space<hbm>>) dst(%dma_wait3A_200 : memref<56x128xf32, #tpu.memory_space<vmem>>)
    %dma_wait3A_207 = arith.constant 0 : i32
    %dma_wait3A_208 = arith.constant 0 : i32
    %dma_wait3A_209 = arith.constant 0 : i32
    %dma_wait3A_210 = arith.constant 0 : i32
    %dma_wait3A_211 = arith.constant 0 : i32
    %dma_wait3A_212 = tpu.memref_slice %arg11[%dma_wait3A_209, %dma_wait3A_210, %dma_wait3A_211] : memref<2x56x128xf32, #tpu.memory_space<vmem>> -> memref<1x56x128xf32, #tpu.memory_space<vmem>>
    %dma_wait3A_213 = tpu.memref_squeeze %dma_wait3A_212 : memref<1x56x128xf32, #tpu.memory_space<vmem>> -> memref<56x128xf32, #tpu.memory_space<vmem>>
    %dma_wait3A_214 = arith.constant 0 : i32
    %dma_wait3A_215 = tpu.memref_slice %arg9[%dma_wait3A_207, %dma_wait3A_208, %dma_wait3A_214] : memref<3x2x56xi32, #tpu.memory_space<vmem>> -> memref<1x1x56xi32, #tpu.memory_space<vmem>>
    %dma_wait3A_216 = tpu.memref_squeeze %dma_wait3A_215 : memref<1x1x56xi32, #tpu.memory_space<vmem>> -> memref<56xi32, #tpu.memory_space<vmem>>
    %dma_wait3A_217 = arith.constant 0 : i32
    %dma_wait3A_218 = arith.constant 0 : i32
    %dma_wait3A_219 = tpu.memref_slice %arg2[%dma_wait3A_217, %dma_wait3A_218] : memref<20224x128xf32, #tpu.memory_space<hbm>> -> memref<20224x128xf32, #tpu.memory_space<hbm>>
    tpu.wait_indirect_dma semaphore(%arg15 : memref<!tpu.dma_semaphore, #tpu.memory_space<semaphore_mem>>) src(%dma_wait3A_219 : memref<20224x128xf32, #tpu.memory_space<hbm>>) dst(%dma_wait3A_213 : memref<56x128xf32, #tpu.memory_space<vmem>>)
    %dma_wait3A_220 = arith.constant 0 : i32
    %dma_wait3A_221 = arith.constant 0 : i32
    %dma_wait3A_222 = arith.constant 0 : i32
    %dma_wait3A_223 = arith.constant 0 : i32
    %dma_wait3A_224 = tpu.memref_slice %arg12[%dma_wait3A_221, %dma_wait3A_222, %dma_wait3A_223] : memref<2x56x128xf32, #tpu.memory_space<vmem>> -> memref<1x56x128xf32, #tpu.memory_space<vmem>>
    %dma_wait3A_225 = tpu.memref_squeeze %dma_wait3A_224 : memref<1x56x128xf32, #tpu.memory_space<vmem>> -> memref<56x128xf32, #tpu.memory_space<vmem>>
    %dma_wait3A_226 = arith.constant 0 : i32
    %dma_wait3A_227 = arith.constant 0 : i32
    %dma_wait3A_228 = tpu.memref_slice %arg3[%add3A, %dma_wait3A_220, %dma_wait3A_226, %dma_wait3A_227] : memref<32x180x56x128xf32, #tpu.memory_space<hbm>> -> memref<1x1x56x128xf32, #tpu.memory_space<hbm>>
    %dma_wait3A_229 = tpu.memref_squeeze %dma_wait3A_228 : memref<1x1x56x128xf32, #tpu.memory_space<hbm>> -> memref<56x128xf32, #tpu.memory_space<hbm>>
    %dma_wait3A_230 = arith.constant 0 : i32
    %dma_wait3A_231 = arith.constant 0 : i32
    %dma_wait3A_232 = tpu.memref_slice %arg12[%dma_wait3A_221, %dma_wait3A_230, %dma_wait3A_231] : memref<2x56x128xf32, #tpu.memory_space<vmem>> -> memref<1x56x128xf32, #tpu.memory_space<vmem>>
    %dma_wait3A_233 = tpu.memref_squeeze %dma_wait3A_232 : memref<1x56x128xf32, #tpu.memory_space<vmem>> -> memref<56x128xf32, #tpu.memory_space<vmem>>
    %dma_wait3A_234 = arith.constant 0 : i32
    %dma_wait3A_235 = arith.constant 0 : i32
    %dma_wait3A_236 = tpu.memref_slice %arg3[%add3A, %dma_wait3A_220, %dma_wait3A_234, %dma_wait3A_235] : memref<32x180x56x128xf32, #tpu.memory_space<hbm>> -> memref<1x1x56x128xf32, #tpu.memory_space<hbm>>
    %dma_wait3A_237 = tpu.memref_squeeze %dma_wait3A_236 : memref<1x1x56x128xf32, #tpu.memory_space<hbm>> -> memref<56x128xf32, #tpu.memory_space<hbm>>
    tpu.wait_dma2 semaphore(%arg15 : memref<!tpu.dma_semaphore, #tpu.memory_space<semaphore_mem>>) src(%dma_wait3A_237 : memref<56x128xf32, #tpu.memory_space<hbm>>) dst(%dma_wait3A_233 : memref<56x128xf32, #tpu.memory_space<vmem>>)
    %dma_wait3A_238 = arith.constant 0 : i32
    %dma_wait3A_239 = arith.constant 1 : i32
    %dma_wait3A_240 = arith.constant 1 : i32
    %dma_wait3A_241 = arith.constant 0 : i32
    %dma_wait3A_242 = arith.constant 0 : i32
    %dma_wait3A_243 = tpu.memref_slice %arg10[%dma_wait3A_240, %dma_wait3A_241, %dma_wait3A_242] : memref<2x56x128xf32, #tpu.memory_space<vmem>> -> memref<1x56x128xf32, #tpu.memory_space<vmem>>
    %dma_wait3A_244 = tpu.memref_squeeze %dma_wait3A_243 : memref<1x56x128xf32, #tpu.memory_space<vmem>> -> memref<56x128xf32, #tpu.memory_space<vmem>>
    %dma_wait3A_245 = arith.constant 0 : i32
    %dma_wait3A_246 = tpu.memref_slice %arg8[%dma_wait3A_238, %dma_wait3A_239, %dma_wait3A_245] : memref<3x2x56xi32, #tpu.memory_space<vmem>> -> memref<1x1x56xi32, #tpu.memory_space<vmem>>
    %dma_wait3A_247 = tpu.memref_squeeze %dma_wait3A_246 : memref<1x1x56xi32, #tpu.memory_space<vmem>> -> memref<56xi32, #tpu.memory_space<vmem>>
    %dma_wait3A_248 = arith.constant 0 : i32
    %dma_wait3A_249 = arith.constant 0 : i32
    %dma_wait3A_250 = tpu.memref_slice %arg2[%dma_wait3A_248, %dma_wait3A_249] : memref<20224x128xf32, #tpu.memory_space<hbm>> -> memref<20224x128xf32, #tpu.memory_space<hbm>>
    tpu.wait_indirect_dma semaphore(%arg16 : memref<!tpu.dma_semaphore, #tpu.memory_space<semaphore_mem>>) src(%dma_wait3A_250 : memref<20224x128xf32, #tpu.memory_space<hbm>>) dst(%dma_wait3A_244 : memref<56x128xf32, #tpu.memory_space<vmem>>)
    %dma_wait3A_251 = arith.constant 0 : i32
    %dma_wait3A_252 = arith.constant 1 : i32
    %dma_wait3A_253 = arith.constant 1 : i32
    %dma_wait3A_254 = arith.constant 0 : i32
    %dma_wait3A_255 = arith.constant 0 : i32
    %dma_wait3A_256 = tpu.memref_slice %arg11[%dma_wait3A_253, %dma_wait3A_254, %dma_wait3A_255] : memref<2x56x128xf32, #tpu.memory_space<vmem>> -> memref<1x56x128xf32, #tpu.memory_space<vmem>>
    %dma_wait3A_257 = tpu.memref_squeeze %dma_wait3A_256 : memref<1x56x128xf32, #tpu.memory_space<vmem>> -> memref<56x128xf32, #tpu.memory_space<vmem>>
    %dma_wait3A_258 = arith.constant 0 : i32
    %dma_wait3A_259 = tpu.memref_slice %arg9[%dma_wait3A_251, %dma_wait3A_252, %dma_wait3A_258] : memref<3x2x56xi32, #tpu.memory_space<vmem>> -> memref<1x1x56xi32, #tpu.memory_space<vmem>>
    %dma_wait3A_260 = tpu.memref_squeeze %dma_wait3A_259 : memref<1x1x56xi32, #tpu.memory_space<vmem>> -> memref<56xi32, #tpu.memory_space<vmem>>
    %dma_wait3A_261 = arith.constant 0 : i32
    %dma_wait3A_262 = arith.constant 0 : i32
    %dma_wait3A_263 = tpu.memref_slice %arg2[%dma_wait3A_261, %dma_wait3A_262] : memref<20224x128xf32, #tpu.memory_space<hbm>> -> memref<20224x128xf32, #tpu.memory_space<hbm>>
    tpu.wait_indirect_dma semaphore(%arg16 : memref<!tpu.dma_semaphore, #tpu.memory_space<semaphore_mem>>) src(%dma_wait3A_263 : memref<20224x128xf32, #tpu.memory_space<hbm>>) dst(%dma_wait3A_257 : memref<56x128xf32, #tpu.memory_space<vmem>>)
    %dma_wait3A_264 = arith.constant 1 : i32
    %dma_wait3A_265 = arith.constant 1 : i32
    %dma_wait3A_266 = arith.constant 0 : i32
    %dma_wait3A_267 = arith.constant 0 : i32
    %dma_wait3A_268 = tpu.memref_slice %arg12[%dma_wait3A_265, %dma_wait3A_266, %dma_wait3A_267] : memref<2x56x128xf32, #tpu.memory_space<vmem>> -> memref<1x56x128xf32, #tpu.memory_space<vmem>>
    %dma_wait3A_269 = tpu.memref_squeeze %dma_wait3A_268 : memref<1x56x128xf32, #tpu.memory_space<vmem>> -> memref<56x128xf32, #tpu.memory_space<vmem>>
    %dma_wait3A_270 = arith.constant 0 : i32
    %dma_wait3A_271 = arith.constant 0 : i32
    %dma_wait3A_272 = tpu.memref_slice %arg3[%add3A, %dma_wait3A_264, %dma_wait3A_270, %dma_wait3A_271] : memref<32x180x56x128xf32, #tpu.memory_space<hbm>> -> memref<1x1x56x128xf32, #tpu.memory_space<hbm>>
    %dma_wait3A_273 = tpu.memref_squeeze %dma_wait3A_272 : memref<1x1x56x128xf32, #tpu.memory_space<hbm>> -> memref<56x128xf32, #tpu.memory_space<hbm>>
    %dma_wait3A_274 = arith.constant 0 : i32
    %dma_wait3A_275 = arith.constant 0 : i32
    %dma_wait3A_276 = tpu.memref_slice %arg12[%dma_wait3A_265, %dma_wait3A_274, %dma_wait3A_275] : memref<2x56x128xf32, #tpu.memory_space<vmem>> -> memref<1x56x128xf32, #tpu.memory_space<vmem>>
    %dma_wait3A_277 = tpu.memref_squeeze %dma_wait3A_276 : memref<1x56x128xf32, #tpu.memory_space<vmem>> -> memref<56x128xf32, #tpu.memory_space<vmem>>
    %dma_wait3A_278 = arith.constant 0 : i32
    %dma_wait3A_279 = arith.constant 0 : i32
    %dma_wait3A_280 = tpu.memref_slice %arg3[%add3A, %dma_wait3A_264, %dma_wait3A_278, %dma_wait3A_279] : memref<32x180x56x128xf32, #tpu.memory_space<hbm>> -> memref<1x1x56x128xf32, #tpu.memory_space<hbm>>
    %dma_wait3A_281 = tpu.memref_squeeze %dma_wait3A_280 : memref<1x1x56x128xf32, #tpu.memory_space<hbm>> -> memref<56x128xf32, #tpu.memory_space<hbm>>
    tpu.wait_dma2 semaphore(%arg16 : memref<!tpu.dma_semaphore, #tpu.memory_space<semaphore_mem>>) src(%dma_wait3A_281 : memref<56x128xf32, #tpu.memory_space<hbm>>) dst(%dma_wait3A_277 : memref<56x128xf32, #tpu.memory_space<vmem>>)
    %dma_wait3A_282 = arith.constant 0 : i32
    %dma_wait3A_283 = arith.constant 0 : i32
    %dma_wait3A_284 = arith.constant 0 : i32
    %dma_wait3A_285 = tpu.memref_slice %arg8[%dma_wait3A_282, %dma_wait3A_283, %dma_wait3A_284] : memref<3x2x56xi32, #tpu.memory_space<vmem>> -> memref<1x2x56xi32, #tpu.memory_space<vmem>>
    %dma_wait3A_286 = tpu.memref_squeeze %dma_wait3A_285 : memref<1x2x56xi32, #tpu.memory_space<vmem>> -> memref<2x56xi32, #tpu.memory_space<vmem>>
    %dma_wait3A_287 = arith.constant 0 : i32
    %dma_wait3A_288 = arith.constant 0 : i32
    %dma_wait3A_289 = tpu.memref_slice %arg4[%add3A, %dma_wait3A_287, %dma_wait3A_288] : memref<32x180x56xi32, #tpu.memory_space<hbm>> -> memref<1x2x56xi32, #tpu.memory_space<hbm>>
    %dma_wait3A_290 = tpu.memref_squeeze %dma_wait3A_289 : memref<1x2x56xi32, #tpu.memory_space<hbm>> -> memref<2x56xi32, #tpu.memory_space<hbm>>
    %dma_wait3A_291 = arith.constant 0 : i32
    %dma_wait3A_292 = arith.constant 0 : i32
    %dma_wait3A_293 = tpu.memref_slice %arg8[%dma_wait3A_282, %dma_wait3A_291, %dma_wait3A_292] : memref<3x2x56xi32, #tpu.memory_space<vmem>> -> memref<1x2x56xi32, #tpu.memory_space<vmem>>
    %dma_wait3A_294 = tpu.memref_squeeze %dma_wait3A_293 : memref<1x2x56xi32, #tpu.memory_space<vmem>> -> memref<2x56xi32, #tpu.memory_space<vmem>>
    %dma_wait3A_295 = arith.constant 0 : i32
    %dma_wait3A_296 = arith.constant 0 : i32
    %dma_wait3A_297 = tpu.memref_slice %arg4[%add3A, %dma_wait3A_295, %dma_wait3A_296] : memref<32x180x56xi32, #tpu.memory_space<hbm>> -> memref<1x2x56xi32, #tpu.memory_space<hbm>>
    %dma_wait3A_298 = tpu.memref_squeeze %dma_wait3A_297 : memref<1x2x56xi32, #tpu.memory_space<hbm>> -> memref<2x56xi32, #tpu.memory_space<hbm>>
    tpu.wait_dma2 semaphore(%arg17 : memref<!tpu.dma_semaphore, #tpu.memory_space<semaphore_mem>>) src(%dma_wait3A_298 : memref<2x56xi32, #tpu.memory_space<hbm>>) dst(%dma_wait3A_294 : memref<2x56xi32, #tpu.memory_space<vmem>>)
    %dma_wait3A_299 = arith.constant 0 : i32
    %dma_wait3A_300 = arith.constant 0 : i32
    %dma_wait3A_301 = arith.constant 0 : i32
    %dma_wait3A_302 = tpu.memref_slice %arg9[%dma_wait3A_299, %dma_wait3A_300, %dma_wait3A_301] : memref<3x2x56xi32, #tpu.memory_space<vmem>> -> memref<1x2x56xi32, #tpu.memory_space<vmem>>
    %dma_wait3A_303 = tpu.memref_squeeze %dma_wait3A_302 : memref<1x2x56xi32, #tpu.memory_space<vmem>> -> memref<2x56xi32, #tpu.memory_space<vmem>>
    %dma_wait3A_304 = arith.constant 0 : i32
    %dma_wait3A_305 = arith.constant 0 : i32
    %dma_wait3A_306 = tpu.memref_slice %arg5[%add3A, %dma_wait3A_304, %dma_wait3A_305] : memref<32x180x56xi32, #tpu.memory_space<hbm>> -> memref<1x2x56xi32, #tpu.memory_space<hbm>>
    %dma_wait3A_307 = tpu.memref_squeeze %dma_wait3A_306 : memref<1x2x56xi32, #tpu.memory_space<hbm>> -> memref<2x56xi32, #tpu.memory_space<hbm>>
    %dma_wait3A_308 = arith.constant 0 : i32
    %dma_wait3A_309 = arith.constant 0 : i32
    %dma_wait3A_310 = tpu.memref_slice %arg9[%dma_wait3A_299, %dma_wait3A_308, %dma_wait3A_309] : memref<3x2x56xi32, #tpu.memory_space<vmem>> -> memref<1x2x56xi32, #tpu.memory_space<vmem>>
    %dma_wait3A_311 = tpu.memref_squeeze %dma_wait3A_310 : memref<1x2x56xi32, #tpu.memory_space<vmem>> -> memref<2x56xi32, #tpu.memory_space<vmem>>
    %dma_wait3A_312 = arith.constant 0 : i32
    %dma_wait3A_313 = arith.constant 0 : i32
    %dma_wait3A_314 = tpu.memref_slice %arg5[%add3A, %dma_wait3A_312, %dma_wait3A_313] : memref<32x180x56xi32, #tpu.memory_space<hbm>> -> memref<1x2x56xi32, #tpu.memory_space<hbm>>
    %dma_wait3A_315 = tpu.memref_squeeze %dma_wait3A_314 : memref<1x2x56xi32, #tpu.memory_space<hbm>> -> memref<2x56xi32, #tpu.memory_space<hbm>>
    tpu.wait_dma2 semaphore(%arg17 : memref<!tpu.dma_semaphore, #tpu.memory_space<semaphore_mem>>) src(%dma_wait3A_315 : memref<2x56xi32, #tpu.memory_space<hbm>>) dst(%dma_wait3A_311 : memref<2x56xi32, #tpu.memory_space<vmem>>)
    %barrier3A_316 = arith.constant 0 : index
    tpu.barrier barrier_id(%barrier3A_316)
    "tpu.region"() ({
      %run_scoped3A_317 = tpu.sem_alloc : memref<!tpu.dma_semaphore, #tpu.memory_space<semaphore_mem>>
      %dma_start3A_318 = arith.constant 0 : i32
      %dma_start3A_319 = tpu.memref_slice %arg7[%arg0, %mul3A_7, %dma_start3A_318] : memref<2x10112x128xf32, #tpu.memory_space<hbm>> -> memref<1x632x128xf32, #tpu.memory_space<hbm>>
      %dma_start3A_320 = tpu.memref_squeeze %dma_start3A_319 : memref<1x632x128xf32, #tpu.memory_space<hbm>> -> memref<632x128xf32, #tpu.memory_space<hbm>>
      %dma_start3A_321 = arith.constant 0 : i32
      %dma_start3A_322 = tpu.memref_slice %arg14[%mul3A_7, %dma_start3A_321] : memref<10112x128xf32, #tpu.memory_space<vmem_shared>> -> memref<632x128xf32, #tpu.memory_space<vmem_shared>>
      tpu.enqueue_dma source(%dma_start3A_322 : memref<632x128xf32, #tpu.memory_space<vmem_shared>>) target(%dma_start3A_320 : memref<632x128xf32, #tpu.memory_space<hbm>>) target_semaphore(%run_scoped3A_317 : memref<!tpu.dma_semaphore, #tpu.memory_space<semaphore_mem>>)
      %dma_wait3A_323 = arith.constant 0 : i32
      %dma_wait3A_324 = tpu.memref_slice %arg7[%arg0, %mul3A_7, %dma_wait3A_323] : memref<2x10112x128xf32, #tpu.memory_space<hbm>> -> memref<1x632x128xf32, #tpu.memory_space<hbm>>
      %dma_wait3A_325 = tpu.memref_squeeze %dma_wait3A_324 : memref<1x632x128xf32, #tpu.memory_space<hbm>> -> memref<632x128xf32, #tpu.memory_space<hbm>>
      %dma_wait3A_326 = arith.constant 0 : i32
      %dma_wait3A_327 = tpu.memref_slice %arg14[%mul3A_7, %dma_wait3A_326] : memref<10112x128xf32, #tpu.memory_space<vmem_shared>> -> memref<632x128xf32, #tpu.memory_space<vmem_shared>>
      tpu.wait_dma2 semaphore(%run_scoped3A_317 : memref<!tpu.dma_semaphore, #tpu.memory_space<semaphore_mem>>) src(%dma_wait3A_327 : memref<632x128xf32, #tpu.memory_space<vmem_shared>>) dst(%dma_wait3A_325 : memref<632x128xf32, #tpu.memory_space<hbm>>)
      tpu.yield
    }) : () -> ()
    return
  }
}

module attributes {stable_mosaic.version = 14 : i64} {
  func.func @_pq_body(%arg0: i32, %arg1: memref<10112x128xf32, #tpu.memory_space<vmem>>, %arg2: memref<1x128x128xf32, #tpu.memory_space<vmem>>, %arg3: memref<1x10112x128xf32, #tpu.memory_space<vmem>>) attributes {dimension_semantics = [#tpu.dimension_semantics<arbitrary>], iteration_bounds = array<i64: 2>, scalar_prefetch = 0 : i64, scratch_operands = 0 : i64, tpu.core_type = #tpu.core_type<tc>, window_params = [{pipeline_mode = #tpu.pipeline_mode<synchronous>, transform_indices = @transform_0, window_bounds = array<i64: 10112, 128>}, {transform_indices = @transform_1, window_bounds = array<i64: 1, 128, 128>}, {transform_indices = @transform_2, window_bounds = array<i64: 1, 10112, 128>}]} {
    %get3A = arith.constant 0 : index
    %get3A_0 = arith.constant 0 : index
    %get3A_1 = vector.load %arg1[%get3A, %get3A_0] : memref<10112x128xf32, #tpu.memory_space<vmem>>, vector<10112x128xf32>
    %get3A_2 = arith.constant 0 : index
    %get3A_3 = arith.constant 0 : index
    %get3A_4 = arith.constant 0 : index
    %get3A_5 = vector.load %arg2[%get3A_2, %get3A_3, %get3A_4] : memref<1x128x128xf32, #tpu.memory_space<vmem>>, vector<1x128x128xf32>
    %get3A_6 = vector.shape_cast %get3A_5 : vector<1x128x128xf32> to vector<128x128xf32>
    %dot_general3A = arith.constant dense<0.000000e+00> : vector<10112x128xf32>
    %dot_general3A_7 = tpu.matmul %get3A_1, %get3A_6, %dot_general3A {dimension_numbers = #tpu.dot_dimension_numbers<[1], [0], [0], [1], [0, 0, 1, 1], [], []>, transpose_lhs_hint = false} : vector<10112x128xf32>, vector<128x128xf32>, vector<10112x128xf32> -> vector<10112x128xf32>
    %swap3A = arith.constant 0 : index
    %swap3A_8 = arith.constant 0 : index
    %swap3A_9 = arith.constant 0 : index
    %swap3A_10 = vector.load %arg3[%swap3A, %swap3A_8, %swap3A_9] : memref<1x10112x128xf32, #tpu.memory_space<vmem>>, vector<1x10112x128xf32>
    %swap3A_11 = vector.shape_cast %swap3A_10 : vector<1x10112x128xf32> to vector<10112x128xf32>
    %swap3A_12 = vector.shape_cast %dot_general3A_7 : vector<10112x128xf32> to vector<1x10112x128xf32>
    tpu.vector_store %arg3[%swap3A, %swap3A_8, %swap3A_9], %swap3A_12 {strides = array<i32>} : memref<1x10112x128xf32, #tpu.memory_space<vmem>>, vector<1x10112x128xf32>,
    return
  }
  func.func @transform_0(%arg0: i32) -> (i32, i32) {
    %c0_i32 = arith.constant 0 : i32
    %c0_i32_0 = arith.constant 0 : i32
    %c0_i32_1 = arith.constant 0 : i32
    return %c0_i32, %c0_i32_0 : i32, i32
  }
  func.func @transform_1(%arg0: i32) -> (i32, i32, i32) {
    %c0_i32 = arith.constant 0 : i32
    %c0_i32_0 = arith.constant 0 : i32
    %c0_i32_1 = arith.constant 0 : i32
    return %arg0, %c0_i32, %c0_i32_0 : i32, i32, i32
  }
  func.func @transform_2(%arg0: i32) -> (i32, i32, i32) {
    %c0_i32 = arith.constant 0 : i32
    %c0_i32_0 = arith.constant 0 : i32
    %c0_i32_1 = arith.constant 0 : i32
    return %arg0, %c0_i32, %c0_i32_0 : i32, i32, i32
  }
}

module attributes {stable_mosaic.version = 14 : i64} {
  func.func @_r_body(%arg0: i32, %arg1: memref<3584x16xf32, #tpu.memory_space<vmem>>, %arg2: memref<16x128xf32, #tpu.memory_space<vmem>>, %arg3: memref<1x128xf32, #tpu.memory_space<vmem>>, %arg4: memref<3584x128xf32, #tpu.memory_space<vmem>>) attributes {dimension_semantics = [#tpu.dimension_semantics<arbitrary>], iteration_bounds = array<i64: 90>, scalar_prefetch = 0 : i64, scratch_operands = 0 : i64, tpu.core_type = #tpu.core_type<tc>, window_params = [{transform_indices = @transform_0, window_bounds = array<i64: 3584, 16>}, {pipeline_mode = #tpu.pipeline_mode<synchronous>, transform_indices = @transform_1, window_bounds = array<i64: 16, 128>}, {pipeline_mode = #tpu.pipeline_mode<synchronous>, transform_indices = @transform_2, window_bounds = array<i64: 1, 128>}, {transform_indices = @transform_3, window_bounds = array<i64: 3584, 128>}]} {
    %get3A = arith.constant 0 : index
    %get3A_0 = arith.constant 0 : index
    %get3A_1 = vector.load %arg1[%get3A, %get3A_0] : memref<3584x16xf32, #tpu.memory_space<vmem>>, vector<3584x16xf32>
    %get3A_2 = arith.constant 0 : index
    %get3A_3 = arith.constant 0 : index
    %get3A_4 = vector.load %arg2[%get3A_2, %get3A_3] : memref<16x128xf32, #tpu.memory_space<vmem>>, vector<16x128xf32>
    %dot_general3A = arith.constant dense<0.000000e+00> : vector<3584x128xf32>
    %dot_general3A_5 = tpu.matmul %get3A_1, %get3A_4, %dot_general3A {dimension_numbers = #tpu.dot_dimension_numbers<[1], [0], [0], [1], [0, 0, 1, 1], [], []>, transpose_lhs_hint = false} : vector<3584x16xf32>, vector<16x128xf32>, vector<3584x128xf32> -> vector<3584x128xf32>
    %get3A_6 = arith.constant 0 : index
    %get3A_7 = arith.constant 0 : index
    %get3A_8 = vector.load %arg3[%get3A_6, %get3A_7] : memref<1x128xf32, #tpu.memory_space<vmem>>, vector<1x128xf32>
    %add3A = vector.broadcast %get3A_8 : vector<1x128xf32> to vector<3584x128xf32>
    %add3A_9 = arith.addf %dot_general3A_5, %add3A : vector<3584x128xf32>
    %swap3A = arith.constant 0 : index
    %swap3A_10 = arith.constant 0 : index
    %swap3A_11 = vector.load %arg4[%swap3A, %swap3A_10] : memref<3584x128xf32, #tpu.memory_space<vmem>>, vector<3584x128xf32>
    tpu.vector_store %arg4[%swap3A, %swap3A_10], %add3A_9 {strides = array<i32>} : memref<3584x128xf32, #tpu.memory_space<vmem>>, vector<3584x128xf32>,
    return
  }
  func.func @transform_0(%arg0: i32) -> (i32, i32) {
    %c0_i32 = arith.constant 0 : i32
    %c0_i32_0 = arith.constant 0 : i32
    return %arg0, %c0_i32 : i32, i32
  }
  func.func @transform_1(%arg0: i32) -> (i32, i32) {
    %c0_i32 = arith.constant 0 : i32
    %c0_i32_0 = arith.constant 0 : i32
    %c0_i32_1 = arith.constant 0 : i32
    return %c0_i32, %c0_i32_0 : i32, i32
  }
  func.func @transform_2(%arg0: i32) -> (i32, i32) {
    %c0_i32 = arith.constant 0 : i32
    %c0_i32_0 = arith.constant 0 : i32
    %c0_i32_1 = arith.constant 0 : i32
    return %c0_i32, %c0_i32_0 : i32, i32
  }
  func.func @transform_3(%arg0: i32) -> (i32, i32) {
    %c0_i32 = arith.constant 0 : i32
    %c0_i32_0 = arith.constant 0 : i32
    return %arg0, %c0_i32 : i32, i32
  }
}

module attributes {stable_mosaic.version = 14 : i64} {
  func.func @_post_body(%arg0: i32, %arg1: memref<2x2000x128xf32, #tpu.memory_space<vmem>>, %arg2: memref<2000x128xf32, #tpu.memory_space<vmem>>, %arg3: memref<128x128xf32, #tpu.memory_space<vmem>>, %arg4: memref<128x128xf32, #tpu.memory_space<vmem>>, %arg5: memref<128x128xf32, #tpu.memory_space<vmem>>, %arg6: memref<1x128xf32, #tpu.memory_space<vmem>>, %arg7: memref<128x128xf32, #tpu.memory_space<vmem>>, %arg8: memref<1x128xf32, #tpu.memory_space<vmem>>, %arg9: memref<1x128xf32, #tpu.memory_space<vmem>>, %arg10: memref<1x128xf32, #tpu.memory_space<vmem>>, %arg11: memref<2000x128xf32, #tpu.memory_space<vmem>>) attributes {dimension_semantics = [#tpu.dimension_semantics<arbitrary>], iteration_bounds = array<i64: 5>, scalar_prefetch = 0 : i64, scratch_operands = 0 : i64, tpu.core_type = #tpu.core_type<tc>, window_params = [{transform_indices = @transform_0, window_bounds = array<i64: 2, 2000, 128>}, {transform_indices = @transform_1, window_bounds = array<i64: 2000, 128>}, {pipeline_mode = #tpu.pipeline_mode<synchronous>, transform_indices = @transform_2, window_bounds = array<i64: 128, 128>}, {pipeline_mode = #tpu.pipeline_mode<synchronous>, transform_indices = @transform_3, window_bounds = array<i64: 128, 128>}, {pipeline_mode = #tpu.pipeline_mode<synchronous>, transform_indices = @transform_4, window_bounds = array<i64: 128, 128>}, {pipeline_mode = #tpu.pipeline_mode<synchronous>, transform_indices = @transform_5, window_bounds = array<i64: 1, 128>}, {pipeline_mode = #tpu.pipeline_mode<synchronous>, transform_indices = @transform_6, window_bounds = array<i64: 128, 128>}, {pipeline_mode = #tpu.pipeline_mode<synchronous>, transform_indices = @transform_7, window_bounds = array<i64: 1, 128>}, {pipeline_mode = #tpu.pipeline_mode<synchronous>, transform_indices = @transform_8, window_bounds = array<i64: 1, 128>}, {pipeline_mode = #tpu.pipeline_mode<synchronous>, transform_indices = @transform_9, window_bounds = array<i64: 1, 128>}, {transform_indices = @transform_10, window_bounds = array<i64: 2000, 128>}]} {
    %get3A = arith.constant 0 : index
    %get3A_0 = arith.constant 0 : index
    %get3A_1 = arith.constant 0 : index
    %get3A_2 = vector.load %arg1[%get3A, %get3A_0, %get3A_1] : memref<2x2000x128xf32, #tpu.memory_space<vmem>>, vector<1x2000x128xf32>
    %get3A_3 = vector.shape_cast %get3A_2 : vector<1x2000x128xf32> to vector<2000x128xf32>
    %get3A_4 = arith.constant 1 : index
    %get3A_5 = arith.constant 0 : index
    %get3A_6 = arith.constant 0 : index
    %get3A_7 = vector.load %arg1[%get3A_4, %get3A_5, %get3A_6] : memref<2x2000x128xf32, #tpu.memory_space<vmem>>, vector<1x2000x128xf32>
    %get3A_8 = vector.shape_cast %get3A_7 : vector<1x2000x128xf32> to vector<2000x128xf32>
    %add3A = arith.addf %get3A_3, %get3A_8 : vector<2000x128xf32>
    %get3A_9 = arith.constant 0 : index
    %get3A_10 = arith.constant 0 : index
    %get3A_11 = vector.load %arg3[%get3A_9, %get3A_10] : memref<128x128xf32, #tpu.memory_space<vmem>>, vector<128x128xf32>
    %dot_general3A = arith.constant dense<0.000000e+00> : vector<2000x128xf32>
    %dot_general3A_12 = tpu.matmul %add3A, %get3A_11, %dot_general3A {dimension_numbers = #tpu.dot_dimension_numbers<[1], [0], [0], [1], [0, 0, 1, 1], [], []>, transpose_lhs_hint = false} : vector<2000x128xf32>, vector<128x128xf32>, vector<2000x128xf32> -> vector<2000x128xf32>
    %get3A_13 = arith.constant 0 : index
    %get3A_14 = arith.constant 0 : index
    %get3A_15 = vector.load %arg2[%get3A_13, %get3A_14] : memref<2000x128xf32, #tpu.memory_space<vmem>>, vector<2000x128xf32>
    %get3A_16 = arith.constant 0 : index
    %get3A_17 = arith.constant 0 : index
    %get3A_18 = vector.load %arg4[%get3A_16, %get3A_17] : memref<128x128xf32, #tpu.memory_space<vmem>>, vector<128x128xf32>
    %dot_general3A_19 = arith.constant dense<0.000000e+00> : vector<2000x128xf32>
    %dot_general3A_20 = tpu.matmul %get3A_15, %get3A_18, %dot_general3A_19 {dimension_numbers = #tpu.dot_dimension_numbers<[1], [0], [0], [1], [0, 0, 1, 1], [], []>, transpose_lhs_hint = false} : vector<2000x128xf32>, vector<128x128xf32>, vector<2000x128xf32> -> vector<2000x128xf32>
    %get3A_21 = arith.constant 0 : index
    %get3A_22 = arith.constant 0 : index
    %get3A_23 = vector.load %arg5[%get3A_21, %get3A_22] : memref<128x128xf32, #tpu.memory_space<vmem>>, vector<128x128xf32>
    %dot_general3A_24 = arith.constant dense<0.000000e+00> : vector<2000x128xf32>
    %dot_general3A_25 = tpu.matmul %dot_general3A_12, %get3A_23, %dot_general3A_24 {dimension_numbers = #tpu.dot_dimension_numbers<[1], [0], [0], [1], [0, 0, 1, 1], [], []>, transpose_lhs_hint = false} : vector<2000x128xf32>, vector<128x128xf32>, vector<2000x128xf32> -> vector<2000x128xf32>
    %add3A_26 = arith.addf %dot_general3A_20, %dot_general3A_25 : vector<2000x128xf32>
    %get3A_27 = arith.constant 0 : index
    %get3A_28 = arith.constant 0 : index
    %get3A_29 = vector.load %arg6[%get3A_27, %get3A_28] : memref<1x128xf32, #tpu.memory_space<vmem>>, vector<1x128xf32>
    %add3A_30 = vector.broadcast %get3A_29 : vector<1x128xf32> to vector<2000x128xf32>
    %add3A_31 = arith.addf %add3A_26, %add3A_30 : vector<2000x128xf32>
    %logistic3A = arith.negf %add3A_31 : vector<2000x128xf32>
    %logistic3A_32 = math.exp %logistic3A : vector<2000x128xf32>
    %logistic3A_33 = arith.constant 1.000000e+00 : f32
    %logistic3A_34 = vector.broadcast %logistic3A_33 : f32 to vector<2000x128xf32>
    %logistic3A_35 = arith.addf %logistic3A_34, %logistic3A_32 : vector<2000x128xf32>
    %logistic3A_36 = arith.divf %logistic3A_34, %logistic3A_35 : vector<2000x128xf32>
    %mul3A = arith.mulf %add3A_31, %logistic3A_36 : vector<2000x128xf32>
    %get3A_37 = arith.constant 0 : index
    %get3A_38 = arith.constant 0 : index
    %get3A_39 = vector.load %arg7[%get3A_37, %get3A_38] : memref<128x128xf32, #tpu.memory_space<vmem>>, vector<128x128xf32>
    %dot_general3A_40 = arith.constant dense<0.000000e+00> : vector<2000x128xf32>
    %dot_general3A_41 = tpu.matmul %mul3A, %get3A_39, %dot_general3A_40 {dimension_numbers = #tpu.dot_dimension_numbers<[1], [0], [0], [1], [0, 0, 1, 1], [], []>, transpose_lhs_hint = false} : vector<2000x128xf32>, vector<128x128xf32>, vector<2000x128xf32> -> vector<2000x128xf32>
    %get3A_42 = arith.constant 0 : index
    %get3A_43 = arith.constant 0 : index
    %get3A_44 = vector.load %arg8[%get3A_42, %get3A_43] : memref<1x128xf32, #tpu.memory_space<vmem>>, vector<1x128xf32>
    %add3A_45 = vector.broadcast %get3A_44 : vector<1x128xf32> to vector<2000x128xf32>
    %add3A_46 = arith.addf %dot_general3A_41, %add3A_45 : vector<2000x128xf32>
    %add3A_47 = arith.addf %get3A_15, %add3A_46 : vector<2000x128xf32>
    %reduce_sum3A = arith.constant dense<0.000000e+00> : vector<2000xf32>
    %reduce_sum3A_48 = vector.multi_reduction <add>, %add3A_47, %reduce_sum3A [1] : vector<2000x128xf32> to vector<2000xf32>
    %broadcast_in_dim3A = vector.shape_cast %reduce_sum3A_48 : vector<2000xf32> to vector<2000x1xf32>
    %div3A = arith.constant 1.280000e+02 : f32
    %div3A_49 = vector.broadcast %div3A : f32 to vector<2000x1xf32>
    %div3A_50 = arith.divf %broadcast_in_dim3A, %div3A_49 : vector<2000x1xf32>
    %sub3A = vector.broadcast %div3A_50 : vector<2000x1xf32> to vector<2000x128xf32>
    %sub3A_51 = arith.subf %add3A_47, %sub3A : vector<2000x128xf32>
    %integer_pow3A = arith.mulf %sub3A_51, %sub3A_51 : vector<2000x128xf32>
    %reduce_sum3A_52 = arith.constant dense<0.000000e+00> : vector<2000xf32>
    %reduce_sum3A_53 = vector.multi_reduction <add>, %integer_pow3A, %reduce_sum3A_52 [1] : vector<2000x128xf32> to vector<2000xf32>
    %broadcast_in_dim3A_54 = vector.shape_cast %reduce_sum3A_53 : vector<2000xf32> to vector<2000x1xf32>
    %div3A_55 = arith.constant 1.280000e+02 : f32
    %div3A_56 = vector.broadcast %div3A_55 : f32 to vector<2000x1xf32>
    %div3A_57 = arith.divf %broadcast_in_dim3A_54, %div3A_56 : vector<2000x1xf32>
    %sub3A_58 = vector.broadcast %div3A_50 : vector<2000x1xf32> to vector<2000x128xf32>
    %sub3A_59 = arith.subf %add3A_47, %sub3A_58 : vector<2000x128xf32>
    %add3A_60 = arith.constant 9.99999974E-6 : f32
    %add3A_61 = vector.broadcast %add3A_60 : f32 to vector<2000x1xf32>
    %add3A_62 = arith.addf %div3A_57, %add3A_61 : vector<2000x1xf32>
    %rsqrt3A = math.rsqrt %add3A_62 : vector<2000x1xf32>
    %mul3A_63 = vector.broadcast %rsqrt3A : vector<2000x1xf32> to vector<2000x128xf32>
    %mul3A_64 = arith.mulf %sub3A_59, %mul3A_63 : vector<2000x128xf32>
    %get3A_65 = arith.constant 0 : index
    %get3A_66 = arith.constant 0 : index
    %get3A_67 = vector.load %arg9[%get3A_65, %get3A_66] : memref<1x128xf32, #tpu.memory_space<vmem>>, vector<1x128xf32>
    %mul3A_68 = vector.broadcast %get3A_67 : vector<1x128xf32> to vector<2000x128xf32>
    %mul3A_69 = arith.mulf %mul3A_64, %mul3A_68 : vector<2000x128xf32>
    %get3A_70 = arith.constant 0 : index
    %get3A_71 = arith.constant 0 : index
    %get3A_72 = vector.load %arg10[%get3A_70, %get3A_71] : memref<1x128xf32, #tpu.memory_space<vmem>>, vector<1x128xf32>
    %add3A_73 = vector.broadcast %get3A_72 : vector<1x128xf32> to vector<2000x128xf32>
    %add3A_74 = arith.addf %mul3A_69, %add3A_73 : vector<2000x128xf32>
    %swap3A = arith.constant 0 : index
    %swap3A_75 = arith.constant 0 : index
    %swap3A_76 = vector.load %arg11[%swap3A, %swap3A_75] : memref<2000x128xf32, #tpu.memory_space<vmem>>, vector<2000x128xf32>
    tpu.vector_store %arg11[%swap3A, %swap3A_75], %add3A_74 {strides = array<i32>} : memref<2000x128xf32, #tpu.memory_space<vmem>>, vector<2000x128xf32>,
    return
  }
  func.func @transform_0(%arg0: i32) -> (i32, i32, i32) {
    %c0_i32 = arith.constant 0 : i32
    %c0_i32_0 = arith.constant 0 : i32
    %c0_i32_1 = arith.constant 0 : i32
    return %c0_i32, %arg0, %c0_i32_0 : i32, i32, i32
  }
  func.func @transform_1(%arg0: i32) -> (i32, i32) {
    %c0_i32 = arith.constant 0 : i32
    %c0_i32_0 = arith.constant 0 : i32
    return %arg0, %c0_i32 : i32, i32
  }
  func.func @transform_2(%arg0: i32) -> (i32, i32) {
    %c0_i32 = arith.constant 0 : i32
    %c0_i32_0 = arith.constant 0 : i32
    %c0_i32_1 = arith.constant 0 : i32
    return %c0_i32, %c0_i32_0 : i32, i32
  }
  func.func @transform_3(%arg0: i32) -> (i32, i32) {
    %c0_i32 = arith.constant 0 : i32
    %c0_i32_0 = arith.constant 0 : i32
    %c0_i32_1 = arith.constant 0 : i32
    return %c0_i32, %c0_i32_0 : i32, i32
  }
  func.func @transform_4(%arg0: i32) -> (i32, i32) {
    %c0_i32 = arith.constant 0 : i32
    %c0_i32_0 = arith.constant 0 : i32
    %c0_i32_1 = arith.constant 0 : i32
    return %c0_i32, %c0_i32_0 : i32, i32
  }
  func.func @transform_5(%arg0: i32) -> (i32, i32) {
    %c0_i32 = arith.constant 0 : i32
    %c0_i32_0 = arith.constant 0 : i32
    %c0_i32_1 = arith.constant 0 : i32
    return %c0_i32, %c0_i32_0 : i32, i32
  }
  func.func @transform_6(%arg0: i32) -> (i32, i32) {
    %c0_i32 = arith.constant 0 : i32
    %c0_i32_0 = arith.constant 0 : i32
    %c0_i32_1 = arith.constant 0 : i32
    return %c0_i32, %c0_i32_0 : i32, i32
  }
  func.func @transform_7(%arg0: i32) -> (i32, i32) {
    %c0_i32 = arith.constant 0 : i32
    %c0_i32_0 = arith.constant 0 : i32
    %c0_i32_1 = arith.constant 0 : i32
    return %c0_i32, %c0_i32_0 : i32, i32
  }
  func.func @transform_8(%arg0: i32) -> (i32, i32) {
    %c0_i32 = arith.constant 0 : i32
    %c0_i32_0 = arith.constant 0 : i32
    %c0_i32_1 = arith.constant 0 : i32
    return %c0_i32, %c0_i32_0 : i32, i32
  }
  func.func @transform_9(%arg0: i32) -> (i32, i32) {
    %c0_i32 = arith.constant 0 : i32
    %c0_i32_0 = arith.constant 0 : i32
    %c0_i32_1 = arith.constant 0 : i32
    return %c0_i32, %c0_i32_0 : i32, i32
  }
  func.func @transform_10(%arg0: i32) -> (i32, i32) {
    %c0_i32 = arith.constant 0 : i32
    %c0_i32_0 = arith.constant 0 : i32
    return %arg0, %c0_i32 : i32, i32
  }
}

</mosaic_0001>

<sc_bundles>
// kernel: kernel.6.cloned.1.call-start
scs
__scs_entry_jumppad:
0x0: {  	(pc) =	sbr.rel $0x88, $3  }
0x1: {  	(tag) =	ssettag $0x0;
	lr =	simm.s32 $0x1  }
0x2: {  	[smem:$0x3F94] =	sst lr;
	_ =	strace $0xD0000000  }
0x3: {  	_ = 	snop  }
0x4: {  	_ = 	snop  }
0x5: {  	_ = 	snop  }
0x6: {  	_ = 	snop  }
0x7: {  	_ = 	snop  }
__scs_overlays_trampoline_lowered:
0x8: {  	[smem:$0x3FA3] =	sst s0  }
0x9: {  	[smem:$0x3FA4] =	sst s1  }
0xa: {  	[smem:$0x3FA5] =	sst s2  }
0xb: {  	[smem:$0x3FA6] =	sst s3  }
0xc: {  	[smem:$0x3FA7] =	sst s4  }
0xd: {  	[smem:$0x3FA8] =	sst s5  }
0xe: {  	[smem:$0x3FA9] =	sst s6  }
0xf: {  	[smem:$0x3FAA] =	sst s7  }
0x10: {  	[smem:$0x3FAB] =	sst s8  }
0x11: {  	[smem:$0x3FAC] =	sst s9;
	s0 =	simm.s32 @!p0 $0x0  }
0x12: {  	s1 =	sld [smem:$0x3F92];
	s0 =	simm.s32 @p0 $0x1  }
0x13: {  	[smem:$0x3FAD] =	sst s0;
	s0 =	simm.s32 @!p1 $0x0  }
0x14: {  	s2 =	sld [smem:$0x3F91];
	s0 =	simm.s32 @p1 $0x1  }
0x15: {  	[smem:$0x3FAE] =	sst s0;
	s0 =	simm.s32 @!p2 $0x0  }
0x16: {  	s3 =	sld [smem:$0x3FDB];
	s0 =	simm.s32 @p2 $0x1  }
0x17: {  	s4 =	simm.s32 $0x1BF5;
	[smem:$0x3FB0] =	sst s0  }
0x18: {  	s0 =	sld [smem:$0x3F93];
	_ =	swait.ge [sflag:s4], $0x0  }
0x19: {  	s7 =	sld [smem:$0x3F94]  }
0x1a: {  	s8 =	sadd.s32 $0xFFFFE003, lr  }
0x1b: {  	s9 =	sadd.s32 $0xFFFFFEF7, lr;
	s5 =	simm.s32 $0xFFFFFFFF;
	p2 =	slt.u32 s8, $0xFFFFF086  }
0x1c: {  	p1 =	slt.u32 s9, $0xF7A;
	s5 =	simm.s32 @!p2 $0x0  }
0x1d: {  	s5 =	simm.s32 @p1 $0x1;
	p0 =	seq.s32 s7, s2  }
0x1e: {  	s7 =	smul.u32 @!p0 $0xF7A, s2;
	p2 =	seq.s32 @!p0 s5, $0x0  }
0x1f: {  	s9 =	smul.u32 $0xF7A, s1;
	s8 =	simm.s32 @!p0 $0x1BF5;
	p2 =	por !p2, p0  }
0x20: {  	[sflag:s8] =	ssyncset.s32 @!p0 $0xFFFFF086;
	s6 =	sadd.s32 @!p0 s3, s7;
	s7 =	simm.s32 @!p0 $0x108  }
0x21: {  	s3 =	sadd.s32 s3, s9;
	s6 =	sadd.s32 @!p0 $0x88, s6;
	s7 =	simm.s32 @p2 $0x1082  }
0x22: {  	[simem:s7], [sflag:s8] =	dma.local @!p0 [hbm:s6], $0xF7A  }
0x23: {  	s9 =	sor.u32 $0xD0000000, s2;
	s6 =	simm.s32 $0x108;
	_ =	swait.ge @!p0 [sflag:s8], $0x0  }
0x24: {  	s3 =	sadd.s32 $0x88, s3;
	s6 =	simm.s32 @!p1 $0x1082;
	[sflag:s4] =	ssyncset.s32 $0xFFFFF086  }
0x25: {  	[simem:s6], [sflag:s4] =	dma.local [hbm:s3], $0xF7A  }
0x26: {  	[smem:$0x3F94] =	sst s1;
	(tag) =	ssettag s2;
	_ =	strace s9  }
0x27: {  	s1 =	sld [smem:$0x3FA4]  }
0x28: {  	s2 =	sld [smem:$0x3FA5]  }
0x29: {  	s4 =	sld [smem:$0x3FA7]  }
0x2a: {  	p0 =	seq.s32 s5, $0x0;
	s5 =	sld [smem:$0x3FA8]  }
0x2b: {  	s6 =	sld [smem:$0x3FA9]  }
0x2c: {  	s7 =	sld [smem:$0x3FAA]  }
0x2d: {  	s3 =	simm.s32 $0x108;
	s8 =	sld [smem:$0x3FAB]  }
0x2e: {  	s3 =	simm.s32 @!p0 $0x1082;
	s9 =	sld [smem:$0x3FAC]  }
0x2f: {  	lr =	sadd.s32 s0, s3;
	s0 =	sld [smem:$0x3FA3]  }
0x30: {  	s3 =	sld [smem:$0x3FA6]  }
0x31: {  	[smem:$0x3FAF] =	sst s10  }
0x32: {  	s10 =	sld [smem:$0x3FAD];
	_ =	sdelay $0x3  }
0x33: {  	p0 =	seq.s32 s10, $0x1;
	s10 =	sld [smem:$0x3FAF];
	_ =	sdelay $0x3  }
0x34: {  	[smem:$0x3FAF] =	sst s10  }
0x35: {  	s10 =	sld [smem:$0x3FAE];
	_ =	sdelay $0x3  }
0x36: {  	p1 =	seq.s32 s10, $0x1;
	s10 =	sld [smem:$0x3FAF];
	_ =	sdelay $0x3  }
0x37: {  	[smem:$0x3FAF] =	sst s10  }
0x38: {  	s10 =	sld [smem:$0x3FB0]  }
0x39: {  	_ = 	snop;
	(pc) =	sbr.ind lr, $3  }
0x3a: {  	_ = 	snop  }
0x3b: {  	_ = 	snop  }
0x3c: {  	p2 =	seq.s32 s10, $0x1;
	s10 =	sld [smem:$0x3FAF]  }
0x3d: {  	_ =	shalt  }
0x3e: {  	_ =	shalt  }
0x3f: {  	_ =	shalt  }
0x40: {  	_ =	shalt  }
0x41: {  	_ =	shalt  }
0x42: {  	_ =	shalt  }
0x43: {  	_ =	shalt  }
0x44: {  	_ =	shalt  }
0x45: {  	_ =	shalt  }
0x46: {  	_ =	shalt  }
0x47: {  	_ =	shalt  }
0x48: {  	_ =	shalt  }
0x49: {  	_ =	shalt  }
0x4a: {  	_ =	shalt  }
0x4b: {  	_ =	shalt  }
0x4c: {  	_ =	shalt  }
0x4d: {  	_ =	shalt  }
0x4e: {  	_ =	shalt  }
0x4f: {  	_ =	shalt  }
0x50: {  	_ =	shalt  }
0x51: {  	_ =	shalt  }
0x52: {  	_ =	shalt  }
0x53: {  	_ =	shalt  }
0x54: {  	_ =	shalt  }
0x55: {  	_ =	shalt  }
0x56: {  	_ =	shalt  }
0x57: {  	_ =	shalt  }
0x58: {  	_ =	shalt  }
0x59: {  	_ =	shalt  }
0x5a: {  	_ =	shalt  }
0x5b: {  	_ =	shalt  }
0x5c: {  	_ =	shalt  }
0x5d: {  	_ =	shalt  }
0x5e: {  	_ =	shalt  }
0x5f: {  	_ =	shalt  }
0x60: {  	_ =	shalt  }
0x61: {  	_ =	shalt  }
0x62: {  	_ =	shalt  }
0x63: {  	_ =	shalt  }
0x64: {  	_ =	shalt  }
0x65: {  	_ =	shalt  }
0x66: {  	_ =	shalt  }
0x67: {  	_ =	shalt  }
0x68: {  	_ =	shalt  }
0x69: {  	_ =	shalt  }
0x6a: {  	_ =	shalt  }
0x6b: {  	_ =	shalt  }
0x6c: {  	_ =	shalt  }
0x6d: {  	_ =	shalt  }
0x6e: {  	_ =	shalt  }
0x6f: {  	_ =	shalt  }
0x70: {  	_ =	shalt  }
0x71: {  	_ =	shalt  }
0x72: {  	_ =	shalt  }
0x73: {  	_ =	shalt  }
0x74: {  	_ =	shalt  }
0x75: {  	_ =	shalt  }
0x76: {  	_ =	shalt  }
0x77: {  	_ =	shalt  }
0x78: {  	_ =	shalt  }
0x79: {  	_ =	shalt  }
0x7a: {  	_ =	shalt  }
0x7b: {  	_ =	shalt  }
0x7c: {  	_ =	shalt  }
0x7d: {  	_ =	shalt  }
0x7e: {  	_ =	shalt  }
0x7f: {  	_ =	shalt  }
0x80: {  	_ =	shalt  }
0x81: {  	_ =	shalt  }
0x82: {  	_ =	shalt  }
0x83: {  	_ =	shalt  }
0x84: {  	_ =	shalt  }
0x85: {  	_ =	shalt  }
0x86: {  	_ =	shalt  }
0x87: {  	_ =	shalt  }
.Lfunc_end0:
.L_simem_size_0:
called_computation_lowered:
.L_overlay_start_0:
0x88: {  	s2 =	sld [smem:$0x3FD9]  }
0x89: {  	s3 =	sld [smem:$0x3FFE];
	_ =	sdelay $0x1  }
0x8a: {  	s1 =	srdreg.scid  }
0x8b: {  	s0 =	sand.u32 $0x1, s1  }
0x8c: {  	s17 =	sshll.u32 s0, $0xA;
	s2 =	sadd.s32 s3, s2  }
0x8d: {  	s2 =	sadd.s32 s2, s17  }
0x8e: {  	[smem:$0x3FBB] =	sst s2  }
0x8f: {  	_ = 	snop  }
0x90: {  	s2 =	sld [smem:$0x3FD0];
	(tm) =	ssettm $0x1  }
0x91: {  	s18 =	sld [smem:$0x3FFB];
	_ =	sdelay $0x3  }
0x92: {  	_ =	strace s18  }
0x93: {  	s3 =	sld [smem:$0x3FFC];
	_ =	sdelay $0x3  }
0x94: {  	_ =	strace s3  }
0x95: {  	s3 =	sld [smem:$0x3FFD];
	_ =	sdelay $0x3  }
0x96: {  	_ =	strace s3  }
0x97: {  	_ =	strace $0x8FFFFFFF  }
0x98: {  	s19 =	sld [smem:$0x3FDB];
	_ =	sdelay $0x1  }
0x99: {  	s4 =	simm.s32 $_scs_section_size  }
0x9a: {  	s5 =	simm.s32 $_size__tile_overlayer_lowered;
	s6 =	simm.s32 $_tile_overlayer_lowered  }
0x9b: {  	s22 =	simm.s32 $0x1BFF;
	s21 =	sshll.u32 s6, $0x1;
	s3 =	sadd.s32 s4, s19  }
0x9c: {  	s7 =	simm.s32 $0x0;
	s20 =	sshll.u32 s5, $0x1;
	s5 =	sadd.s32 s21, s3  }
0x9d: {  	[timem:s7], [sflag:s22] =	dma.local [hbm:s5], s20  }
0x9e: {  	_ =	swait.ge [sflag:s22], s20  }
0x9f: {  	s4 =	ssub.s32 $0x0, s20;
	[sflag:s22] =	ssyncset.done $0x0  }
0xa0: {  	[sflag:s22] =	ssyncadd.s32 s4;
	_ =	sdelay $0x1  }
0xa1: {  	s23 =	simm.s32 $0x1B8B  }
0xa2: {  	_ =	swait.ge [sflag:s23], $0x1  }
0xa3: {  	[sflag:s23] =	ssyncset.done $0x0  }
0xa4: {  	s25 =	simm.s32 $0x1B8E;
	s24 =	sld [smem:$0x3FFE];
	[sflag:s23] =	ssyncadd.s32 $0xFFFFFFFF  }
0xa5: {  	s26 =	simm.s32 $execute0_lowered;
	[smem:$0x3FD2] =	sst s25  }
0xa6: {  	s5 =	sshll.u32 s26, $0x1;
	_ =	strace $0x80000046;
	[dreg:$0x1] =	wrdreg $0xFFFFFFFF  }
0xa7: {  	s28 =	simm.s32 $_size_execute0_lowered;
	s3 =	sadd.s32 s3, s5;
	[dreg:$0x0] =	wrdreg $0x0  }
0xa8: {  	s5 =	sshll.u32 s28, $0x1;
	[dreg:$0x2] =	wrdreg s3  }
0xa9: {  	[dreg:$0x3] =	wrdreg s5  }
0xaa: {  	[dreg:$0x4] =	wrdreg $0xC0  }
0xab: {  	_ =	task [dreg:s7], $0x5FFFF  }
0xac: {  	[dreg:$0x1] =	wrdreg $0xFFFFFFFF  }
0xad: {  	[dreg:$0x0] =	wrdreg $0x60  }
0xae: {  	[dreg:$0x2] =	wrdreg s24  }
0xaf: {  	[dreg:$0x3] =	wrdreg s2  }
0xb0: {  	[dreg:$0x4] =	wrdreg $0xAE800  }
0xb1: {  	[dreg:$0x5] =	wrdreg $0x9  }
0xb2: {  	_ =	task.clear_ibuf [dreg:s7], $0x6FFFF;
	_ =	strace $0x90000046  }
0xb3: {  	s29 =	simm.s32 $0x9;
	_ =	strace $0x80000048  }
0xb4: {  	_ =	swait.ge [sflag:s29], $0x1  }
0xb5: {  	[sflag:s29] =	ssyncadd.s32 $0xFFFFFFFF  }
0xb6: {  	_ =	strace $0x90000048  }
0xb7: {  	_ =	sfence  }
0xb8: {  	s30 =	sld [smem:$0x0];
	_ =	sdelay $0x2  }
0xb9: {  	s31 =	sshll.u32 s1, $0xD;
	s1 =	sshrl.u32 s1, $0x2  }
0xba: {  	s3 =	sand.u32 $0x4000, s31;
	s1 =	sadd.s32 s1, s30  }
0xbb: {  	s0 =	sor.u32 s3, s0;
	s1 =	sshll.u32 s1, $0x11  }
0xbc: {  	s0 =	sor.u32 s1, s0  }
0xbd: {  	s0 =	sadd.s32 $0x8F2B, s0  }
0xbe: {  	[sflag:s0] =	ssyncadd.remote.s32 $0x1  }
0xbf: {  	_ =	sfence.sel $0xFFFF  }
0xc0: {  	[dreg:$0x0] =	wrdreg $0xFFFFFFFF;
	(pc) =	sbr.abs _section_cstart, $3  }
0xc1: {  	[dreg:$0x1] =	wrdreg $0xFFFFFFFF  }
0xc2: {  	_ =	task.clear_ibuf [dreg:s7], $0x2FFFF;
	_ =	strace $0x9FFFFFFF  }
0xc3: {  	(tm) =	ssettm $0x7FFFFFFF  }
tec
execute0_lowered:
.L_overlay_start_1:
0x0: {  	(tag) =	ssettag $0x1  }
0x1: {  	s0 =	rddreg [dreg:$0x0]  }
0x2: {  	s2 =	rddreg [dreg:$0x1];
	s1 =	srdreg.scid  }
0x3: {  	s3 =	rddreg [dreg:$0x2];
	s10 =	stileid.u32  }
0x4: {  	s4 =	simm.s32 $0x0;
	s1 =	sand.u32 $0x1, s1;
	s7 =	smul.u32 $0x13C00, s10  }
0x5: {  	[smem:$0x7FF] =	sst s4;
	s5 =	sadd.s32 $0x1B400, s0;
	s9 =	smul.u32 $0x4F000, s10  }
0x6: {  	s11 =	sadd.s32 $0x4200, s0;
	s10 =	sshll.u32 s10, $0x1;
	s6 =	smul.u32 $0x13C000, s1  }
0x7: {  	_ =	strace $0x80000047;
	s12 =	ssub.s32 $0x2, s1;
	s1 =	sor.u32 s1, s10  }
0x8: {  	[dreg:$0x4] =	wrdreg s11;
	s9 =	sshrl.u32 s9, $0x2;
	s11 =	smul.u32 $0x5C00, s1  }
0x9: {  	s13 =	sshrl.u32 s12, $0x1;
	s1 =	smul.u32 $0x13B000, s1;
	s9 =	sadd.s32 s9, s3  }
0xa: {  	s7 =	sadd.s32 s7, s6;
	s6 =	sadd.s32 $0x9D2400, s0;
	s14 =	sadd.s32 $0x1C00, s9  }
0xb: {  	s8 =	sshrl.u32 s7, $0x3;
	s15 =	sadd.s32 $0x3800, s9;
	[dreg:$0x5] =	wrdreg s14  }
0xc: {  	s7 =	sadd.s32 $0x4400, s0;
	s16 =	sadd.s32 $0x5400, s9;
	[dreg:$0x6] =	wrdreg s15  }
0xd: {  	s17 =	sadd.s32 $0x7000, s9;
	s18 =	sadd.s32 $0x8C00, s9;
	[dreg:$0x7] =	wrdreg s16  }
0xe: {  	s19 =	sshrl.u32 s11, $0x3;
	s23 =	sshrl.u32 s1, $0x3;
	[dreg:$0x8] =	wrdreg s17  }
0xf: {  	s25 =	sadd.s32 $0xC400, s9;
	s26 =	sadd.s32 $0xE000, s9;
	[dreg:$0x9] =	wrdreg s18  }
0x10: {  	s28 =	sadd.s32 $0xFC00, s9;
	s29 =	sadd.s32 $0x11800, s9;
	[dreg:$0x11] =	wrdreg s25  }
0x11: {  	s30 =	sadd.s32 $0x13400, s9;
	s0 =	sadd.s32 s8, s0;
	[dreg:$0x12] =	wrdreg s26  }
0x12: {  	s8 =	ssub.s32 s12, s13;
	s12 =	sadd.s32 $0xA800, s9;
	[dreg:$0x13] =	wrdreg s28  }
0x13: {  	s20 =	sadd.s32 s2, s19;
	s21 =	sor.u32 $0x20, s19;
	[dreg:$0x14] =	wrdreg s29  }
0x14: {  	s10 =	sadd.s32 s7, s19;
	[dreg:$0x15] =	wrdreg s30;
	s13 =	simm.s32 $0x600  }
0x15: {  	s14 =	simm.s32 $0x3E00;
	s15 =	simm.s32 $0x2200;
	[dreg:$0xa] =	wrdreg s12  }
0x16: {  	s16 =	simm.s32 $0x5A00;
	s17 =	simm.s32 $0x9200;
	[dreg:$0xb] =	wrdreg s20  }
0x17: {  	s18 =	simm.s32 $0x1;
	s19 =	simm.s32 $0x3;
	[dreg:$0xc] =	wrdreg s10  }
0x18: {  	s22 =	sadd.s32 s2, s21;
	s12 =	sadd.s32 s7, s21;
	s21 =	sadd.s32 s6, s23  }
0x19: {  	s23 =	sadd.s32 $0x5400, s1;
	s0 =	sadd.s32 $0x6A400, s0;
	[dreg:$0xd] =	wrdreg s22  }
0x1a: {  	s24 =	smax.u32 s8, $0x1;
	s8 =	simm.s32 $0x7600;
	[dreg:$0xe] =	wrdreg s12  }
0x1b: {  	s10 =	simm.s32 $0x2;
	s20 =	simm.s32 $0x0;
	[dreg:$0xf] =	wrdreg s0  }
0x1c: {  	s22 =	sadd.s32 $0x3800, s1;
	[dreg:$0x10] =	wrdreg s24;
	s31 =	sadd.s32 $0x380, s21  }
0x1d: {  	v0 =	vimm.f32 $0.0e+00;
	s1 =	simm.s32 $0x4;
	s12 =	simm.s32 $0x38;
	[dreg:$0x16] =	wrdreg s31  }
.LBB2_1:
0x1e: {  	s0 =	rddreg [dreg:$0x4];
	s24 =	simm.s32 $0xAE00  }
0x1f: {  	[tilespmem:s24], [sflag:$0x4] =	stream.linear.gather [hbm4b:s0+s4], $0x80, $0x38;
	[tilespmem:$0x1EA80] =	vst v63  }
0x20: {  	_ =	swait.ge [sflag:s1], $0x80  }
0x21: {  	[sflag:s1] =	ssyncset.done $0x0  }
0x22: {  	s0 =	simm.s32 $0x0;
	s24 =	simm.s32 $0x200;
	[sflag:s1] =	ssyncadd.s32 $0xFFFFFF80  }
.LBB2_2:
0x23: {  	p0 =	sne.s32 s24, $0x6E00;
	[tilespmem:s0+$0x7670] =	vst v0  }
0x24: {  	[tilespmem:s0+$0x7600] =	vst v0  }
0x25: {  	[tilespmem:s0+$0x7610] =	vst v0  }
.Ltmp0:
0x26: {  	[tilespmem:s0+$0x7620] =	vst v0;
	(pc) =	sbr.rel @p0 .LBB2_2-.Ltmp0, $4  }
0x27: {  	[tilespmem:s0+$0x7630] =	vst v0  }
0x28: {  	[tilespmem:s0+$0x7640] =	vst v0  }
0x29: {  	[tilespmem:s0+$0x7650] =	vst v0  }
0x2a: {  	[tilespmem:s0+$0x7660] =	vst v0;
	s0 =	sshra.s32 s24, $0x2;
	s24 =	sadd.s32 $0x200, s24  }
0x2b: {  	[tilespmem:s0+$0x7670] =	vst v0  }
0x2c: {  	[tilespmem:s0+$0x7600] =	vst v0  }
0x2d: {  	[tilespmem:s0+$0x7610] =	vst v0  }
0x2e: {  	[tilespmem:s0+$0x7620] =	vst v0  }
0x2f: {  	[tilespmem:s0+$0x7630] =	vst v0  }
0x30: {  	[tilespmem:s0+$0x7640] =	vst v0  }
0x31: {  	[tilespmem:s0+$0x7650] =	vst v0  }
0x32: {  	[tilespmem:s0+$0x7660] =	vst v0  }
0x33: {  	[spmem:s9] =	stream.linear.scatter [tilespmem:s8], [sflag:$0x4], $0x1C00, $0x38;
	[tilespmem:$0x1EA80] =	vst v63  }
0x34: {  	_ =	swait.ge [sflag:s1], $0x1C00  }
0x35: {  	[sflag:s1] =	ssyncset.done $0x0  }
0x36: {  	s24 =	rddreg [dreg:$0x5];
	[sflag:s1] =	ssyncadd.s32 $0xFFFFE400  }
0x37: {  	[spmem:s24] =	stream.linear.scatter [tilespmem:s8], [sflag:$0x4], $0x1C00, $0x38;
	[tilespmem:$0x1EA80] =	vst v63  }
0x38: {  	_ =	swait.ge [sflag:s1], $0x1C00  }
0x39: {  	[sflag:s1] =	ssyncset.done $0x0  }
0x3a: {  	s25 =	rddreg [dreg:$0x6];
	[sflag:s1] =	ssyncadd.s32 $0xFFFFE400  }
0x3b: {  	[spmem:s25] =	stream.linear.scatter [tilespmem:s8], [sflag:$0x4], $0x1C00, $0x38;
	[tilespmem:$0x1EA80] =	vst v63  }
0x3c: {  	_ =	swait.ge [sflag:s1], $0x1C00  }
0x3d: {  	[sflag:s1] =	ssyncset.done $0x0  }
0x3e: {  	s26 =	rddreg [dreg:$0x7];
	[sflag:s1] =	ssyncadd.s32 $0xFFFFE400  }
0x3f: {  	[spmem:s26] =	stream.linear.scatter [tilespmem:s8], [sflag:$0x4], $0x1C00, $0x38;
	[tilespmem:$0x1EA80] =	vst v63  }
0x40: {  	_ =	swait.ge [sflag:s1], $0x1C00  }
0x41: {  	[sflag:s1] =	ssyncset.done $0x0  }
0x42: {  	s28 =	rddreg [dreg:$0x8];
	[sflag:s1] =	ssyncadd.s32 $0xFFFFE400  }
0x43: {  	[spmem:s28] =	stream.linear.scatter [tilespmem:s8], [sflag:$0x4], $0x1C00, $0x38;
	[tilespmem:$0x1EA80] =	vst v63  }
0x44: {  	_ =	swait.ge [sflag:s1], $0x1C00  }
0x45: {  	[sflag:s1] =	ssyncset.done $0x0  }
0x46: {  	s29 =	rddreg [dreg:$0x9];
	[sflag:s1] =	ssyncadd.s32 $0xFFFFE400  }
0x47: {  	[spmem:s29] =	stream.linear.scatter [tilespmem:s8], [sflag:$0x4], $0x1C00, $0x38;
	[tilespmem:$0x1EA80] =	vst v63  }
0x48: {  	_ =	swait.ge [sflag:s1], $0x1C00  }
0x49: {  	[sflag:s1] =	ssyncset.done $0x0  }
0x4a: {  	s30 =	rddreg [dreg:$0xa];
	[sflag:s1] =	ssyncadd.s32 $0xFFFFE400  }
0x4b: {  	[spmem:s30] =	stream.linear.scatter [tilespmem:s8], [sflag:$0x4], $0x1C00, $0x38;
	[tilespmem:$0x1EA80] =	vst v63  }
0x4c: {  	_ =	swait.ge [sflag:s1], $0x1C00  }
0x4d: {  	[sflag:s1] =	ssyncset.done $0x0  }
0x4e: {  	s31 =	rddreg [dreg:$0x11];
	[sflag:s1] =	ssyncadd.s32 $0xFFFFE400  }
0x4f: {  	[spmem:s31] =	stream.linear.scatter [tilespmem:s8], [sflag:$0x4], $0x1C00, $0x38;
	[tilespmem:$0x1EA80] =	vst v63  }
0x50: {  	_ =	swait.ge [sflag:s1], $0x1C00  }
0x51: {  	[sflag:s1] =	ssyncset.done $0x0  }
0x52: {  	s24 =	rddreg [dreg:$0x12];
	[sflag:s1] =	ssyncadd.s32 $0xFFFFE400  }
0x53: {  	[spmem:s24] =	stream.linear.scatter [tilespmem:s8], [sflag:$0x4], $0x1C00, $0x38;
	[tilespmem:$0x1EA80] =	vst v63  }
0x54: {  	_ =	swait.ge [sflag:s1], $0x1C00  }
0x55: {  	[sflag:s1] =	ssyncset.done $0x0  }
0x56: {  	s25 =	rddreg [dreg:$0x13];
	[sflag:s1] =	ssyncadd.s32 $0xFFFFE400  }
0x57: {  	[spmem:s25] =	stream.linear.scatter [tilespmem:s8], [sflag:$0x4], $0x1C00, $0x38;
	[tilespmem:$0x1EA80] =	vst v63  }
0x58: {  	_ =	swait.ge [sflag:s1], $0x1C00  }
0x59: {  	[sflag:s1] =	ssyncset.done $0x0  }
0x5a: {  	s26 =	rddreg [dreg:$0x14];
	[sflag:s1] =	ssyncadd.s32 $0xFFFFE400  }
0x5b: {  	[spmem:s26] =	stream.linear.scatter [tilespmem:s8], [sflag:$0x4], $0x1C00, $0x38;
	[tilespmem:$0x1EA80] =	vst v63  }
0x5c: {  	_ =	swait.ge [sflag:s1], $0x1C00  }
0x5d: {  	[sflag:s1] =	ssyncset.done $0x0  }
0x5e: {  	s28 =	rddreg [dreg:$0x15];
	[sflag:s1] =	ssyncadd.s32 $0xFFFFE400  }
0x5f: {  	[spmem:s28] =	stream.linear.scatter [tilespmem:s8], [sflag:$0x4], $0x800, $0x38;
	[tilespmem:$0x1EA80] =	vst v63  }
0x60: {  	_ =	swait.ge [sflag:s1], $0x800  }
0x61: {  	[sflag:s1] =	ssyncset.done $0x0  }
0x62: {  	[sflag:s1] =	ssyncadd.s32 $0xFFFFF800  }
0x63: {  	[bflag:$0x0] =	sbarrier.arrive $0xFFFF  }
0x64: {  	v1 =	vld [tilespmem:$0xAE00]  }
0x65: {  	v2 =	vld [tilespmem:$0xAE10]  }
0x66: {  	v3 =	vld [tilespmem:$0xAE20]  }
0x67: {  	v4 =	vld [tilespmem:$0xAE30]  }
0x68: {  	v5 =	vld [tilespmem:$0xAE40]  }
0x69: {  	v6 =	vld [tilespmem:$0xAE50]  }
0x6a: {  	s24 =	simm.s32 $0x0;
	v7 =	vld [tilespmem:$0xAE60];
	s29 =	rddreg [dreg:$0xb]  }
0x6b: {  	v8 =	vld [tilespmem:$0xAE70];
	[tilespmem:s24], [sflag:$0x4] =	stream.linear.gather [hbm4b:s29+s24], $0x100, $0x38  }
0x6c: {  	_ =	swait.ge [sflag:s1], $0x100  }
0x6d: {  	[sflag:s1] =	ssyncset.done $0x0  }
0x6e: {  	s25 =	simm.s32 $0x300;
	s30 =	rddreg [dreg:$0xc];
	[sflag:s1] =	ssyncadd.s32 $0xFFFFFF00  }
0x6f: {  	[tilespmem:s25], [sflag:$0x4] =	stream.linear.gather [hbm4b:s30+s24], $0x100, $0x38;
	[tilespmem:$0x1EA80] =	vst v63  }
0x70: {  	_ =	swait.ge [sflag:s1], $0x100  }
0x71: {  	[sflag:s1] =	ssyncset.done $0x0  }
0x72: {  	s26 =	simm.s32 $0x100;
	s31 =	rddreg [dreg:$0xd];
	[sflag:s1] =	ssyncadd.s32 $0xFFFFFF00  }
0x73: {  	[tilespmem:s26], [sflag:$0x3] =	stream.linear.gather [hbm4b:s31+s24], $0x100, $0x38;
	[tilespmem:$0x1EA80] =	vst v63  }
0x74: {  	s28 =	simm.s32 $0x400;
	s26 =	rddreg [dreg:$0xe]  }
0x75: {  	[tilespmem:s28], [sflag:$0x3] =	stream.linear.gather [hbm4b:s26+s24], $0x100, $0x38;
	[tilespmem:$0x1EA80] =	vst v63  }
0x76: {  	_ = 	snop  }
0x77: {  	[tilespmem:s13], [sflag:$0x1] =	stream.indirect.gather [hbm4b:s5+s12], $0x80, s24, s12, $0xb8;
	[tilespmem:$0x1EA80] =	vst v63  }
0x78: {  	_ = 	snop  }
0x79: {  	[tilespmem:s14], [sflag:$0x1] =	stream.indirect.gather [hbm4b:s5+s12], $0x80, s25, s12, $0xb8;
	[tilespmem:$0x1EA80] =	vst v63  }
0x7a: {  	_ = 	snop  }
0x7b: {  	[tilespmem:s8], [sflag:$0x1] =	stream.linear.gather [hbm4b:s21+s24], $0x1C00, $0x38;
	[tilespmem:$0x1EA80] =	vst v63  }
0x7c: {  	s29 =	simm.s32 $0x80  }
0x7d: {  	[tilespmem:s15], [sflag:$0x2] =	stream.indirect.gather [hbm4b:s5+s12], $0x80, s29, s12, $0xb8;
	[tilespmem:$0x1EA80] =	vst v63  }
0x7e: {  	s30 =	simm.s32 $0x380  }
0x7f: {  	[tilespmem:s16], [sflag:$0x2] =	stream.indirect.gather [hbm4b:s5+s12], $0x80, s30, s12, $0xb8;
	[tilespmem:$0x1EA80] =	vst v63  }
0x80: {  	s31 =	rddreg [dreg:$0x16]  }
0x81: {  	[tilespmem:s17], [sflag:$0x2] =	stream.linear.gather [hbm4b:s31+s24], $0x1C00, $0x38;
	[tilespmem:$0x1EA80] =	vst v63  }
.LBB2_4:
0x82: {  	_ =	swait.ge [sflag:s18], $0x1C00  }
0x83: {  	[sflag:s18] =	ssyncset.done $0x0  }
0x84: {  	[sflag:s18] =	ssyncadd.s32 $0xFFFFE400  }
0x85: {  	_ =	swait.ge [sflag:s18], $0x1C00  }
0x86: {  	[sflag:s18] =	ssyncset.done $0x0  }
0x87: {  	[sflag:s18] =	ssyncadd.s32 $0xFFFFE400  }
0x88: {  	_ =	swait.ge [sflag:s18], $0x1C00  }
0x89: {  	[sflag:s18] =	ssyncset.done $0x0  }
0x8a: {  	s25 =	simm.s32 $0x0;
	[sflag:s18] =	ssyncadd.s32 $0xFFFFE400  }
0x8b: {  	v9 =	vld [tilespmem:s25+$0x3E70]  }
0x8c: {  	v10 =	vld [tilespmem:s25+$0x600]  }
0x8d: {  	v11 =	vld [tilespmem:s25+$0x670]  }
0x8e: {  	v12 =	vld [tilespmem:s25+$0x3E30]  }
0x8f: {  	v13 =	vld [tilespmem:s25+$0x3E60]  }
0x90: {  	v14 =	vld [tilespmem:s25+$0x630]  }
0x91: {  	v15 =	vld [tilespmem:s25+$0x3E10]  }
0x92: {  	v16 =	vld [tilespmem:s25+$0x660]  }
0x93: {  	v17 =	vld [tilespmem:s25+$0x3E40]  }
0x94: {  	v18 =	vld [tilespmem:s25+$0x640]  }
0x95: {  	v19 =	vld [tilespmem:s25+$0x610]  }
0x96: {  	v20 =	vld [tilespmem:s25+$0x650]  }
0x97: {  	v21 =	vld [tilespmem:s25+$0x7640]  }
0x98: {  	v22 =	vld [tilespmem:s25+$0x7660]  }
0x99: {  	v23 =	vld [tilespmem:s25+$0x7630]  }
0x9a: {  	v24 =	vld [tilespmem:s25+$0x3E50]  }
0x9b: {  	v59 =	vld [tilespmem:s25+$0x7670]  }
0x9c: {  	v60 =	vld [tilespmem:s25+$0x3E00]  }
0x9d: {  	v17 =	vadd.f32 v17, v18;
	v13 =	vadd.f32 v13, v16;
	v16 =	vld [tilespmem:s25+$0x620]  }
0x9e: {  	v12 =	vadd.f32 v12, v14;
	v18 =	vld [tilespmem:s25+$0x3E20]  }
0x9f: {  	v9 =	vadd.f32 v9, v11;
	v14 =	vadd.f32 v21, v17;
	v17 =	vld [tilespmem:s25+$0x7650]  }
0xa0: {  	v11 =	vadd.f32 v24, v20;
	v19 =	vadd.f32 v15, v19  }
0xa1: {  	v26 =	vld [tilespmem:s25+$0x7610];
	v13 =	vadd.f32 v22, v13;
	v21 =	vsub.f32 $0.0e+00, v14  }
0xa2: {  	v12 =	vadd.f32 v23, v12;
	v15 =	vadd.f32 v59, v9  }
0xa3: {  	v20 =	vld [tilespmem:s25+$0x7600];
	v9 =	vadd.f32 v60, v10;
	v25 =	vsub.f32 $0.0e+00, v13;
	v21 =	vmul.f32 $1.442695020e+00, v21  }
0xa4: {  	v62 =	vld [tilespmem:s25+$0x7620];
	v18 =	vadd.f32 v18, v16;
	v16 =	vadd.f32 v17, v11  }
0xa5: {  	v27 =	vsub.f32 $0.0e+00, v12;
	v61 =	vmul.f32 $1.442695020e+00, v25;
	(erf) = vpow2.f32 v21  }
0xa6: {  	v11 =	vadd.f32 v26, v19;
	v17 =	vsub.f32 $0.0e+00, v16  }
0xa7: {  	v63 =	vmul.f32 $1.442695020e+00, v27;
	v19 =	vsub.f32 $0.0e+00, v15;
	(erf) = vpow2.f32 v61  }
0xa8: {  	v10 =	vadd.f32 v20, v9;
	v20 =	vsub.f32 $0.0e+00, v11;
	v17 =	vmul.f32 $1.442695020e+00, v17  }
0xa9: {  	v9 =	vadd.f32 v62, v18;
	v18 =	vmul.f32 $1.442695020e+00, v19;
	(erf) = vpow2.f32 v63  }
0xaa: {  	v19 =	vsub.f32 $0.0e+00, v10;
	(erf) = vpow2.f32 v17;
	v17 =	vmul.f32 $1.442695020e+00, v20;
	_ =	sdelay $0x1  }
0xab: {  	v20 =	vsub.f32 $0.0e+00, v9;
	(erf) = vpow2.f32 v18;
	v18 =	vmul.f32 $1.442695020e+00, v19;
	_ =	sdelay $0x1  }
0xac: {  	v19 =	vmul.f32 $1.442695020e+00, v20;
	(erf) = vpow2.f32 v17;
	v17 =	vpop (erf)  }
0xad: {  	(erf) = vpow2.f32 v18;
	v17 =	vadd.f32 $1.000000000e+00, v17  }
0xae: {  	v18 =	vpop (erf);
	(erf) = vpow2.f32 v19  }
0xaf: {  	(erf) = vrcp.f32 v17  }
0xb0: {  	s28 =	simm.s32 $0x80;
	v20 =	vpop (erf);
	v19 =	vadd.f32 $1.000000000e+00, v18  }
0xb1: {  	s26 =	simm.s32 $0x400;
	v17 =	vld [tilespmem:s28+$0x3E70];
	v18 =	vadd.f32 $1.000000000e+00, v20  }
.LBB2_5:
0xb2: {  	p0 =	sne.s32 s26, $0x6E00;
	v20 =	vld [tilespmem:s28+$0x600];
	v21 =	vpop (erf);
	(erf) = vrcp.f32 v19;
	s29 =	smov.u32 s26;
	s26 =	sadd.s32 $0x200, s26  }
0xb3: {  	v19 =	vld [tilespmem:s28+$0x670];
	v21 =	vadd.f32 $1.000000000e+00, v21;
	(erf) = vrcp.f32 v18;
	v18 =	vpop (erf)  }
0xb4: {  	v22 =	vld [tilespmem:s28+$0x3E30];
	v18 =	vadd.f32 $1.000000000e+00, v18  }
0xb5: {  	v23 =	vld [tilespmem:s28+$0x3E60];
	v24 =	vpop (erf);
	(erf) = vrcp.f32 v21  }
0xb6: {  	v21 =	vld [tilespmem:s28+$0x630];
	v28 =	vadd.f32 $1.000000000e+00, v24;
	v25 =	vpop (erf);
	(erf) = vrcp.f32 v18  }
0xb7: {  	v18 =	vld [tilespmem:s28+$0x3E10];
	v25 =	vadd.f32 $1.000000000e+00, v25;
	v26 =	vpop (erf)  }
0xb8: {  	v27 =	vld [tilespmem:s28+$0x660];
	v17 =	vadd.f32 v17, v19;
	v19 =	vadd.f32 $1.000000000e+00, v26;
	(erf) = vrcp.f32 v28;
	v24 =	vpop (erf)  }
0xb9: {  	v26 =	vld [tilespmem:s28+$0x3E40];
	v14 =	vmul.f32 v24, v14;
	(erf) = vrcp.f32 v25  }
0xba: {  	v24 =	vld [tilespmem:s28+$0x640];
	(erf) = vrcp.f32 v19  }
0xbb: {  	v19 =	vld [tilespmem:s28+$0x610];
	v14 =	vadd.f32 v14, v5;
	v25 =	vpop (erf)  }
0xbc: {  	v28 =	vld [tilespmem:s28+$0x650];
	v13 =	vmul.f32 v25, v13;
	v25 =	vpop (erf)  }
0xbd: {  	v29 =	vld [tilespmem:s28+$0x3E50];
	v23 =	vadd.f32 v23, v27;
	v12 =	vmul.f32 v25, v12;
	[tilespmem:s25+$0x7640] =	vst v14  }
0xbe: {  	v14 =	vld [tilespmem:s28+$0x7640];
	v13 =	vadd.f32 v13, v7;
	v25 =	vpop (erf)  }
0xbf: {  	v27 =	vld [tilespmem:s28+$0x620];
	v12 =	vadd.f32 v12, v4;
	v30 =	vmul.f32 v25, v16;
	v25 =	vpop (erf)  }
0xc0: {  	v21 =	vadd.f32 v22, v21;
	v22 =	vadd.f32 v26, v24;
	[tilespmem:s25+$0x7660] =	vst v13;
	v13 =	vmul.f32 v25, v15  }
0xc1: {  	v18 =	vadd.f32 v18, v19;
	v15 =	vld [tilespmem:s28+$0x7660];
	[tilespmem:s25+$0x7630] =	vst v12;
	v26 =	vadd.f32 v30, v6;
	v16 =	vpop (erf)  }
0xc2: {  	v19 =	vld [tilespmem:s28+$0x7630];
	v24 =	vadd.f32 v29, v28;
	v11 =	vmul.f32 v16, v11;
	v13 =	vadd.f32 v13, v8;
	v16 =	vpop (erf)  }
0xc3: {  	v25 =	vld [tilespmem:s28+$0x3E20];
	v14 =	vadd.f32 v14, v22;
	v10 =	vmul.f32 v16, v10;
	[tilespmem:s25+$0x7650] =	vst v26;
	v12 =	vpop (erf)  }
0xc4: {  	v16 =	vld [tilespmem:s28+$0x7650];
	v11 =	vadd.f32 v11, v2;
	v9 =	vmul.f32 v12, v9;
	[tilespmem:s25+$0x7670] =	vst v13  }
0xc5: {  	v22 =	vsub.f32 $0.0e+00, v14;
	v26 =	vld [tilespmem:s28+$0x7670];
	v10 =	vadd.f32 v10, v1  }
0xc6: {  	v28 =	vld [tilespmem:s28+$0x3E00];
	v13 =	vadd.f32 v15, v23;
	[tilespmem:s25+$0x7610] =	vst v11;
	v9 =	vadd.f32 v9, v3  }
0xc7: {  	v11 =	vld [tilespmem:s28+$0x7610];
	v12 =	vadd.f32 v19, v21;
	v15 =	vmul.f32 $1.442695020e+00, v22;
	[tilespmem:s25+$0x7600] =	vst v10  }
0xc8: {  	v10 =	vld [tilespmem:s28+$0x7600];
	v19 =	vadd.f32 v25, v27;
	v21 =	vsub.f32 $0.0e+00, v13;
	[tilespmem:s25+$0x7620] =	vst v9;
	s25 =	smov.u32 s28  }
0xc9: {  	v9 =	vld [tilespmem:s25+$0x7620];
	v22 =	vsub.f32 $0.0e+00, v12;
	v16 =	vadd.f32 v16, v24;
	(erf) = vpow2.f32 v15  }
0xca: {  	v21 =	vmul.f32 $1.442695020e+00, v21;
	v15 =	vadd.f32 v26, v17  }
0xcb: {  	v17 =	vadd.f32 v28, v20;
	v20 =	vmul.f32 $1.442695020e+00, v22;
	v22 =	vsub.f32 $0.0e+00, v16  }
0xcc: {  	v11 =	vadd.f32 v11, v18;
	v18 =	vsub.f32 $0.0e+00, v15;
	(erf) = vpow2.f32 v21  }
0xcd: {  	v10 =	vadd.f32 v10, v17;
	v17 =	vmul.f32 $1.442695020e+00, v22;
	(erf) = vpow2.f32 v20  }
0xce: {  	v20 =	vsub.f32 $0.0e+00, v11;
	v9 =	vadd.f32 v9, v19;
	v18 =	vmul.f32 $1.442695020e+00, v18  }
0xcf: {  	v19 =	vsub.f32 $0.0e+00, v10;
	(erf) = vpow2.f32 v17  }
0xd0: {  	v21 =	vmul.f32 $1.442695020e+00, v20;
	v20 =	vsub.f32 $0.0e+00, v9;
	(erf) = vpow2.f32 v18  }
0xd1: {  	v18 =	vmul.f32 $1.442695020e+00, v19  }
0xd2: {  	v19 =	vmul.f32 $1.442695020e+00, v20;
	(erf) = vpow2.f32 v21;
	v17 =	vpop (erf)  }
.Ltmp1:
0xd3: {  	v20 =	vadd.f32 $1.000000000e+00, v17;
	(erf) = vpow2.f32 v18;
	(pc) =	sbr.rel @p0 .LBB2_5-.Ltmp1, $4  }
0xd4: {  	(erf) = vpow2.f32 v19  }
0xd5: {  	(erf) = vrcp.f32 v20;
	v17 =	vpop (erf)  }
0xd6: {  	s28 =	sshra.s32 s29, $0x2;
	v19 =	vadd.f32 $1.000000000e+00, v17;
	v18 =	vpop (erf)  }
0xd7: {  	v17 =	vld [tilespmem:s28+$0x3E70];
	v18 =	vadd.f32 $1.000000000e+00, v18  }
0xd8: {  	_ = 	snop  }
0xd9: {  	(erf) = vrcp.f32 v19;
	v21 =	vpop (erf)  }
0xda: {  	v20 =	vld [tilespmem:s28+$0x600];
	(erf) = vrcp.f32 v18;
	v18 =	vpop (erf)  }
0xdb: {  	v19 =	vld [tilespmem:s28+$0x670];
	v24 =	vpop (erf)  }
0xdc: {  	v22 =	vld [tilespmem:s28+$0x3E30];
	v21 =	vadd.f32 $1.000000000e+00, v21;
	v26 =	vpop (erf)  }
0xdd: {  	v23 =	vld [tilespmem:s28+$0x3E60];
	v37 =	vpop (erf)  }
0xde: {  	v25 =	vld [tilespmem:s28+$0x630];
	v18 =	vadd.f32 $1.000000000e+00, v18;
	(erf) = vrcp.f32 v21;
	v29 =	vpop (erf)  }
0xdf: {  	v27 =	vld [tilespmem:s28+$0x3E10];
	v14 =	vmul.f32 v29, v14  }
0xe0: {  	v28 =	vld [tilespmem:s28+$0x660];
	(erf) = vrcp.f32 v18  }
0xe1: {  	v30 =	vld [tilespmem:s28+$0x3E40];
	v14 =	vadd.f32 v14, v5  }
0xe2: {  	v38 =	vld [tilespmem:s28+$0x610]  }
0xe3: {  	v32 =	vld [tilespmem:s28+$0x650];
	v24 =	vadd.f32 $1.000000000e+00, v24;
	v31 =	vpop (erf)  }
0xe4: {  	v40 =	vld [tilespmem:s28+$0x3E50];
	v13 =	vmul.f32 v31, v13  }
0xe5: {  	v18 =	vld [tilespmem:s28+$0x640];
	v39 =	vadd.f32 $1.000000000e+00, v26;
	(erf) = vrcp.f32 v24;
	[tilespmem:s25+$0x7640] =	vst v14;
	v14 =	vpop (erf)  }
0xe6: {  	v21 =	vadd.f32 $1.000000000e+00, v37;
	v13 =	vadd.f32 v13, v7;
	v12 =	vmul.f32 v14, v12  }
0xe7: {  	(erf) = vrcp.f32 v39;
	v41 =	vld [tilespmem:s28+$0x620];
	v42 =	vpop (erf)  }
0xe8: {  	(erf) = vrcp.f32 v21;
	v14 =	vld [tilespmem:s28+$0x7640];
	[tilespmem:s25+$0x7660] =	vst v13;
	v13 =	vmul.f32 v42, v16;
	v12 =	vadd.f32 v12, v4  }
0xe9: {  	v43 =	vpop (erf)  }
0xea: {  	v16 =	vld [tilespmem:s28+$0x7660];
	v13 =	vadd.f32 v13, v6;
	[tilespmem:s25+$0x7630] =	vst v12;
	v12 =	vmul.f32 v43, v15;
	_ =	sdelay $0x1  }
0xeb: {  	v12 =	vadd.f32 v12, v8  }
0xec: {  	v15 =	vld [tilespmem:s28+$0x7630]  }
0xed: {  	v18 =	vadd.f32 v30, v18;
	v44 =	vld [tilespmem:s28+$0x3E20];
	[tilespmem:s25+$0x7650] =	vst v13;
	v13 =	vpop (erf)  }
0xee: {  	v11 =	vmul.f32 v13, v11  }
0xef: {  	v17 =	vadd.f32 v17, v19;
	v14 =	vadd.f32 v14, v18;
	v13 =	vld [tilespmem:s28+$0x7650];
	[tilespmem:s25+$0x7670] =	vst v12;
	v12 =	vpop (erf)  }
0xf0: {  	v47 =	vadd.f32 v40, v32;
	v11 =	vadd.f32 v11, v2;
	v10 =	vmul.f32 v12, v10;
	v19 =	vpop (erf)  }
0xf1: {  	v18 =	vadd.f32 v22, v25;
	v46 =	vsub.f32 $0.0e+00, v14;
	v45 =	vld [tilespmem:s28+$0x3E00];
	v9 =	vmul.f32 v19, v9  }
0xf2: {  	v12 =	vld [tilespmem:s28+$0x7670];
	[tilespmem:s25+$0x7610] =	vst v11;
	v11 =	vadd.f32 v23, v28;
	v10 =	vadd.f32 v10, v1  }
0xf3: {  	v15 =	vadd.f32 v15, v18;
	v9 =	vadd.f32 v9, v3  }
0xf4: {  	v19 =	vld [tilespmem:s28+$0x7610];
	v11 =	vadd.f32 v16, v11;
	[tilespmem:s25+$0x7600] =	vst v10  }
0xf5: {  	v18 =	vmul.f32 $1.442695020e+00, v46;
	v50 =	vsub.f32 $0.0e+00, v15;
	v13 =	vadd.f32 v13, v47;
	v16 =	vld [tilespmem:s28+$0x7600];
	[tilespmem:s25+$0x7620] =	vst v9  }
0xf6: {  	v10 =	vadd.f32 v27, v38;
	v48 =	vsub.f32 $0.0e+00, v11;
	v49 =	vld [tilespmem:s28+$0x7620]  }
0xf7: {  	(erf) = vpow2.f32 v18;
	v51 =	vsub.f32 $0.0e+00, v13;
	v12 =	vadd.f32 v12, v17  }
0xf8: {  	v9 =	vadd.f32 v44, v41;
	v17 =	vadd.f32 v45, v20;
	v18 =	vmul.f32 $1.442695020e+00, v48  }
0xf9: {  	v20 =	vmul.f32 $1.442695020e+00, v50;
	v10 =	vadd.f32 v19, v10;
	v19 =	vsub.f32 $0.0e+00, v12  }
0xfa: {  	(erf) = vpow2.f32 v18;
	v16 =	vadd.f32 v16, v17;
	v17 =	vmul.f32 $1.442695020e+00, v51  }
0xfb: {  	v18 =	vsub.f32 $0.0e+00, v10;
	(erf) = vpow2.f32 v20;
	v9 =	vadd.f32 v49, v9  }
0xfc: {  	v19 =	vmul.f32 $1.442695020e+00, v19;
	v20 =	vsub.f32 $0.0e+00, v16;
	(erf) = vpow2.f32 v17  }
0xfd: {  	v17 =	vmul.f32 $1.442695020e+00, v18;
	v18 =	vsub.f32 $0.0e+00, v9  }
0xfe: {  	(erf) = vpow2.f32 v19;
	v19 =	vmul.f32 $1.442695020e+00, v20  }
0xff: {  	(erf) = vpow2.f32 v17;
	v18 =	vmul.f32 $1.442695020e+00, v18  }
0x100: {  	(erf) = vpow2.f32 v19;
	_ =	sdelay $0x1  }
0x101: {  	v17 =	vpop (erf);
	(erf) = vpow2.f32 v18  }
0x102: {  	v17 =	vadd.f32 $1.000000000e+00, v17;
	v18 =	vpop (erf)  }
0x103: {  	v18 =	vadd.f32 $1.000000000e+00, v18;
	v19 =	vpop (erf)  }
0x104: {  	(erf) = vrcp.f32 v17;
	v17 =	vadd.f32 $1.000000000e+00, v19;
	v19 =	vpop (erf)  }
0x105: {  	(erf) = vrcp.f32 v18;
	v18 =	vadd.f32 $1.000000000e+00, v19  }
0x106: {  	v19 =	vpop (erf);
	(erf) = vrcp.f32 v17  }
0x107: {  	v17 =	vadd.f32 $1.000000000e+00, v19;
	v19 =	vpop (erf);
	(erf) = vrcp.f32 v18  }
0x108: {  	v18 =	vadd.f32 $1.000000000e+00, v19;
	v19 =	vpop (erf)  }
0x109: {  	(erf) = vrcp.f32 v17;
	v17 =	vadd.f32 $1.000000000e+00, v19  }
0x10a: {  	v19 =	vpop (erf)  }
0x10b: {  	(erf) = vrcp.f32 v18;
	v19 =	vadd.f32 $1.000000000e+00, v19  }
0x10c: {  	(erf) = vrcp.f32 v17  }
0x10d: {  	(erf) = vrcp.f32 v19;
	v17 =	vpop (erf)  }
0x10e: {  	v14 =	vmul.f32 v17, v14;
	v17 =	vpop (erf)  }
0x10f: {  	v11 =	vmul.f32 v17, v11;
	v17 =	vpop (erf)  }
0x110: {  	v14 =	vadd.f32 v14, v5;
	v15 =	vmul.f32 v17, v15;
	v17 =	vpop (erf)  }
0x111: {  	v13 =	vmul.f32 v17, v13  }
0x112: {  	s0 =	smul.u32 $0xAB, s24;
	[tilespmem:s28+$0x7640] =	vst v14;
	v14 =	vadd.f32 v15, v4  }
0x113: {  	v11 =	vadd.f32 v11, v7;
	v17 =	vpop (erf)  }
0x114: {  	s26 =	sshrl.u32 s0, $0x9;
	v12 =	vmul.f32 v17, v12;
	v15 =	vpop (erf)  }
0x115: {  	s25 =	sand.u32 $0x7F, s26;
	[tilespmem:s28+$0x7660] =	vst v11;
	v11 =	vadd.f32 v13, v6;
	v10 =	vmul.f32 v15, v10;
	v13 =	vpop (erf)  }
0x116: {  	s25 =	smul.u32 $0x3, s25;
	[tilespmem:s28+$0x7630] =	vst v14;
	v12 =	vadd.f32 v12, v8;
	v13 =	vmul.f32 v13, v16;
	v14 =	vpop (erf)  }
0x117: {  	[tilespmem:s28+$0x7650] =	vst v11;
	v10 =	vadd.f32 v10, v2;
	v9 =	vmul.f32 v14, v9  }
0x118: {  	s25 =	ssub.s32 s24, s25;
	[tilespmem:s28+$0x7670] =	vst v12;
	v11 =	vadd.f32 v13, v1  }
0x119: {  	s0 =	sadd.s32 $0xAB, s0;
	s25 =	sand.u32 $0xFF, s25;
	[tilespmem:s28+$0x7610] =	vst v10;
	v9 =	vadd.f32 v9, v3  }
0x11a: {  	s0 =	sshrl.u32 s0, $0x9;
	s26 =	sshll.u32 s25, $0x8;
	[tilespmem:s28+$0x7600] =	vst v11  }
0x11b: {  	s0 =	sand.u32 $0x7F, s0;
	s25 =	sadd.s32 $0x300, s26;
	[tilespmem:s28+$0x7620] =	vst v9  }
0x11c: {  	[spmem:s3] =	stream.indirect.scatter.add.f32 [tilespmem:s8], [sflag:$0x4], $0x80, s25, s12, $0xb8;
	[tilespmem:$0x1EA80] =	vst v63  }
0x11d: {  	s0 =	smul.u32 $0x3, s0;
	s28 =	sadd.s32 $0x2, s24;
	s25 =	sadd.s32 $0x1, s24  }
0x11e: {  	p0 =	slt.s32 s28, $0x59;
	s29 =	smov.u32 s28;
	_ =	swait.ge [sflag:s1], $0x1C00  }
0x11f: {  	s30 =	smulhi.u32 $0xAAAAAAAB, s28;
	s24 =	sshll.u32 s24, $0x1;
	[sflag:s1] =	ssyncset.done $0x0  }
0x120: {  	s29 =	simm.s32 @!p0 $0x59;
	s0 =	ssub.s32 s25, s0;
	[sflag:s1] =	ssyncadd.s32 $0xFFFFE400  }
0x121: {  	s29 =	sshll.u32 s29, $0x8;
	s30 =	sshrl.u32 s30, $0x1;
	_ =	swait.ge [sflag:s19], $0x100  }
0x122: {  	s31 =	sand.u32 $0x7C00, s29;
	s30 =	smul.u32 $0x3, s30;
	[sflag:s19] =	ssyncset.done $0x0  }
0x123: {  	s29 =	sand.u32 $0x300, s29;
	s31 =	sadd.s32 s11, s31;
	[sflag:s19] =	ssyncadd.s32 $0xFFFFFF00  }
0x124: {  	s29 =	sor.u32 s29, s31;
	s28 =	ssub.s32 s28, s30;
	_ =	swait.ge [sflag:s19], $0x100  }
0x125: {  	s31 =	simm.s32 $0x0;
	s29 =	sshrl.u32 s29, $0x3;
	[sflag:s19] =	ssyncset.done $0x0  }
0x126: {  	s28 =	sshll.u32 s28, $0x8;
	s30 =	sadd.s32 s2, s29;
	[sflag:s19] =	ssyncadd.s32 $0xFFFFFF00  }
0x127: {  	[tilespmem:s28], [sflag:$0x3] =	stream.linear.gather [hbm4b:s30+s31], $0x100, $0x38;
	[tilespmem:$0x1EA80] =	vst v63  }
0x128: {  	s0 =	sand.u32 $0xFF, s0;
	s29 =	sadd.s32 s7, s29;
	s28 =	sadd.s32 $0x300, s28  }
0x129: {  	[tilespmem:s28], [sflag:$0x3] =	stream.linear.gather [hbm4b:s29+s31], $0x100, $0x38;
	[tilespmem:$0x1EA80] =	vst v63  }
0x12a: {  	s28 =	sshll.u32 s0, $0x8;
	s0 =	smin.u32 s24, $0xB1  }
0x12b: {  	s0 =	smul.u32 $0x1C00, s0  }
0x12c: {  	[tilespmem:s13], [sflag:$0x1] =	stream.indirect.gather [hbm4b:s5+s12], $0x80, s28, s12, $0xb8;
	[tilespmem:$0x1EA80] =	vst v63  }
0x12d: {  	s29 =	sadd.s32 $0x300, s28;
	s0 =	sadd.s32 s0, s22  }
0x12e: {  	[tilespmem:s14], [sflag:$0x1] =	stream.indirect.gather [hbm4b:s5+s12], $0x80, s29, s12, $0xb8;
	[tilespmem:$0x1EA80] =	vst v63  }
0x12f: {  	s0 =	sshrl.u32 s0, $0x3  }
0x130: {  	s0 =	sadd.s32 s6, s0  }
0x131: {  	[tilespmem:s8], [sflag:$0x1] =	stream.linear.gather [hbm4b:s0+s31], $0x1C00, $0x38;
	[tilespmem:$0x1EA80] =	vst v63  }
0x132: {  	_ =	swait.ge [sflag:s10], $0x1C00  }
0x133: {  	[sflag:s10] =	ssyncset.done $0x0  }
0x134: {  	[sflag:s10] =	ssyncadd.s32 $0xFFFFE400  }
0x135: {  	_ =	swait.ge [sflag:s10], $0x1C00  }
0x136: {  	[sflag:s10] =	ssyncset.done $0x0  }
0x137: {  	[sflag:s10] =	ssyncadd.s32 $0xFFFFE400  }
0x138: {  	_ =	swait.ge [sflag:s10], $0x1C00  }
0x139: {  	[sflag:s10] =	ssyncset.done $0x0  }
0x13a: {  	s29 =	simm.s32 $0x0;
	[sflag:s10] =	ssyncadd.s32 $0xFFFFE400  }
0x13b: {  	v9 =	vld [tilespmem:s29+$0x5A70]  }
0x13c: {  	v10 =	vld [tilespmem:s29+$0x2200]  }
0x13d: {  	v11 =	vld [tilespmem:s29+$0x2270]  }
0x13e: {  	v12 =	vld [tilespmem:s29+$0x5A30]  }
0x13f: {  	v13 =	vld [tilespmem:s29+$0x5A60]  }
0x140: {  	v14 =	vld [tilespmem:s29+$0x2230]  }
0x141: {  	v15 =	vld [tilespmem:s29+$0x5A10]  }
0x142: {  	v16 =	vld [tilespmem:s29+$0x2260]  }
0x143: {  	v17 =	vld [tilespmem:s29+$0x5A40]  }
0x144: {  	v18 =	vld [tilespmem:s29+$0x2240]  }
0x145: {  	v19 =	vld [tilespmem:s29+$0x2210]  }
0x146: {  	v20 =	vld [tilespmem:s29+$0x2250]  }
0x147: {  	v52 =	vld [tilespmem:s29+$0x9240]  }
0x148: {  	v53 =	vld [tilespmem:s29+$0x9260]  }
0x149: {  	v54 =	vld [tilespmem:s29+$0x9230]  }
0x14a: {  	v55 =	vld [tilespmem:s29+$0x5A50]  }
0x14b: {  	v56 =	vld [tilespmem:s29+$0x9270]  }
0x14c: {  	v57 =	vld [tilespmem:s29+$0x5A00]  }
0x14d: {  	v17 =	vadd.f32 v17, v18;
	v13 =	vadd.f32 v13, v16;
	v16 =	vld [tilespmem:s29+$0x2220]  }
0x14e: {  	v12 =	vadd.f32 v12, v14;
	v18 =	vld [tilespmem:s29+$0x5A20]  }
0x14f: {  	v9 =	vadd.f32 v9, v11;
	v14 =	vadd.f32 v52, v17;
	v17 =	vld [tilespmem:s29+$0x9250]  }
0x150: {  	v11 =	vadd.f32 v55, v20;
	v19 =	vadd.f32 v15, v19  }
0x151: {  	v59 =	vld [tilespmem:s29+$0x9210];
	v13 =	vadd.f32 v53, v13;
	v21 =	vsub.f32 $0.0e+00, v14  }
0x152: {  	v12 =	vadd.f32 v54, v12;
	v15 =	vadd.f32 v56, v9  }
0x153: {  	v20 =	vld [tilespmem:s29+$0x9200];
	v9 =	vadd.f32 v57, v10;
	v58 =	vsub.f32 $0.0e+00, v13;
	v21 =	vmul.f32 $1.442695020e+00, v21  }
0x154: {  	v62 =	vld [tilespmem:s29+$0x9220];
	v18 =	vadd.f32 v18, v16;
	v16 =	vadd.f32 v17, v11  }
0x155: {  	v60 =	vsub.f32 $0.0e+00, v12;
	v61 =	vmul.f32 $1.442695020e+00, v58;
	(erf) = vpow2.f32 v21  }
0x156: {  	v11 =	vadd.f32 v59, v19;
	v17 =	vsub.f32 $0.0e+00, v16  }
0x157: {  	v63 =	vmul.f32 $1.442695020e+00, v60;
	v19 =	vsub.f32 $0.0e+00, v15;
	(erf) = vpow2.f32 v61  }
0x158: {  	v10 =	vadd.f32 v20, v9;
	v20 =	vsub.f32 $0.0e+00, v11;
	v17 =	vmul.f32 $1.442695020e+00, v17  }
0x159: {  	v9 =	vadd.f32 v62, v18;
	v18 =	vmul.f32 $1.442695020e+00, v19;
	(erf) = vpow2.f32 v63  }
0x15a: {  	v19 =	vsub.f32 $0.0e+00, v10;
	(erf) = vpow2.f32 v17;
	v17 =	vmul.f32 $1.442695020e+00, v20;
	_ =	sdelay $0x1  }
0x15b: {  	v20 =	vsub.f32 $0.0e+00, v9;
	(erf) = vpow2.f32 v18;
	v18 =	vmul.f32 $1.442695020e+00, v19;
	_ =	sdelay $0x1  }
0x15c: {  	v19 =	vmul.f32 $1.442695020e+00, v20;
	(erf) = vpow2.f32 v17;
	v17 =	vpop (erf)  }
0x15d: {  	(erf) = vpow2.f32 v18;
	v17 =	vadd.f32 $1.000000000e+00, v17  }
0x15e: {  	v18 =	vpop (erf);
	(erf) = vpow2.f32 v19  }
0x15f: {  	(erf) = vrcp.f32 v17  }
0x160: {  	s30 =	simm.s32 $0x80;
	v20 =	vpop (erf);
	v19 =	vadd.f32 $1.000000000e+00, v18  }
0x161: {  	s31 =	simm.s32 $0x400;
	v17 =	vld [tilespmem:s30+$0x5A70];
	v18 =	vadd.f32 $1.000000000e+00, v20  }
.LBB2_7:
0x162: {  	p0 =	sne.s32 s31, $0x6E00;
	v20 =	vld [tilespmem:s30+$0x2200];
	v21 =	vpop (erf);
	(erf) = vrcp.f32 v19;
	s0 =	smov.u32 s31;
	s31 =	sadd.s32 $0x200, s31  }
0x163: {  	v19 =	vld [tilespmem:s30+$0x2270];
	v21 =	vadd.f32 $1.000000000e+00, v21;
	(erf) = vrcp.f32 v18;
	v18 =	vpop (erf)  }
0x164: {  	v22 =	vld [tilespmem:s30+$0x5A30];
	v18 =	vadd.f32 $1.000000000e+00, v18  }
0x165: {  	v23 =	vld [tilespmem:s30+$0x5A60];
	v24 =	vpop (erf);
	(erf) = vrcp.f32 v21  }
0x166: {  	v21 =	vld [tilespmem:s30+$0x2230];
	v28 =	vadd.f32 $1.000000000e+00, v24;
	v25 =	vpop (erf);
	(erf) = vrcp.f32 v18  }
0x167: {  	v18 =	vld [tilespmem:s30+$0x5A10];
	v25 =	vadd.f32 $1.000000000e+00, v25;
	v26 =	vpop (erf)  }
0x168: {  	v27 =	vld [tilespmem:s30+$0x2260];
	v17 =	vadd.f32 v17, v19;
	v19 =	vadd.f32 $1.000000000e+00, v26;
	(erf) = vrcp.f32 v28;
	v24 =	vpop (erf)  }
0x169: {  	v26 =	vld [tilespmem:s30+$0x5A40];
	v14 =	vmul.f32 v24, v14;
	(erf) = vrcp.f32 v25  }
0x16a: {  	v24 =	vld [tilespmem:s30+$0x2240];
	(erf) = vrcp.f32 v19  }
0x16b: {  	v19 =	vld [tilespmem:s30+$0x2210];
	v14 =	vadd.f32 v14, v5;
	v25 =	vpop (erf)  }
0x16c: {  	v28 =	vld [tilespmem:s30+$0x2250];
	v13 =	vmul.f32 v25, v13;
	v25 =	vpop (erf)  }
0x16d: {  	v29 =	vld [tilespmem:s30+$0x5A50];
	v23 =	vadd.f32 v23, v27;
	v12 =	vmul.f32 v25, v12;
	[tilespmem:s29+$0x9240] =	vst v14  }
0x16e: {  	v14 =	vld [tilespmem:s30+$0x9240];
	v13 =	vadd.f32 v13, v7;
	v25 =	vpop (erf)  }
0x16f: {  	v27 =	vld [tilespmem:s30+$0x2220];
	v12 =	vadd.f32 v12, v4;
	v30 =	vmul.f32 v25, v16;
	v25 =	vpop (erf)  }
0x170: {  	v21 =	vadd.f32 v22, v21;
	v22 =	vadd.f32 v26, v24;
	[tilespmem:s29+$0x9260] =	vst v13;
	v13 =	vmul.f32 v25, v15  }
0x171: {  	v18 =	vadd.f32 v18, v19;
	v15 =	vld [tilespmem:s30+$0x9260];
	[tilespmem:s29+$0x9230] =	vst v12;
	v26 =	vadd.f32 v30, v6;
	v16 =	vpop (erf)  }
0x172: {  	v19 =	vld [tilespmem:s30+$0x9230];
	v24 =	vadd.f32 v29, v28;
	v11 =	vmul.f32 v16, v11;
	v13 =	vadd.f32 v13, v8;
	v16 =	vpop (erf)  }
0x173: {  	v25 =	vld [tilespmem:s30+$0x5A20];
	v14 =	vadd.f32 v14, v22;
	v10 =	vmul.f32 v16, v10;
	[tilespmem:s29+$0x9250] =	vst v26;
	v12 =	vpop (erf)  }
0x174: {  	v16 =	vld [tilespmem:s30+$0x9250];
	v11 =	vadd.f32 v11, v2;
	v9 =	vmul.f32 v12, v9;
	[tilespmem:s29+$0x9270] =	vst v13  }
0x175: {  	v22 =	vsub.f32 $0.0e+00, v14;
	v26 =	vld [tilespmem:s30+$0x9270];
	v10 =	vadd.f32 v10, v1  }
0x176: {  	v28 =	vld [tilespmem:s30+$0x5A00];
	v13 =	vadd.f32 v15, v23;
	[tilespmem:s29+$0x9210] =	vst v11;
	v9 =	vadd.f32 v9, v3  }
0x177: {  	v11 =	vld [tilespmem:s30+$0x9210];
	v12 =	vadd.f32 v19, v21;
	v15 =	vmul.f32 $1.442695020e+00, v22;
	[tilespmem:s29+$0x9200] =	vst v10  }
0x178: {  	v10 =	vld [tilespmem:s30+$0x9200];
	v19 =	vadd.f32 v25, v27;
	v21 =	vsub.f32 $0.0e+00, v13;
	[tilespmem:s29+$0x9220] =	vst v9;
	s29 =	smov.u32 s30  }
0x179: {  	v9 =	vld [tilespmem:s29+$0x9220];
	v22 =	vsub.f32 $0.0e+00, v12;
	v16 =	vadd.f32 v16, v24;
	(erf) = vpow2.f32 v15  }
0x17a: {  	v21 =	vmul.f32 $1.442695020e+00, v21;
	v15 =	vadd.f32 v26, v17  }
0x17b: {  	v17 =	vadd.f32 v28, v20;
	v20 =	vmul.f32 $1.442695020e+00, v22;
	v22 =	vsub.f32 $0.0e+00, v16  }
0x17c: {  	v11 =	vadd.f32 v11, v18;
	v18 =	vsub.f32 $0.0e+00, v15;
	(erf) = vpow2.f32 v21  }
0x17d: {  	v10 =	vadd.f32 v10, v17;
	v17 =	vmul.f32 $1.442695020e+00, v22;
	(erf) = vpow2.f32 v20  }
0x17e: {  	v20 =	vsub.f32 $0.0e+00, v11;
	v9 =	vadd.f32 v9, v19;
	v18 =	vmul.f32 $1.442695020e+00, v18  }
0x17f: {  	v19 =	vsub.f32 $0.0e+00, v10;
	(erf) = vpow2.f32 v17  }
0x180: {  	v21 =	vmul.f32 $1.442695020e+00, v20;
	v20 =	vsub.f32 $0.0e+00, v9;
	(erf) = vpow2.f32 v18  }
0x181: {  	v18 =	vmul.f32 $1.442695020e+00, v19  }
0x182: {  	v19 =	vmul.f32 $1.442695020e+00, v20;
	(erf) = vpow2.f32 v21;
	v17 =	vpop (erf)  }
.Ltmp2:
0x183: {  	v20 =	vadd.f32 $1.000000000e+00, v17;
	(erf) = vpow2.f32 v18;
	(pc) =	sbr.rel @p0 .LBB2_7-.Ltmp2, $4  }
0x184: {  	(erf) = vpow2.f32 v19  }
0x185: {  	(erf) = vrcp.f32 v20;
	v17 =	vpop (erf)  }
0x186: {  	s30 =	sshra.s32 s0, $0x2;
	v19 =	vadd.f32 $1.000000000e+00, v17;
	v18 =	vpop (erf)  }
0x187: {  	v17 =	vld [tilespmem:s30+$0x5A70];
	v18 =	vadd.f32 $1.000000000e+00, v18  }
0x188: {  	(erf) = vrcp.f32 v19  }
0x189: {  	v21 =	vpop (erf);
	(erf) = vrcp.f32 v18  }
0x18a: {  	v20 =	vld [tilespmem:s30+$0x2200];
	v35 =	vpop (erf);
	v21 =	vadd.f32 $1.000000000e+00, v21  }
0x18b: {  	v63 =	vld [tilespmem:s30+$0x2270];
	v18 =	vadd.f32 $1.000000000e+00, v35  }
0x18c: {  	v22 =	vld [tilespmem:s30+$0x5A30];
	v24 =	vpop (erf);
	(erf) = vrcp.f32 v21  }
0x18d: {  	v23 =	vld [tilespmem:s30+$0x5A60];
	v26 =	vpop (erf);
	(erf) = vrcp.f32 v18;
	v24 =	vadd.f32 $1.000000000e+00, v24  }
0x18e: {  	v25 =	vld [tilespmem:s30+$0x2230]  }
0x18f: {  	v27 =	vld [tilespmem:s30+$0x5A10];
	v36 =	vpop (erf);
	v39 =	vadd.f32 $1.000000000e+00, v26;
	(erf) = vrcp.f32 v24  }
0x190: {  	v28 =	vld [tilespmem:s30+$0x2260];
	v29 =	vpop (erf);
	v21 =	vadd.f32 $1.000000000e+00, v36  }
0x191: {  	v30 =	vld [tilespmem:s30+$0x5A40];
	v14 =	vmul.f32 v29, v14;
	v31 =	vpop (erf);
	(erf) = vrcp.f32 v39  }
0x192: {  	v37 =	vld [tilespmem:s30+$0x2240];
	v41 =	vpop (erf);
	(erf) = vrcp.f32 v21  }
0x193: {  	v38 =	vld [tilespmem:s30+$0x2210];
	v14 =	vadd.f32 v14, v5;
	v13 =	vmul.f32 v31, v13  }
0x194: {  	v32 =	vld [tilespmem:s30+$0x2250];
	v12 =	vmul.f32 v41, v12  }
0x195: {  	v40 =	vld [tilespmem:s30+$0x5A50];
	[tilespmem:s29+$0x9240] =	vst v14;
	v13 =	vadd.f32 v13, v7;
	v44 =	vpop (erf)  }
0x196: {  	v42 =	vld [tilespmem:s30+$0x9240];
	v12 =	vadd.f32 v12, v4;
	v45 =	vmul.f32 v44, v16;
	v47 =	vpop (erf)  }
0x197: {  	v43 =	vld [tilespmem:s30+$0x2220];
	[tilespmem:s29+$0x9260] =	vst v13;
	v48 =	vmul.f32 v47, v15  }
0x198: {  	v46 =	vld [tilespmem:s30+$0x9260];
	[tilespmem:s29+$0x9230] =	vst v12;
	v13 =	vadd.f32 v45, v6;
	v51 =	vpop (erf)  }
0x199: {  	v49 =	vld [tilespmem:s30+$0x9230];
	v12 =	vadd.f32 v48, v8;
	v11 =	vmul.f32 v51, v11  }
0x19a: {  	v18 =	vadd.f32 v30, v37;
	v17 =	vadd.f32 v17, v63;
	v50 =	vld [tilespmem:s30+$0x5A20];
	[tilespmem:s29+$0x9250] =	vst v13;
	v53 =	vpop (erf)  }
0x19b: {  	v57 =	vadd.f32 v22, v25;
	v52 =	vld [tilespmem:s30+$0x9250];
	[tilespmem:s29+$0x9270] =	vst v12;
	v11 =	vadd.f32 v11, v2;
	v10 =	vmul.f32 v53, v10;
	v55 =	vpop (erf)  }
0x19c: {  	v61 =	vadd.f32 v40, v32;
	v14 =	vadd.f32 v42, v18;
	v54 =	vld [tilespmem:s30+$0x9270];
	v9 =	vmul.f32 v55, v9  }
0x19d: {  	v56 =	vld [tilespmem:s30+$0x5A00];
	[tilespmem:s29+$0x9210] =	vst v11;
	v11 =	vadd.f32 v23, v28;
	v10 =	vadd.f32 v10, v1  }
0x19e: {  	v15 =	vadd.f32 v49, v57;
	v9 =	vadd.f32 v9, v3  }
0x19f: {  	v59 =	vsub.f32 $0.0e+00, v14;
	v58 =	vld [tilespmem:s30+$0x9210];
	v11 =	vadd.f32 v46, v11;
	[tilespmem:s29+$0x9200] =	vst v10  }
0x1a0: {  	v10 =	vadd.f32 v27, v38;
	v29 =	vsub.f32 $0.0e+00, v15;
	v60 =	vld [tilespmem:s30+$0x9200];
	[tilespmem:s29+$0x9220] =	vst v9  }
0x1a1: {  	v62 =	vmul.f32 $1.442695020e+00, v59;
	v13 =	vadd.f32 v52, v61;
	v9 =	vadd.f32 v50, v43;
	v28 =	vld [tilespmem:s30+$0x9220]  }
0x1a2: {  	v63 =	vsub.f32 $0.0e+00, v11;
	v12 =	vadd.f32 v54, v17  }
0x1a3: {  	(erf) = vpow2.f32 v62;
	v32 =	vadd.f32 v56, v20;
	v34 =	vsub.f32 $0.0e+00, v13  }
0x1a4: {  	v33 =	vmul.f32 $1.442695020e+00, v29;
	v31 =	vmul.f32 $1.442695020e+00, v63;
	v10 =	vadd.f32 v58, v10  }
0x1a5: {  	v35 =	vsub.f32 $0.0e+00, v12;
	v36 =	vmul.f32 $1.442695020e+00, v34;
	v16 =	vadd.f32 v60, v32  }
0x1a6: {  	(erf) = vpow2.f32 v31;
	v37 =	vsub.f32 $0.0e+00, v10;
	v9 =	vadd.f32 v28, v9  }
0x1a7: {  	v19 =	vmul.f32 $1.442695020e+00, v35;
	(erf) = vpow2.f32 v33;
	v38 =	vsub.f32 $0.0e+00, v16  }
0x1a8: {  	(erf) = vpow2.f32 v36;
	v39 =	vmul.f32 $1.442695020e+00, v37;
	v40 =	vsub.f32 $0.0e+00, v9  }
0x1a9: {  	(erf) = vpow2.f32 v19;
	v41 =	vmul.f32 $1.442695020e+00, v38  }
0x1aa: {  	(erf) = vpow2.f32 v39;
	v18 =	vmul.f32 $1.442695020e+00, v40  }
0x1ab: {  	(erf) = vpow2.f32 v41  }
0x1ac: {  	(erf) = vpow2.f32 v18;
	_ =	sdelay $0x1  }
0x1ad: {  	v42 =	vpop (erf)  }
0x1ae: {  	v17 =	vadd.f32 $1.000000000e+00, v42;
	v43 =	vpop (erf)  }
0x1af: {  	v18 =	vadd.f32 $1.000000000e+00, v43;
	v44 =	vpop (erf)  }
0x1b0: {  	(erf) = vrcp.f32 v17;
	v45 =	vadd.f32 $1.000000000e+00, v44;
	v46 =	vpop (erf)  }
0x1b1: {  	(erf) = vrcp.f32 v18;
	v47 =	vadd.f32 $1.000000000e+00, v46;
	v48 =	vpop (erf)  }
0x1b2: {  	(erf) = vrcp.f32 v45;
	v49 =	vadd.f32 $1.000000000e+00, v48;
	v50 =	vpop (erf)  }
0x1b3: {  	(erf) = vrcp.f32 v47;
	v51 =	vadd.f32 $1.000000000e+00, v50;
	v52 =	vpop (erf)  }
0x1b4: {  	(erf) = vrcp.f32 v49;
	v53 =	vadd.f32 $1.000000000e+00, v52;
	v54 =	vpop (erf)  }
0x1b5: {  	(erf) = vrcp.f32 v51;
	v19 =	vadd.f32 $1.000000000e+00, v54  }
0x1b6: {  	(erf) = vrcp.f32 v53  }
0x1b7: {  	(erf) = vrcp.f32 v19;
	_ =	sdelay $0x1  }
0x1b8: {  	v55 =	vpop (erf)  }
0x1b9: {  	v14 =	vmul.f32 v55, v14;
	v56 =	vpop (erf)  }
0x1ba: {  	v11 =	vmul.f32 v56, v11;
	v57 =	vpop (erf)  }
0x1bb: {  	v14 =	vadd.f32 v14, v5;
	v15 =	vmul.f32 v57, v15;
	v58 =	vpop (erf)  }
0x1bc: {  	v11 =	vadd.f32 v11, v7;
	v13 =	vmul.f32 v58, v13;
	v59 =	vpop (erf)  }
0x1bd: {  	[tilespmem:s30+$0x9240] =	vst v14;
	v60 =	vadd.f32 v15, v4;
	v12 =	vmul.f32 v59, v12;
	v61 =	vpop (erf)  }
0x1be: {  	[tilespmem:s30+$0x9260] =	vst v11;
	v11 =	vadd.f32 v13, v6;
	v10 =	vmul.f32 v61, v10;
	v62 =	vpop (erf)  }
0x1bf: {  	[tilespmem:s30+$0x9230] =	vst v60;
	v12 =	vadd.f32 v12, v8;
	v13 =	vmul.f32 v62, v16;
	v63 =	vpop (erf)  }
0x1c0: {  	[tilespmem:s30+$0x9250] =	vst v11;
	v10 =	vadd.f32 v10, v2;
	v9 =	vmul.f32 v63, v9  }
0x1c1: {  	[tilespmem:s30+$0x9270] =	vst v12;
	v11 =	vadd.f32 v13, v1  }
0x1c2: {  	[tilespmem:s30+$0x9210] =	vst v10;
	v9 =	vadd.f32 v9, v3  }
0x1c3: {  	[tilespmem:s30+$0x9200] =	vst v11  }
0x1c4: {  	s0 =	sadd.s32 $0x380, s26;
	[tilespmem:s30+$0x9220] =	vst v9  }
0x1c5: {  	[spmem:s3] =	stream.indirect.scatter.add.f32 [tilespmem:s17], [sflag:$0x4], $0x80, s0, s12, $0xb8;
	[tilespmem:$0x1EA80] =	vst v63  }
0x1c6: {  	_ =	swait.ge [sflag:s1], $0x1C00  }
0x1c7: {  	p0 =	sne.s32 s25, $0x5A;
	s30 =	smin.u32 s24, $0xB0;
	[sflag:s1] =	ssyncset.done $0x0  }
0x1c8: {  	s29 =	sor.u32 $0x80, s28;
	s0 =	smul.u32 $0x1C00, s30;
	[sflag:s1] =	ssyncadd.s32 $0xFFFFE400  }
0x1c9: {  	[tilespmem:s15], [sflag:$0x2] =	stream.indirect.gather [hbm4b:s5+s12], $0x80, s29, s12, $0xb8;
	[tilespmem:$0x1EA80] =	vst v63  }
.Ltmp3:
0x1ca: {  	s0 =	sadd.s32 s0, s23;
	(pc) =	sbr.rel @p0 .LBB2_4-.Ltmp3, $4  }
0x1cb: {  	s31 =	sadd.s32 $0x380, s28;
	s0 =	sshrl.u32 s0, $0x3  }
0x1cc: {  	[tilespmem:s16], [sflag:$0x2] =	stream.indirect.gather [hbm4b:s5+s12], $0x80, s31, s12, $0xb8;
	[tilespmem:$0x1EA80] =	vst v63  }
0x1cd: {  	s24 =	smov.u32 s25;
	s0 =	sadd.s32 s6, s0  }
0x1ce: {  	[tilespmem:s17], [sflag:$0x2] =	stream.linear.gather [hbm4b:s0+s4], $0x1C00, $0x38;
	[tilespmem:$0x1EA80] =	vst v63  }
0x1cf: {  	_ =	swait.ge [sflag:s18], $0x1C00  }
0x1d0: {  	[sflag:s18] =	ssyncset.done $0x0  }
0x1d1: {  	[sflag:s18] =	ssyncadd.s32 $0xFFFFE400  }
0x1d2: {  	_ =	swait.ge [sflag:s18], $0x1C00  }
0x1d3: {  	[sflag:s18] =	ssyncset.done $0x0  }
0x1d4: {  	[sflag:s18] =	ssyncadd.s32 $0xFFFFE400  }
0x1d5: {  	_ =	swait.ge [sflag:s18], $0x1C00  }
0x1d6: {  	[sflag:s18] =	ssyncset.done $0x0  }
0x1d7: {  	[sflag:s18] =	ssyncadd.s32 $0xFFFFE400  }
0x1d8: {  	_ =	swait.ge [sflag:s10], $0x1C00  }
0x1d9: {  	[sflag:s10] =	ssyncset.done $0x0  }
0x1da: {  	[sflag:s10] =	ssyncadd.s32 $0xFFFFE400  }
0x1db: {  	_ =	swait.ge [sflag:s10], $0x1C00  }
0x1dc: {  	[sflag:s10] =	ssyncset.done $0x0  }
0x1dd: {  	[sflag:s10] =	ssyncadd.s32 $0xFFFFE400  }
0x1de: {  	_ =	swait.ge [sflag:s10], $0x1C00  }
0x1df: {  	[sflag:s10] =	ssyncset.done $0x0  }
0x1e0: {  	[sflag:s10] =	ssyncadd.s32 $0xFFFFE400  }
0x1e1: {  	_ =	swait.ge [sflag:s19], $0x100  }
0x1e2: {  	[sflag:s19] =	ssyncset.done $0x0  }
0x1e3: {  	[sflag:s19] =	ssyncadd.s32 $0xFFFFFF00  }
0x1e4: {  	_ =	swait.ge [sflag:s19], $0x100  }
0x1e5: {  	[sflag:s19] =	ssyncset.done $0x0  }
0x1e6: {  	s0 =	stileid.u32;
	[sflag:s19] =	ssyncadd.s32 $0xFFFFFF00  }
0x1e7: {  	s0 =	sshll.u32 s0, $0x6;
	[bflag:$0x0] =	sbarrier.arrive $0xFFFF  }
0x1e8: {  	s24 =	sshrl.u32 s9, $0x3;
	s0 =	sor.u32 $0x1C04, s0;
	s25 =	rddreg [dreg:$0xf]  }
0x1e9: {  	[hbm:s25], [sflag:s0] =	dma.local [spmem:s24], $0x2780  }
0x1ea: {  	_ =	swait.ge [sflag:s1], $0x2780  }
0x1eb: {  	s20 =	sadd.s32 $0x1, s20;
	s31 =	rddreg [dreg:$0x10]  }
0x1ec: {  	p0 =	sne.s32 s20, s31  }
.Ltmp4:
0x1ed: {  	_ = 	snop;
	(pc) =	sbr.rel @p0 .LBB2_1-.Ltmp4, $3  }
0x1ee: {  	_ =	sdelay $0x1  }
0x1ef: {  	[sflag:s1] =	ssyncset.done $0x0  }
0x1f0: {  	[sflag:s1] =	ssyncadd.s32 $0xFFFFD880  }
0x1f1: {  	_ =	sfence.sel $0x180000  }
0x1f2: {  	[bflag:$0x0] =	sbarrier.arrive $0xFFFF  }
0x1f3: {  	_ =	strace $0x90000047  }
0x1f4: {  	s0 =	stileid.u32;
	[bflag:$0x2] =	sbarrier.arrive $0xFFFF  }
0x1f5: {  	p0 =	sne.s32 s0, $0x0;
	s0 =	rddreg [dreg:$0x3]  }
0x1f6: {  	s0 =	sadd.s32 @!p0 $0x100000, s0  }
0x1f7: {  	[sflag:s0] =	ssyncadd.tile.s32 @!p0 $0x1;
	_ =	shalt  }
.Lfunc_end2:
_tile_overlayer_lowered:
.L_overlay_start_2:
0x1f8: {  	(tag) =	ssettag $0x2  }
0x1f9: {  	s0 =	rddreg [dreg:$0x0];
	s2 =	stileid.u32  }
0x1fa: {  	s1 =	rddreg [dreg:$0x1];
	p0 =	sne.s32 s2, $0x0  }
0x1fb: {  	s3 =	rddreg [dreg:$0x2];
	[bflag:$0x3] =	sbarrier.arrive $0xFFFF;
	s2 =	simm.s32 @!p0 $0x1C04  }
0x1fc: {  	[timem:s3], [sflag:s2] =	dma.local @!p0 [hbm:s0], s1  }
0x1fd: {  	s0 =	simm.s32 @!p0 $0x4  }
0x1fe: {  	_ =	swait.ge @!p0 [sflag:s0], s1  }
0x1ff: {  	s1 =	ssub.s32 @!p0 $0x0, s1;
	[sflag:s0] =	ssyncset.done @!p0 $0x0  }
0x200: {  	[sflag:s0] =	ssyncadd.s32 @!p0 s1  }
0x201: {  	[bflag:$0x3] =	sbarrier.arrive $0xFFFF  }
0x202: {  	_ =	shalt  }

</sc_bundles>
